<compile_context>
chip_gen: v7x
topology: tpu7x:2x2x1
jax: 0.10.2.dev20260603
libtpu: 0.0.44.dev20260713+nightly
codegen_flags: <defaults>
</compile_context>

<pallas_src>
import functools

import jax
import jax.numpy as jnp
from jax import lax
from jax.experimental import pallas as pl
from jax.experimental.pallas import tpu as pltpu
from jax.experimental.pallas import tpu_sc as plsc

W_NUM = 100000
E_NUM = 1000000
D = 64
L2 = 1e-06
B = 16384
QL = 20
K = 5

NC, NS = 2, 16
NWK = NC * NS
CH = 512


def _sc_gather_all(entity_emb, word_emb, bias16,
                   users, items, negi, qwf, rw, nrw, rwb, nrwb):
    mesh = plsc.VectorSubcoreMesh(core_axis_name="c", subcore_axis_name="s",
                                  num_cores=NC, num_subcores=NS)
    out_type = (
        jax.ShapeDtypeStruct((B, D), jnp.float32),
        jax.ShapeDtypeStruct((B, D), jnp.float32),
        jax.ShapeDtypeStruct((B * K, D), jnp.float32),
        jax.ShapeDtypeStruct((B, D), jnp.float32),
        jax.ShapeDtypeStruct((B, D), jnp.float32),
        jax.ShapeDtypeStruct((B * K, D), jnp.float32),
        jax.ShapeDtypeStruct((B, 16), jnp.float32),
        jax.ShapeDtypeStruct((B * K, 16), jnp.float32),
    )
    QC = 32
    QROWS = QC * QL

    @functools.partial(
        pl.kernel, mesh=mesh, out_type=out_type,
        compiler_params=pltpu.CompilerParams(use_tc_tiling_on_sc=False),
        scratch_types=[
            pltpu.VMEM((CH,), jnp.int32),
            pltpu.VMEM((CH, D), jnp.float32),
            pltpu.VMEM((CH, 16), jnp.float32),
            pltpu.VMEM((QROWS,), jnp.int32),
            pltpu.VMEM((QROWS, D), jnp.float32),
            pltpu.VMEM((QC, D), jnp.float32),
            pltpu.SemaphoreType.DMA,
        ],
    )
    def k(ent_h, wrd_h, b16_h,
          i_users, i_items, i_negi, i_qw, i_rw, i_nrw, i_rwb, i_nrwb,
          o_user, o_item, o_nie, o_qsum, o_we, o_nwe, o_wb, o_nwb,
          idx_v, rows_v, brows_v, qidx_v, qrows_v, qsum_v, sem):
        wid = lax.axis_index("s") * NC + lax.axis_index("c")
        groups = [
            (ent_h, i_users, o_user, rows_v),
            (ent_h, i_items, o_item, rows_v),
            (ent_h, i_negi, o_nie, rows_v),
            (wrd_h, i_rw, o_we, rows_v),
            (wrd_h, i_nrw, o_nwe, rows_v),
            (b16_h, i_rwb, o_wb, brows_v),
            (b16_h, i_nrwb, o_nwb, brows_v),
        ]
        for tab, idxa, outa, rv in groups:
            n_w = idxa.shape[0] // NWK
            nch = n_w // CH
            base = wid * n_w

            def chunk(c, carry, tab=tab, idxa=idxa, outa=outa, rv=rv,
                      base=base):
                off = base + c * CH
                pltpu.sync_copy(idxa.at[pl.ds(off, CH)], idx_v)
                pltpu.async_copy(tab.at[idx_v], rv, sem).wait()
                pltpu.sync_copy(rv, outa.at[pl.ds(off, CH)])
                return carry

            lax.fori_loop(0, nch, chunk, 0)

        spw = B // NWK
        sbase = wid * spw

        def qchunk(c, carry):
            soff = sbase + c * QC
            pltpu.sync_copy(i_qw.at[pl.ds(soff * QL, QROWS)], qidx_v)
            pltpu.async_copy(wrd_h.at[qidx_v], qrows_v, sem).wait()

            def sample(s, carry2):
                accs = [jnp.zeros((16,), jnp.float32) for _ in range(D // 16)]
                for j in range(QL):
                    for v in range(D // 16):
                        accs[v] = accs[v] + qrows_v[s * QL + j,
                                                    pl.ds(v * 16, 16)]
                for v in range(D // 16):
                    qsum_v[s, pl.ds(v * 16, 16)] = accs[v]
                return carry2

            lax.fori_loop(0, QC, sample, 0)
            pltpu.sync_copy(qsum_v, o_qsum.at[pl.ds(soff, QC)])
            return carry

        lax.fori_loop(0, spw // QC, qchunk, 0)

    return k(entity_emb, word_emb, bias16,
             users, items, negi, qwf, rw, nrw, rwb, nrwb)


def _sc_norms(entity_emb, word_emb):
    mesh = plsc.VectorSubcoreMesh(core_axis_name="c", subcore_axis_name="s",
                                  num_cores=NC, num_subcores=NS)
    out_type = (
        jax.ShapeDtypeStruct((NWK, 16), jnp.float32),
        jax.ShapeDtypeStruct((NWK, 16), jnp.float32),
    )
    NCH = 250

    @functools.partial(
        pl.kernel, mesh=mesh, out_type=out_type,
        compiler_params=pltpu.CompilerParams(use_tc_tiling_on_sc=False),
        scratch_types=[
            pltpu.VMEM((NCH, D), jnp.float32),
            pltpu.VMEM((NCH, D), jnp.float32),
            pltpu.VMEM((16,), jnp.float32),
            pltpu.SemaphoreType.DMA,
            pltpu.SemaphoreType.DMA,
        ],
    )
    def k(ent_h, wrd_h, o_wssq, o_essq, nbuf0, nbuf1, nacc_v, nsem0, nsem1):
        wid = lax.axis_index("s") * NC + lax.axis_index("c")

        def table_ssq(tab, out_row, cn):
            rows = tab.shape[0] // NWK
            nch = rows // cn
            tbase = wid * rows
            zero4 = tuple(jnp.zeros((16,), jnp.float32) for _ in range(4))

            def reduce_buf(buf, accs):
                def row(r, a):
                    res = []
                    for v in range(D // 16):
                        x = buf[r, pl.ds(v * 16, 16)]
                        res.append(a[v] + x * x)
                    return tuple(res)
                return lax.fori_loop(0, cn, row, accs)

            def pair(p, accs):
                d0 = pltpu.async_copy(
                    tab.at[pl.ds(tbase + (2 * p) * cn, cn)],
                    nbuf0.at[pl.ds(0, cn)], nsem0)
                d1 = pltpu.async_copy(
                    tab.at[pl.ds(tbase + (2 * p + 1) * cn, cn)],
                    nbuf1.at[pl.ds(0, cn)], nsem1)
                d0.wait()
                accs = reduce_buf(nbuf0, accs)
                d1.wait()
                accs = reduce_buf(nbuf1, accs)
                return accs

            accs = lax.fori_loop(0, nch // 2, pair, zero4)
            if nch % 2:
                pltpu.sync_copy(tab.at[pl.ds(tbase + (nch - 1) * cn, cn)],
                                nbuf0.at[pl.ds(0, cn)])
                accs = reduce_buf(nbuf0, accs)
            nacc_v[...] = accs[0] + accs[1] + accs[2] + accs[3]
            pltpu.sync_copy(nacc_v, out_row)

        table_ssq(wrd_h, o_wssq.at[wid], 125)
        table_ssq(ent_h, o_essq.at[wid], NCH)

    return k(entity_emb, word_emb)


def _log_sigmoid(x):
    return jnp.minimum(x, 0.0) - jnp.log1p(jnp.exp(-jnp.abs(x)))


def _loss_partials(user_e, item_e, qsum, nie, w_e, nw_e, wb16, nwb16,
                   rwmod, nrwmod, WqT, bq, pf):
    G = 32
    S = B // G

    def body(u_ref, it_ref, q_ref, nie_ref, we_ref, nwe_ref, wb_ref, nwb_ref,
             rwm_ref, nrwm_ref, wqt_ref, bq_ref, pf_ref,
             s1_ref, s2_ref, ns_ref, nw_ref, wbo_ref):
        i = pl.program_id(0)
        u = u_ref[...]
        it = it_ref[...]
        qmean = q_ref[...] * (1.0 / QL)
        q = jnp.tanh(jnp.dot(qmean, wqt_ref[...],
                             preferred_element_type=jnp.float32) + bq_ref[...])
        pf = pf_ref[0, 0]
        pm = pf * q + (1.0 - pf) * u

        s1p = jnp.sum(it * pm)
        nid = jnp.sum(nie_ref[...].reshape(S, K, D) * pm[:, None, :], axis=2)
        nsp = jnp.sum(-_log_sigmoid(-nid))

        s2p = jnp.sum(we_ref[...] * it)
        nwd = jnp.sum(nwe_ref[...].reshape(S, K, D) * it[:, None, :], axis=2)

        lanes = lax.broadcasted_iota(jnp.int32, (S * K, 16), 1)
        nwb = jnp.sum(jnp.where(lanes == nrwm_ref[0, 0, :][:, None],
                                nwb_ref[...], 0.0), axis=1).reshape(S, K)
        nwp = jnp.sum(-_log_sigmoid(-nwd - nwb))

        lanes2 = lax.broadcasted_iota(jnp.int32, (S, 16), 1)
        wb = jnp.sum(jnp.where(lanes2 == rwm_ref[0, 0, :][:, None],
                               wb_ref[...], 0.0), axis=1)
        wbo_ref[...] = wb.reshape(1, 1, S)

        @pl.when(i == 0)
        def _():
            s1_ref[...] = jnp.zeros_like(s1_ref)
            s2_ref[...] = jnp.zeros_like(s2_ref)
            ns_ref[...] = jnp.zeros_like(ns_ref)
            nw_ref[...] = jnp.zeros_like(nw_ref)

        s1_ref[...] += s1p.reshape(1, 1)
        s2_ref[...] += s2p.reshape(1, 1)
        ns_ref[...] += nsp.reshape(1, 1)
        nw_ref[...] += nwp.reshape(1, 1)

    return pl.pallas_call(
        body,
        grid=(G,),
        in_specs=[
            pl.BlockSpec((S, D), lambda i: (i, 0)),
            pl.BlockSpec((S, D), lambda i: (i, 0)),
            pl.BlockSpec((S, D), lambda i: (i, 0)),
            pl.BlockSpec((S * K, D), lambda i: (i, 0)),
            pl.BlockSpec((S, D), lambda i: (i, 0)),
            pl.BlockSpec((S * K, D), lambda i: (i, 0)),
            pl.BlockSpec((S, 16), lambda i: (i, 0)),
            pl.BlockSpec((S * K, 16), lambda i: (i, 0)),
            pl.BlockSpec((1, 1, S), lambda i: (i, 0, 0)),
            pl.BlockSpec((1, 1, S * K), lambda i: (i, 0, 0)),
            pl.BlockSpec((D, D), lambda i: (0, 0)),
            pl.BlockSpec((1, D), lambda i: (0, 0)),
            pl.BlockSpec((1, 1), lambda i: (0, 0)),
        ],
        out_specs=[
            pl.BlockSpec((1, 1), lambda i: (0, 0)),
            pl.BlockSpec((1, 1), lambda i: (0, 0)),
            pl.BlockSpec((1, 1), lambda i: (0, 0)),
            pl.BlockSpec((1, 1), lambda i: (0, 0)),
            pl.BlockSpec((1, 1, S), lambda i: (i, 0, 0)),
        ],
        out_shape=[
            jax.ShapeDtypeStruct((1, 1), jnp.float32),
            jax.ShapeDtypeStruct((1, 1), jnp.float32),
            jax.ShapeDtypeStruct((1, 1), jnp.float32),
            jax.ShapeDtypeStruct((1, 1), jnp.float32),
            jax.ShapeDtypeStruct((G, 1, S), jnp.float32),
        ],
    )(user_e, item_e, qsum, nie, w_e, nw_e, wb16, nwb16, rwmod, nrwmod,
      WqT, bq, pf)


def _final_combine(s1, s2, ns, nw, wssq, essq, wb2d):
    def body(s1_ref, s2_ref, ns_ref, nw_ref, ssw_ref, sse_ref, wb_ref, o_ref):
        s2 = s2_ref[0, 0]
        pos_mean = jnp.mean(-_log_sigmoid(s2 + wb_ref[...]))
        search = -_log_sigmoid(s1_ref[0, 0]) + ns_ref[0, 0]
        reg = L2 * (jnp.sqrt(jnp.sum(ssw_ref[...])) +
                    jnp.sqrt(jnp.sum(sse_ref[...])))
        o_ref[...] = (pos_mean + nw_ref[0, 0] / B + search + reg).reshape(1, 1)

    return pl.pallas_call(
        body,
        out_shape=jax.ShapeDtypeStruct((1, 1), jnp.float32),
    )(s1, s2, ns, nw, wssq, essq, wb2d)


def kernel(users, items, query_words, review_words, neg_items,
           neg_review_words, word_emb, word_bias, entity_emb, Wq, bq, pf):
    users = users.astype(jnp.int32)
    items = items.astype(jnp.int32)
    qwf = query_words.astype(jnp.int32).reshape(-1)
    rw = review_words.astype(jnp.int32)
    nrw = neg_review_words.astype(jnp.int32).reshape(-1)
    negi = neg_items.astype(jnp.int32).reshape(-1)

    bias16 = word_bias.reshape(W_NUM // 16, 16)
    rwb = rw // 16
    nrwb = nrw // 16
    rwmod = (rw % 16).reshape(32, 1, B // 32)
    nrwmod = (nrw % 16).reshape(32, 1, (B * K) // 32)

    (user_e, item_e, nie, qsum, w_e, nw_e, wb16, nwb16) = (
        _sc_gather_all(entity_emb, word_emb, bias16, users, items, negi,
                       qwf, rw, nrw, rwb, nrwb))
    wssq, essq = _sc_norms(entity_emb, word_emb)

    s1, s2, ns, nw, wbo = _loss_partials(
        user_e, item_e, qsum, nie, w_e, nw_e, wb16, nwb16, rwmod, nrwmod,
        Wq.T, bq.reshape(1, D), pf.reshape(1, 1))

    out = _final_combine(s1, s2, ns, nw, wssq, essq, wbo.reshape(128, 128))
    return out.reshape(())

# --- scband reference (transcript-rebuilt; emitter-appended) ---
"""Pipeline reference for scband-model-33543694581909 (READ-ONLY COPY).

The authoritative reference and input builder live on the scoring server;
editing this copy changes nothing except your own understanding.
"""

import jax, jax.numpy as jnp
import numpy as np

W_NUM = 100000
E_NUM = 1000000
D = 64
L2 = 1e-06
B = 16384
QL = 20
K = 5


def setup_inputs(seed: int = 0) -> dict:
    key = jax.random.key(seed)
    ks = jax.random.split(key, 10)
    users = jax.random.randint(ks[0], (B,), 0, E_NUM, dtype=jnp.int64 if jax.config.jax_enable_x64 else jnp.int32)
    items = jax.random.randint(ks[1], (B,), 0, E_NUM)
    query_words = jax.random.randint(ks[2], (B, QL), 0, W_NUM)
    review_words = jax.random.randint(ks[3], (B,), 0, W_NUM)
    neg_items = jax.random.randint(ks[4], (B, K), 0, E_NUM)
    neg_review_words = jax.random.randint(ks[5], (B, K), 0, W_NUM)
    # Learned parameters (per reset_parameters semantics, with small random entity table
    # instead of exact zeros so gradients/outputs are nontrivial)
    word_emb = jax.random.normal(ks[6], (W_NUM, D), dtype=jnp.float32) * 0.1
    word_emb = word_emb.at[0].set(0.0)  # padding_idx = 0
    word_bias = jnp.zeros((W_NUM, 1), dtype=jnp.float32)
    entity_emb = jax.random.normal(ks[7], (E_NUM, D), dtype=jnp.float32) * 0.01
    Wq = jax.random.normal(ks[8], (D, D), dtype=jnp.float32) * (2.0 / (D + D)) ** 0.5
    bq = jax.random.uniform(ks[9], (D,), minval=0.0, maxval=0.1, dtype=jnp.float32)
    pf = jnp.array([0.5], dtype=jnp.float32)  # personalized_factor
    return dict(users=users, items=items, query_words=query_words,
                review_words=review_words, neg_items=neg_items,
                neg_review_words=neg_review_words, word_emb=word_emb,
                word_bias=word_bias, entity_emb=entity_emb, Wq=Wq, bq=bq, pf=pf)


def reference(users, items, query_words, review_words, neg_items, neg_review_words,
              word_emb, word_bias, entity_emb, Wq, bq, pf):
    # mode == 'train' path of the torch module
    ls = jax.nn.log_sigmoid
    user_e = jnp.take(entity_emb, users, axis=0)            # (B, D)
    item_e = jnp.take(entity_emb, items, axis=0)            # (B, D)
    q = jnp.mean(jnp.take(word_emb, query_words, axis=0), axis=1)  # (B, D)
    q = jnp.tanh(q @ Wq.T + bq)                             # query_projection + tanh
    # search_loss
    neg_item_e = jnp.take(entity_emb, neg_items, axis=0)    # (B, K, D)
    pm = pf * q + (1.0 - pf) * user_e                       # (B, D)
    pos_s = -ls(jnp.sum(item_e * pm))                       # scalar (faithful: global sum)
    neg_s = -jnp.sum(ls(-jnp.einsum('bke,be->bk', neg_item_e, pm)))
    search_loss = pos_s + neg_s                             # scalar
    # nce_loss(review_words, neg_review_words, items)
    w_e = jnp.take(word_emb, review_words, axis=0)          # (B, D)
    w_b = jnp.take(word_bias, review_words, axis=0)[:, 0]   # (B,)
    nw_e = jnp.take(word_emb, neg_review_words, axis=0)     # (B, K, D)
    nw_b = jnp.take(word_bias, neg_review_words, axis=0)[:, :, 0]  # (B, K)
    pos = -ls(jnp.sum(w_e * item_e) + w_b)                  # (B,) (faithful: global sum + bias)
    neg = -jnp.sum(ls(-jnp.einsum('bke,be->bk', nw_e, item_e) - nw_b), axis=1)  # (B,)
    item_word_loss = pos + neg                              # (B,)
    # regularization
    reg = L2 * (jnp.linalg.norm(word_emb) + jnp.linalg.norm(entity_emb))
    return jnp.mean(item_word_loss + search_loss) + reg

if __name__ == "__main__":
    import jax
    _d = setup_inputs()
    print(jax.jit(kernel)(*tuple(_d.values())))

</pallas_src>

<mosaic_0001>
#map = affine_map<(d0, d1) -> (0, 0)>
#map1 = affine_map<(d0, d1) -> (0)>
module attributes {stable_mosaic.version = 14 : i64} {
  func.func @k(%arg0: i32, %arg1: i32, %arg2: memref<1000000x64xf32, #tpu.memory_space<hbm>>, %arg3: memref<100000x64xf32, #tpu.memory_space<hbm>>, %arg4: memref<6250x16xf32, #tpu.memory_space<hbm>>, %arg5: memref<16384xi32, #tpu.memory_space<hbm>>, %arg6: memref<16384xi32, #tpu.memory_space<hbm>>, %arg7: memref<81920xi32, #tpu.memory_space<hbm>>, %arg8: memref<327680xi32, #tpu.memory_space<hbm>>, %arg9: memref<16384xi32, #tpu.memory_space<hbm>>, %arg10: memref<81920xi32, #tpu.memory_space<hbm>>, %arg11: memref<16384xi32, #tpu.memory_space<hbm>>, %arg12: memref<81920xi32, #tpu.memory_space<hbm>>, %arg13: memref<16384x64xf32, #tpu.memory_space<hbm>>, %arg14: memref<16384x64xf32, #tpu.memory_space<hbm>>, %arg15: memref<81920x64xf32, #tpu.memory_space<hbm>>, %arg16: memref<16384x64xf32, #tpu.memory_space<hbm>>, %arg17: memref<16384x64xf32, #tpu.memory_space<hbm>>, %arg18: memref<81920x64xf32, #tpu.memory_space<hbm>>, %arg19: memref<16384x16xf32, #tpu.memory_space<hbm>>, %arg20: memref<81920x16xf32, #tpu.memory_space<hbm>>, %arg21: memref<512xi32, #tpu.memory_space<vmem>>, %arg22: memref<512x64xf32, #tpu.memory_space<vmem>>, %arg23: memref<512x16xf32, #tpu.memory_space<vmem>>, %arg24: memref<640xi32, #tpu.memory_space<vmem>>, %arg25: memref<640x64xf32, #tpu.memory_space<vmem>>, %arg26: memref<32x64xf32, #tpu.memory_space<vmem>>, %arg27: memref<!tpu.dma_semaphore, #tpu.memory_space<semaphore_mem>>) attributes {dimension_semantics = [#tpu.dimension_semantics<core_parallel>, #tpu.dimension_semantics<subcore_parallel>], iteration_bounds = array<i64: 2, 16>, scalar_prefetch = 0 : i64, scratch_operands = 7 : i64, tpu.core_type = #tpu.core_type<sc_vector_subcore>, window_params = [{transform_indices = #map}, {transform_indices = #map}, {transform_indices = #map}, {transform_indices = #map1}, {transform_indices = #map1}, {transform_indices = #map1}, {transform_indices = #map1}, {transform_indices = #map1}, {transform_indices = #map1}, {transform_indices = #map1}, {transform_indices = #map1}, {transform_indices = #map}, {transform_indices = #map}, {transform_indices = #map}, {transform_indices = #map}, {transform_indices = #map}, {transform_indices = #map}, {transform_indices = #map}, {transform_indices = #map}]} {
    %mul3A = arith.constant 2 : i32
    %mul3A_0 = arith.muli %arg1, %mul3A : i32
    %add3A = arith.addi %mul3A_0, %arg0 : i32
    %mul3A_1 = arith.constant 512 : i32
    %mul3A_2 = arith.muli %add3A, %mul3A_1 : i32
    %scan3A = arith.constant 0 : i32
    %scan3A_3 = arith.constant 0 : i32
    %mul3A_4 = arith.constant 512 : i32
    %mul3A_5 = arith.muli %scan3A_3, %mul3A_4 : i32
    %add3A_6 = arith.addi %mul3A_2, %mul3A_5 : i32
    "tpu.region"() ({
      %run_scoped3A = tpu.sem_alloc : memref<!tpu.dma_semaphore, #tpu.memory_space<semaphore_mem>>
      %dma_start3A_86 = tpu.memref_slice %arg5[%add3A_6] : memref<16384xi32, #tpu.memory_space<hbm>> -> memref<512xi32, #tpu.memory_space<hbm>>
      %dma_start3A_87 = tpu.memref_slice %arg5[%add3A_6] : memref<16384xi32, #tpu.memory_space<hbm>> -> memref<512xi32, #tpu.memory_space<hbm>>
      tpu.enqueue_dma source(%dma_start3A_87 : memref<512xi32, #tpu.memory_space<hbm>>) target(%arg21 : memref<512xi32, #tpu.memory_space<vmem>>) target_semaphore(%run_scoped3A : memref<!tpu.dma_semaphore, #tpu.memory_space<semaphore_mem>>)
      %dma_wait3A_88 = tpu.memref_slice %arg5[%add3A_6] : memref<16384xi32, #tpu.memory_space<hbm>> -> memref<512xi32, #tpu.memory_space<hbm>>
      %dma_wait3A_89 = tpu.memref_slice %arg5[%add3A_6] : memref<16384xi32, #tpu.memory_space<hbm>> -> memref<512xi32, #tpu.memory_space<hbm>>
      tpu.wait_dma2 semaphore(%run_scoped3A : memref<!tpu.dma_semaphore, #tpu.memory_space<semaphore_mem>>) src(%dma_wait3A_89 : memref<512xi32, #tpu.memory_space<hbm>>) dst(%arg21 : memref<512xi32, #tpu.memory_space<vmem>>)
      tpu.yield
    }) : () -> ()
    %dma_start3A = arith.constant 0 : i32
    %dma_start3A_7 = arith.constant 0 : i32
    %dma_start3A_8 = tpu.memref_slice %arg2[%dma_start3A, %dma_start3A_7] : memref<1000000x64xf32, #tpu.memory_space<hbm>> -> memref<1000000x64xf32, #tpu.memory_space<hbm>>
    tpu.enqueue_indirect_dma source(%dma_start3A_8 : memref<1000000x64xf32, #tpu.memory_space<hbm>>) target(%arg22 : memref<512x64xf32, #tpu.memory_space<vmem>>) offsets(%arg21 : memref<512xi32, #tpu.memory_space<vmem>>) semaphore(%arg27 : memref<!tpu.dma_semaphore, #tpu.memory_space<semaphore_mem>>)
    %dma_wait3A = arith.constant 0 : i32
    %dma_wait3A_9 = arith.constant 0 : i32
    %dma_wait3A_10 = tpu.memref_slice %arg2[%dma_wait3A, %dma_wait3A_9] : memref<1000000x64xf32, #tpu.memory_space<hbm>> -> memref<1000000x64xf32, #tpu.memory_space<hbm>>
    tpu.wait_indirect_dma semaphore(%arg27 : memref<!tpu.dma_semaphore, #tpu.memory_space<semaphore_mem>>) src(%dma_wait3A_10 : memref<1000000x64xf32, #tpu.memory_space<hbm>>) dst(%arg22 : memref<512x64xf32, #tpu.memory_space<vmem>>)
    "tpu.region"() ({
      %run_scoped3A = tpu.sem_alloc : memref<!tpu.dma_semaphore, #tpu.memory_space<semaphore_mem>>
      %dma_start3A_86 = arith.constant 0 : i32
      %dma_start3A_87 = tpu.memref_slice %arg13[%add3A_6, %dma_start3A_86] : memref<16384x64xf32, #tpu.memory_space<hbm>> -> memref<512x64xf32, #tpu.memory_space<hbm>>
      %dma_start3A_88 = arith.constant 0 : i32
      %dma_start3A_89 = tpu.memref_slice %arg13[%add3A_6, %dma_start3A_88] : memref<16384x64xf32, #tpu.memory_space<hbm>> -> memref<512x64xf32, #tpu.memory_space<hbm>>
      tpu.enqueue_dma source(%arg22 : memref<512x64xf32, #tpu.memory_space<vmem>>) target(%dma_start3A_89 : memref<512x64xf32, #tpu.memory_space<hbm>>) target_semaphore(%run_scoped3A : memref<!tpu.dma_semaphore, #tpu.memory_space<semaphore_mem>>)
      %dma_wait3A_90 = arith.constant 0 : i32
      %dma_wait3A_91 = tpu.memref_slice %arg13[%add3A_6, %dma_wait3A_90] : memref<16384x64xf32, #tpu.memory_space<hbm>> -> memref<512x64xf32, #tpu.memory_space<hbm>>
      %dma_wait3A_92 = arith.constant 0 : i32
      %dma_wait3A_93 = tpu.memref_slice %arg13[%add3A_6, %dma_wait3A_92] : memref<16384x64xf32, #tpu.memory_space<hbm>> -> memref<512x64xf32, #tpu.memory_space<hbm>>
      tpu.wait_dma2 semaphore(%run_scoped3A : memref<!tpu.dma_semaphore, #tpu.memory_space<semaphore_mem>>) src(%arg22 : memref<512x64xf32, #tpu.memory_space<vmem>>) dst(%dma_wait3A_93 : memref<512x64xf32, #tpu.memory_space<hbm>>)
      tpu.yield
    }) : () -> ()
    %scan3A_11 = arith.constant 1 : i32
    %mul3A_12 = arith.constant 512 : i32
    %mul3A_13 = arith.muli %add3A, %mul3A_12 : i32
    %scan3A_14 = arith.constant 0 : i32
    %scan3A_15 = arith.constant 0 : i32
    %mul3A_16 = arith.constant 512 : i32
    %mul3A_17 = arith.muli %scan3A_15, %mul3A_16 : i32
    %add3A_18 = arith.addi %mul3A_13, %mul3A_17 : i32
    "tpu.region"() ({
      %run_scoped3A = tpu.sem_alloc : memref<!tpu.dma_semaphore, #tpu.memory_space<semaphore_mem>>
      %dma_start3A_86 = tpu.memref_slice %arg6[%add3A_18] : memref<16384xi32, #tpu.memory_space<hbm>> -> memref<512xi32, #tpu.memory_space<hbm>>
      %dma_start3A_87 = tpu.memref_slice %arg6[%add3A_18] : memref<16384xi32, #tpu.memory_space<hbm>> -> memref<512xi32, #tpu.memory_space<hbm>>
      tpu.enqueue_dma source(%dma_start3A_87 : memref<512xi32, #tpu.memory_space<hbm>>) target(%arg21 : memref<512xi32, #tpu.memory_space<vmem>>) target_semaphore(%run_scoped3A : memref<!tpu.dma_semaphore, #tpu.memory_space<semaphore_mem>>)
      %dma_wait3A_88 = tpu.memref_slice %arg6[%add3A_18] : memref<16384xi32, #tpu.memory_space<hbm>> -> memref<512xi32, #tpu.memory_space<hbm>>
      %dma_wait3A_89 = tpu.memref_slice %arg6[%add3A_18] : memref<16384xi32, #tpu.memory_space<hbm>> -> memref<512xi32, #tpu.memory_space<hbm>>
      tpu.wait_dma2 semaphore(%run_scoped3A : memref<!tpu.dma_semaphore, #tpu.memory_space<semaphore_mem>>) src(%dma_wait3A_89 : memref<512xi32, #tpu.memory_space<hbm>>) dst(%arg21 : memref<512xi32, #tpu.memory_space<vmem>>)
      tpu.yield
    }) : () -> ()
    %dma_start3A_19 = arith.constant 0 : i32
    %dma_start3A_20 = arith.constant 0 : i32
    %dma_start3A_21 = tpu.memref_slice %arg2[%dma_start3A_19, %dma_start3A_20] : memref<1000000x64xf32, #tpu.memory_space<hbm>> -> memref<1000000x64xf32, #tpu.memory_space<hbm>>
    tpu.enqueue_indirect_dma source(%dma_start3A_21 : memref<1000000x64xf32, #tpu.memory_space<hbm>>) target(%arg22 : memref<512x64xf32, #tpu.memory_space<vmem>>) offsets(%arg21 : memref<512xi32, #tpu.memory_space<vmem>>) semaphore(%arg27 : memref<!tpu.dma_semaphore, #tpu.memory_space<semaphore_mem>>)
    %dma_wait3A_22 = arith.constant 0 : i32
    %dma_wait3A_23 = arith.constant 0 : i32
    %dma_wait3A_24 = tpu.memref_slice %arg2[%dma_wait3A_22, %dma_wait3A_23] : memref<1000000x64xf32, #tpu.memory_space<hbm>> -> memref<1000000x64xf32, #tpu.memory_space<hbm>>
    tpu.wait_indirect_dma semaphore(%arg27 : memref<!tpu.dma_semaphore, #tpu.memory_space<semaphore_mem>>) src(%dma_wait3A_24 : memref<1000000x64xf32, #tpu.memory_space<hbm>>) dst(%arg22 : memref<512x64xf32, #tpu.memory_space<vmem>>)
    "tpu.region"() ({
      %run_scoped3A = tpu.sem_alloc : memref<!tpu.dma_semaphore, #tpu.memory_space<semaphore_mem>>
      %dma_start3A_86 = arith.constant 0 : i32
      %dma_start3A_87 = tpu.memref_slice %arg14[%add3A_18, %dma_start3A_86] : memref<16384x64xf32, #tpu.memory_space<hbm>> -> memref<512x64xf32, #tpu.memory_space<hbm>>
      %dma_start3A_88 = arith.constant 0 : i32
      %dma_start3A_89 = tpu.memref_slice %arg14[%add3A_18, %dma_start3A_88] : memref<16384x64xf32, #tpu.memory_space<hbm>> -> memref<512x64xf32, #tpu.memory_space<hbm>>
      tpu.enqueue_dma source(%arg22 : memref<512x64xf32, #tpu.memory_space<vmem>>) target(%dma_start3A_89 : memref<512x64xf32, #tpu.memory_space<hbm>>) target_semaphore(%run_scoped3A : memref<!tpu.dma_semaphore, #tpu.memory_space<semaphore_mem>>)
      %dma_wait3A_90 = arith.constant 0 : i32
      %dma_wait3A_91 = tpu.memref_slice %arg14[%add3A_18, %dma_wait3A_90] : memref<16384x64xf32, #tpu.memory_space<hbm>> -> memref<512x64xf32, #tpu.memory_space<hbm>>
      %dma_wait3A_92 = arith.constant 0 : i32
      %dma_wait3A_93 = tpu.memref_slice %arg14[%add3A_18, %dma_wait3A_92] : memref<16384x64xf32, #tpu.memory_space<hbm>> -> memref<512x64xf32, #tpu.memory_space<hbm>>
      tpu.wait_dma2 semaphore(%run_scoped3A : memref<!tpu.dma_semaphore, #tpu.memory_space<semaphore_mem>>) src(%arg22 : memref<512x64xf32, #tpu.memory_space<vmem>>) dst(%dma_wait3A_93 : memref<512x64xf32, #tpu.memory_space<hbm>>)
      tpu.yield
    }) : () -> ()
    %scan3A_25 = arith.constant 1 : i32
    %mul3A_26 = arith.constant 2560 : i32
    %mul3A_27 = arith.muli %add3A, %mul3A_26 : i32
    %scan3A_28 = arith.constant 0 : i32
    %scan3A_29 = arith.constant 0 : i32
    %scan3A_30 = arith.constant 5 : i32
    %scan3A_31 = arith.addi %scan3A_29, %scan3A_30 : i32
    %scan3A_32 = arith.constant 1 : i32
    scf.for %scan3A_86 = %scan3A_29 to %scan3A_31 step %scan3A_32  : i32 {
      %mul3A_87 = arith.constant 512 : i32
      %mul3A_88 = arith.muli %scan3A_86, %mul3A_87 : i32
      %add3A_89 = arith.addi %mul3A_27, %mul3A_88 : i32
      "tpu.region"() ({
        %run_scoped3A = tpu.sem_alloc : memref<!tpu.dma_semaphore, #tpu.memory_space<semaphore_mem>>
        %dma_start3A_96 = tpu.memref_slice %arg7[%add3A_89] : memref<81920xi32, #tpu.memory_space<hbm>> -> memref<512xi32, #tpu.memory_space<hbm>>
        %dma_start3A_97 = tpu.memref_slice %arg7[%add3A_89] : memref<81920xi32, #tpu.memory_space<hbm>> -> memref<512xi32, #tpu.memory_space<hbm>>
        tpu.enqueue_dma source(%dma_start3A_97 : memref<512xi32, #tpu.memory_space<hbm>>) target(%arg21 : memref<512xi32, #tpu.memory_space<vmem>>) target_semaphore(%run_scoped3A : memref<!tpu.dma_semaphore, #tpu.memory_space<semaphore_mem>>)
        %dma_wait3A_98 = tpu.memref_slice %arg7[%add3A_89] : memref<81920xi32, #tpu.memory_space<hbm>> -> memref<512xi32, #tpu.memory_space<hbm>>
        %dma_wait3A_99 = tpu.memref_slice %arg7[%add3A_89] : memref<81920xi32, #tpu.memory_space<hbm>> -> memref<512xi32, #tpu.memory_space<hbm>>
        tpu.wait_dma2 semaphore(%run_scoped3A : memref<!tpu.dma_semaphore, #tpu.memory_space<semaphore_mem>>) src(%dma_wait3A_99 : memref<512xi32, #tpu.memory_space<hbm>>) dst(%arg21 : memref<512xi32, #tpu.memory_space<vmem>>)
        tpu.yield
      }) : () -> ()
      %dma_start3A_90 = arith.constant 0 : i32
      %dma_start3A_91 = arith.constant 0 : i32
      %dma_start3A_92 = tpu.memref_slice %arg2[%dma_start3A_90, %dma_start3A_91] : memref<1000000x64xf32, #tpu.memory_space<hbm>> -> memref<1000000x64xf32, #tpu.memory_space<hbm>>
      tpu.enqueue_indirect_dma source(%dma_start3A_92 : memref<1000000x64xf32, #tpu.memory_space<hbm>>) target(%arg22 : memref<512x64xf32, #tpu.memory_space<vmem>>) offsets(%arg21 : memref<512xi32, #tpu.memory_space<vmem>>) semaphore(%arg27 : memref<!tpu.dma_semaphore, #tpu.memory_space<semaphore_mem>>)
      %dma_wait3A_93 = arith.constant 0 : i32
      %dma_wait3A_94 = arith.constant 0 : i32
      %dma_wait3A_95 = tpu.memref_slice %arg2[%dma_wait3A_93, %dma_wait3A_94] : memref<1000000x64xf32, #tpu.memory_space<hbm>> -> memref<1000000x64xf32, #tpu.memory_space<hbm>>
      tpu.wait_indirect_dma semaphore(%arg27 : memref<!tpu.dma_semaphore, #tpu.memory_space<semaphore_mem>>) src(%dma_wait3A_95 : memref<1000000x64xf32, #tpu.memory_space<hbm>>) dst(%arg22 : memref<512x64xf32, #tpu.memory_space<vmem>>)
      "tpu.region"() ({
        %run_scoped3A = tpu.sem_alloc : memref<!tpu.dma_semaphore, #tpu.memory_space<semaphore_mem>>
        %dma_start3A_96 = arith.constant 0 : i32
        %dma_start3A_97 = tpu.memref_slice %arg15[%add3A_89, %dma_start3A_96] : memref<81920x64xf32, #tpu.memory_space<hbm>> -> memref<512x64xf32, #tpu.memory_space<hbm>>
        %dma_start3A_98 = arith.constant 0 : i32
        %dma_start3A_99 = tpu.memref_slice %arg15[%add3A_89, %dma_start3A_98] : memref<81920x64xf32, #tpu.memory_space<hbm>> -> memref<512x64xf32, #tpu.memory_space<hbm>>
        tpu.enqueue_dma source(%arg22 : memref<512x64xf32, #tpu.memory_space<vmem>>) target(%dma_start3A_99 : memref<512x64xf32, #tpu.memory_space<hbm>>) target_semaphore(%run_scoped3A : memref<!tpu.dma_semaphore, #tpu.memory_space<semaphore_mem>>)
        %dma_wait3A_100 = arith.constant 0 : i32
        %dma_wait3A_101 = tpu.memref_slice %arg15[%add3A_89, %dma_wait3A_100] : memref<81920x64xf32, #tpu.memory_space<hbm>> -> memref<512x64xf32, #tpu.memory_space<hbm>>
        %dma_wait3A_102 = arith.constant 0 : i32
        %dma_wait3A_103 = tpu.memref_slice %arg15[%add3A_89, %dma_wait3A_102] : memref<81920x64xf32, #tpu.memory_space<hbm>> -> memref<512x64xf32, #tpu.memory_space<hbm>>
        tpu.wait_dma2 semaphore(%run_scoped3A : memref<!tpu.dma_semaphore, #tpu.memory_space<semaphore_mem>>) src(%arg22 : memref<512x64xf32, #tpu.memory_space<vmem>>) dst(%dma_wait3A_103 : memref<512x64xf32, #tpu.memory_space<hbm>>)
        tpu.yield
      }) : () -> ()
    }
    %scan3A_33 = arith.constant 5 : i32
    %mul3A_34 = arith.constant 512 : i32
    %mul3A_35 = arith.muli %add3A, %mul3A_34 : i32
    %scan3A_36 = arith.constant 0 : i32
    %scan3A_37 = arith.constant 0 : i32
    %mul3A_38 = arith.constant 512 : i32
    %mul3A_39 = arith.muli %scan3A_37, %mul3A_38 : i32
    %add3A_40 = arith.addi %mul3A_35, %mul3A_39 : i32
    "tpu.region"() ({
      %run_scoped3A = tpu.sem_alloc : memref<!tpu.dma_semaphore, #tpu.memory_space<semaphore_mem>>
      %dma_start3A_86 = tpu.memref_slice %arg9[%add3A_40] : memref<16384xi32, #tpu.memory_space<hbm>> -> memref<512xi32, #tpu.memory_space<hbm>>
      %dma_start3A_87 = tpu.memref_slice %arg9[%add3A_40] : memref<16384xi32, #tpu.memory_space<hbm>> -> memref<512xi32, #tpu.memory_space<hbm>>
      tpu.enqueue_dma source(%dma_start3A_87 : memref<512xi32, #tpu.memory_space<hbm>>) target(%arg21 : memref<512xi32, #tpu.memory_space<vmem>>) target_semaphore(%run_scoped3A : memref<!tpu.dma_semaphore, #tpu.memory_space<semaphore_mem>>)
      %dma_wait3A_88 = tpu.memref_slice %arg9[%add3A_40] : memref<16384xi32, #tpu.memory_space<hbm>> -> memref<512xi32, #tpu.memory_space<hbm>>
      %dma_wait3A_89 = tpu.memref_slice %arg9[%add3A_40] : memref<16384xi32, #tpu.memory_space<hbm>> -> memref<512xi32, #tpu.memory_space<hbm>>
      tpu.wait_dma2 semaphore(%run_scoped3A : memref<!tpu.dma_semaphore, #tpu.memory_space<semaphore_mem>>) src(%dma_wait3A_89 : memref<512xi32, #tpu.memory_space<hbm>>) dst(%arg21 : memref<512xi32, #tpu.memory_space<vmem>>)
      tpu.yield
    }) : () -> ()
    %dma_start3A_41 = arith.constant 0 : i32
    %dma_start3A_42 = arith.constant 0 : i32
    %dma_start3A_43 = tpu.memref_slice %arg3[%dma_start3A_41, %dma_start3A_42] : memref<100000x64xf32, #tpu.memory_space<hbm>> -> memref<100000x64xf32, #tpu.memory_space<hbm>>
    tpu.enqueue_indirect_dma source(%dma_start3A_43 : memref<100000x64xf32, #tpu.memory_space<hbm>>) target(%arg22 : memref<512x64xf32, #tpu.memory_space<vmem>>) offsets(%arg21 : memref<512xi32, #tpu.memory_space<vmem>>) semaphore(%arg27 : memref<!tpu.dma_semaphore, #tpu.memory_space<semaphore_mem>>)
    %dma_wait3A_44 = arith.constant 0 : i32
    %dma_wait3A_45 = arith.constant 0 : i32
    %dma_wait3A_46 = tpu.memref_slice %arg3[%dma_wait3A_44, %dma_wait3A_45] : memref<100000x64xf32, #tpu.memory_space<hbm>> -> memref<100000x64xf32, #tpu.memory_space<hbm>>
    tpu.wait_indirect_dma semaphore(%arg27 : memref<!tpu.dma_semaphore, #tpu.memory_space<semaphore_mem>>) src(%dma_wait3A_46 : memref<100000x64xf32, #tpu.memory_space<hbm>>) dst(%arg22 : memref<512x64xf32, #tpu.memory_space<vmem>>)
    "tpu.region"() ({
      %run_scoped3A = tpu.sem_alloc : memref<!tpu.dma_semaphore, #tpu.memory_space<semaphore_mem>>
      %dma_start3A_86 = arith.constant 0 : i32
      %dma_start3A_87 = tpu.memref_slice %arg17[%add3A_40, %dma_start3A_86] : memref<16384x64xf32, #tpu.memory_space<hbm>> -> memref<512x64xf32, #tpu.memory_space<hbm>>
      %dma_start3A_88 = arith.constant 0 : i32
      %dma_start3A_89 = tpu.memref_slice %arg17[%add3A_40, %dma_start3A_88] : memref<16384x64xf32, #tpu.memory_space<hbm>> -> memref<512x64xf32, #tpu.memory_space<hbm>>
      tpu.enqueue_dma source(%arg22 : memref<512x64xf32, #tpu.memory_space<vmem>>) target(%dma_start3A_89 : memref<512x64xf32, #tpu.memory_space<hbm>>) target_semaphore(%run_scoped3A : memref<!tpu.dma_semaphore, #tpu.memory_space<semaphore_mem>>)
      %dma_wait3A_90 = arith.constant 0 : i32
      %dma_wait3A_91 = tpu.memref_slice %arg17[%add3A_40, %dma_wait3A_90] : memref<16384x64xf32, #tpu.memory_space<hbm>> -> memref<512x64xf32, #tpu.memory_space<hbm>>
      %dma_wait3A_92 = arith.constant 0 : i32
      %dma_wait3A_93 = tpu.memref_slice %arg17[%add3A_40, %dma_wait3A_92] : memref<16384x64xf32, #tpu.memory_space<hbm>> -> memref<512x64xf32, #tpu.memory_space<hbm>>
      tpu.wait_dma2 semaphore(%run_scoped3A : memref<!tpu.dma_semaphore, #tpu.memory_space<semaphore_mem>>) src(%arg22 : memref<512x64xf32, #tpu.memory_space<vmem>>) dst(%dma_wait3A_93 : memref<512x64xf32, #tpu.memory_space<hbm>>)
      tpu.yield
    }) : () -> ()
    %scan3A_47 = arith.constant 1 : i32
    %mul3A_48 = arith.constant 2560 : i32
    %mul3A_49 = arith.muli %add3A, %mul3A_48 : i32
    %scan3A_50 = arith.constant 0 : i32
    %scan3A_51 = arith.constant 0 : i32
    %scan3A_52 = arith.constant 5 : i32
    %scan3A_53 = arith.addi %scan3A_51, %scan3A_52 : i32
    %scan3A_54 = arith.constant 1 : i32
    scf.for %scan3A_86 = %scan3A_51 to %scan3A_53 step %scan3A_54  : i32 {
      %mul3A_87 = arith.constant 512 : i32
      %mul3A_88 = arith.muli %scan3A_86, %mul3A_87 : i32
      %add3A_89 = arith.addi %mul3A_49, %mul3A_88 : i32
      "tpu.region"() ({
        %run_scoped3A = tpu.sem_alloc : memref<!tpu.dma_semaphore, #tpu.memory_space<semaphore_mem>>
        %dma_start3A_96 = tpu.memref_slice %arg10[%add3A_89] : memref<81920xi32, #tpu.memory_space<hbm>> -> memref<512xi32, #tpu.memory_space<hbm>>
        %dma_start3A_97 = tpu.memref_slice %arg10[%add3A_89] : memref<81920xi32, #tpu.memory_space<hbm>> -> memref<512xi32, #tpu.memory_space<hbm>>
        tpu.enqueue_dma source(%dma_start3A_97 : memref<512xi32, #tpu.memory_space<hbm>>) target(%arg21 : memref<512xi32, #tpu.memory_space<vmem>>) target_semaphore(%run_scoped3A : memref<!tpu.dma_semaphore, #tpu.memory_space<semaphore_mem>>)
        %dma_wait3A_98 = tpu.memref_slice %arg10[%add3A_89] : memref<81920xi32, #tpu.memory_space<hbm>> -> memref<512xi32, #tpu.memory_space<hbm>>
        %dma_wait3A_99 = tpu.memref_slice %arg10[%add3A_89] : memref<81920xi32, #tpu.memory_space<hbm>> -> memref<512xi32, #tpu.memory_space<hbm>>
        tpu.wait_dma2 semaphore(%run_scoped3A : memref<!tpu.dma_semaphore, #tpu.memory_space<semaphore_mem>>) src(%dma_wait3A_99 : memref<512xi32, #tpu.memory_space<hbm>>) dst(%arg21 : memref<512xi32, #tpu.memory_space<vmem>>)
        tpu.yield
      }) : () -> ()
      %dma_start3A_90 = arith.constant 0 : i32
      %dma_start3A_91 = arith.constant 0 : i32
      %dma_start3A_92 = tpu.memref_slice %arg3[%dma_start3A_90, %dma_start3A_91] : memref<100000x64xf32, #tpu.memory_space<hbm>> -> memref<100000x64xf32, #tpu.memory_space<hbm>>
      tpu.enqueue_indirect_dma source(%dma_start3A_92 : memref<100000x64xf32, #tpu.memory_space<hbm>>) target(%arg22 : memref<512x64xf32, #tpu.memory_space<vmem>>) offsets(%arg21 : memref<512xi32, #tpu.memory_space<vmem>>) semaphore(%arg27 : memref<!tpu.dma_semaphore, #tpu.memory_space<semaphore_mem>>)
      %dma_wait3A_93 = arith.constant 0 : i32
      %dma_wait3A_94 = arith.constant 0 : i32
      %dma_wait3A_95 = tpu.memref_slice %arg3[%dma_wait3A_93, %dma_wait3A_94] : memref<100000x64xf32, #tpu.memory_space<hbm>> -> memref<100000x64xf32, #tpu.memory_space<hbm>>
      tpu.wait_indirect_dma semaphore(%arg27 : memref<!tpu.dma_semaphore, #tpu.memory_space<semaphore_mem>>) src(%dma_wait3A_95 : memref<100000x64xf32, #tpu.memory_space<hbm>>) dst(%arg22 : memref<512x64xf32, #tpu.memory_space<vmem>>)
      "tpu.region"() ({
        %run_scoped3A = tpu.sem_alloc : memref<!tpu.dma_semaphore, #tpu.memory_space<semaphore_mem>>
        %dma_start3A_96 = arith.constant 0 : i32
        %dma_start3A_97 = tpu.memref_slice %arg18[%add3A_89, %dma_start3A_96] : memref<81920x64xf32, #tpu.memory_space<hbm>> -> memref<512x64xf32, #tpu.memory_space<hbm>>
        %dma_start3A_98 = arith.constant 0 : i32
        %dma_start3A_99 = tpu.memref_slice %arg18[%add3A_89, %dma_start3A_98] : memref<81920x64xf32, #tpu.memory_space<hbm>> -> memref<512x64xf32, #tpu.memory_space<hbm>>
        tpu.enqueue_dma source(%arg22 : memref<512x64xf32, #tpu.memory_space<vmem>>) target(%dma_start3A_99 : memref<512x64xf32, #tpu.memory_space<hbm>>) target_semaphore(%run_scoped3A : memref<!tpu.dma_semaphore, #tpu.memory_space<semaphore_mem>>)
        %dma_wait3A_100 = arith.constant 0 : i32
        %dma_wait3A_101 = tpu.memref_slice %arg18[%add3A_89, %dma_wait3A_100] : memref<81920x64xf32, #tpu.memory_space<hbm>> -> memref<512x64xf32, #tpu.memory_space<hbm>>
        %dma_wait3A_102 = arith.constant 0 : i32
        %dma_wait3A_103 = tpu.memref_slice %arg18[%add3A_89, %dma_wait3A_102] : memref<81920x64xf32, #tpu.memory_space<hbm>> -> memref<512x64xf32, #tpu.memory_space<hbm>>
        tpu.wait_dma2 semaphore(%run_scoped3A : memref<!tpu.dma_semaphore, #tpu.memory_space<semaphore_mem>>) src(%arg22 : memref<512x64xf32, #tpu.memory_space<vmem>>) dst(%dma_wait3A_103 : memref<512x64xf32, #tpu.memory_space<hbm>>)
        tpu.yield
      }) : () -> ()
    }
    %scan3A_55 = arith.constant 5 : i32
    %mul3A_56 = arith.constant 512 : i32
    %mul3A_57 = arith.muli %add3A, %mul3A_56 : i32
    %scan3A_58 = arith.constant 0 : i32
    %scan3A_59 = arith.constant 0 : i32
    %mul3A_60 = arith.constant 512 : i32
    %mul3A_61 = arith.muli %scan3A_59, %mul3A_60 : i32
    %add3A_62 = arith.addi %mul3A_57, %mul3A_61 : i32
    "tpu.region"() ({
      %run_scoped3A = tpu.sem_alloc : memref<!tpu.dma_semaphore, #tpu.memory_space<semaphore_mem>>
      %dma_start3A_86 = tpu.memref_slice %arg11[%add3A_62] : memref<16384xi32, #tpu.memory_space<hbm>> -> memref<512xi32, #tpu.memory_space<hbm>>
      %dma_start3A_87 = tpu.memref_slice %arg11[%add3A_62] : memref<16384xi32, #tpu.memory_space<hbm>> -> memref<512xi32, #tpu.memory_space<hbm>>
      tpu.enqueue_dma source(%dma_start3A_87 : memref<512xi32, #tpu.memory_space<hbm>>) target(%arg21 : memref<512xi32, #tpu.memory_space<vmem>>) target_semaphore(%run_scoped3A : memref<!tpu.dma_semaphore, #tpu.memory_space<semaphore_mem>>)
      %dma_wait3A_88 = tpu.memref_slice %arg11[%add3A_62] : memref<16384xi32, #tpu.memory_space<hbm>> -> memref<512xi32, #tpu.memory_space<hbm>>
      %dma_wait3A_89 = tpu.memref_slice %arg11[%add3A_62] : memref<16384xi32, #tpu.memory_space<hbm>> -> memref<512xi32, #tpu.memory_space<hbm>>
      tpu.wait_dma2 semaphore(%run_scoped3A : memref<!tpu.dma_semaphore, #tpu.memory_space<semaphore_mem>>) src(%dma_wait3A_89 : memref<512xi32, #tpu.memory_space<hbm>>) dst(%arg21 : memref<512xi32, #tpu.memory_space<vmem>>)
      tpu.yield
    }) : () -> ()
    %dma_start3A_63 = arith.constant 0 : i32
    %dma_start3A_64 = arith.constant 0 : i32
    %dma_start3A_65 = tpu.memref_slice %arg4[%dma_start3A_63, %dma_start3A_64] : memref<6250x16xf32, #tpu.memory_space<hbm>> -> memref<6250x16xf32, #tpu.memory_space<hbm>>
    tpu.enqueue_indirect_dma source(%dma_start3A_65 : memref<6250x16xf32, #tpu.memory_space<hbm>>) target(%arg23 : memref<512x16xf32, #tpu.memory_space<vmem>>) offsets(%arg21 : memref<512xi32, #tpu.memory_space<vmem>>) semaphore(%arg27 : memref<!tpu.dma_semaphore, #tpu.memory_space<semaphore_mem>>)
    %dma_wait3A_66 = arith.constant 0 : i32
    %dma_wait3A_67 = arith.constant 0 : i32
    %dma_wait3A_68 = tpu.memref_slice %arg4[%dma_wait3A_66, %dma_wait3A_67] : memref<6250x16xf32, #tpu.memory_space<hbm>> -> memref<6250x16xf32, #tpu.memory_space<hbm>>
    tpu.wait_indirect_dma semaphore(%arg27 : memref<!tpu.dma_semaphore, #tpu.memory_space<semaphore_mem>>) src(%dma_wait3A_68 : memref<6250x16xf32, #tpu.memory_space<hbm>>) dst(%arg23 : memref<512x16xf32, #tpu.memory_space<vmem>>)
    "tpu.region"() ({
      %run_scoped3A = tpu.sem_alloc : memref<!tpu.dma_semaphore, #tpu.memory_space<semaphore_mem>>
      %dma_start3A_86 = arith.constant 0 : i32
      %dma_start3A_87 = tpu.memref_slice %arg19[%add3A_62, %dma_start3A_86] : memref<16384x16xf32, #tpu.memory_space<hbm>> -> memref<512x16xf32, #tpu.memory_space<hbm>>
      %dma_start3A_88 = arith.constant 0 : i32
      %dma_start3A_89 = tpu.memref_slice %arg19[%add3A_62, %dma_start3A_88] : memref<16384x16xf32, #tpu.memory_space<hbm>> -> memref<512x16xf32, #tpu.memory_space<hbm>>
      tpu.enqueue_dma source(%arg23 : memref<512x16xf32, #tpu.memory_space<vmem>>) target(%dma_start3A_89 : memref<512x16xf32, #tpu.memory_space<hbm>>) target_semaphore(%run_scoped3A : memref<!tpu.dma_semaphore, #tpu.memory_space<semaphore_mem>>)
      %dma_wait3A_90 = arith.constant 0 : i32
      %dma_wait3A_91 = tpu.memref_slice %arg19[%add3A_62, %dma_wait3A_90] : memref<16384x16xf32, #tpu.memory_space<hbm>> -> memref<512x16xf32, #tpu.memory_space<hbm>>
      %dma_wait3A_92 = arith.constant 0 : i32
      %dma_wait3A_93 = tpu.memref_slice %arg19[%add3A_62, %dma_wait3A_92] : memref<16384x16xf32, #tpu.memory_space<hbm>> -> memref<512x16xf32, #tpu.memory_space<hbm>>
      tpu.wait_dma2 semaphore(%run_scoped3A : memref<!tpu.dma_semaphore, #tpu.memory_space<semaphore_mem>>) src(%arg23 : memref<512x16xf32, #tpu.memory_space<vmem>>) dst(%dma_wait3A_93 : memref<512x16xf32, #tpu.memory_space<hbm>>)
      tpu.yield
    }) : () -> ()
    %scan3A_69 = arith.constant 1 : i32
    %mul3A_70 = arith.constant 2560 : i32
    %mul3A_71 = arith.muli %add3A, %mul3A_70 : i32
    %scan3A_72 = arith.constant 0 : i32
    %scan3A_73 = arith.constant 0 : i32
    %scan3A_74 = arith.constant 5 : i32
    %scan3A_75 = arith.addi %scan3A_73, %scan3A_74 : i32
    %scan3A_76 = arith.constant 1 : i32
    scf.for %scan3A_86 = %scan3A_73 to %scan3A_75 step %scan3A_76  : i32 {
      %mul3A_87 = arith.constant 512 : i32
      %mul3A_88 = arith.muli %scan3A_86, %mul3A_87 : i32
      %add3A_89 = arith.addi %mul3A_71, %mul3A_88 : i32
      "tpu.region"() ({
        %run_scoped3A = tpu.sem_alloc : memref<!tpu.dma_semaphore, #tpu.memory_space<semaphore_mem>>
        %dma_start3A_96 = tpu.memref_slice %arg12[%add3A_89] : memref<81920xi32, #tpu.memory_space<hbm>> -> memref<512xi32, #tpu.memory_space<hbm>>
        %dma_start3A_97 = tpu.memref_slice %arg12[%add3A_89] : memref<81920xi32, #tpu.memory_space<hbm>> -> memref<512xi32, #tpu.memory_space<hbm>>
        tpu.enqueue_dma source(%dma_start3A_97 : memref<512xi32, #tpu.memory_space<hbm>>) target(%arg21 : memref<512xi32, #tpu.memory_space<vmem>>) target_semaphore(%run_scoped3A : memref<!tpu.dma_semaphore, #tpu.memory_space<semaphore_mem>>)
        %dma_wait3A_98 = tpu.memref_slice %arg12[%add3A_89] : memref<81920xi32, #tpu.memory_space<hbm>> -> memref<512xi32, #tpu.memory_space<hbm>>
        %dma_wait3A_99 = tpu.memref_slice %arg12[%add3A_89] : memref<81920xi32, #tpu.memory_space<hbm>> -> memref<512xi32, #tpu.memory_space<hbm>>
        tpu.wait_dma2 semaphore(%run_scoped3A : memref<!tpu.dma_semaphore, #tpu.memory_space<semaphore_mem>>) src(%dma_wait3A_99 : memref<512xi32, #tpu.memory_space<hbm>>) dst(%arg21 : memref<512xi32, #tpu.memory_space<vmem>>)
        tpu.yield
      }) : () -> ()
      %dma_start3A_90 = arith.constant 0 : i32
      %dma_start3A_91 = arith.constant 0 : i32
      %dma_start3A_92 = tpu.memref_slice %arg4[%dma_start3A_90, %dma_start3A_91] : memref<6250x16xf32, #tpu.memory_space<hbm>> -> memref<6250x16xf32, #tpu.memory_space<hbm>>
      tpu.enqueue_indirect_dma source(%dma_start3A_92 : memref<6250x16xf32, #tpu.memory_space<hbm>>) target(%arg23 : memref<512x16xf32, #tpu.memory_space<vmem>>) offsets(%arg21 : memref<512xi32, #tpu.memory_space<vmem>>) semaphore(%arg27 : memref<!tpu.dma_semaphore, #tpu.memory_space<semaphore_mem>>)
      %dma_wait3A_93 = arith.constant 0 : i32
      %dma_wait3A_94 = arith.constant 0 : i32
      %dma_wait3A_95 = tpu.memref_slice %arg4[%dma_wait3A_93, %dma_wait3A_94] : memref<6250x16xf32, #tpu.memory_space<hbm>> -> memref<6250x16xf32, #tpu.memory_space<hbm>>
      tpu.wait_indirect_dma semaphore(%arg27 : memref<!tpu.dma_semaphore, #tpu.memory_space<semaphore_mem>>) src(%dma_wait3A_95 : memref<6250x16xf32, #tpu.memory_space<hbm>>) dst(%arg23 : memref<512x16xf32, #tpu.memory_space<vmem>>)
      "tpu.region"() ({
        %run_scoped3A = tpu.sem_alloc : memref<!tpu.dma_semaphore, #tpu.memory_space<semaphore_mem>>
        %dma_start3A_96 = arith.constant 0 : i32
        %dma_start3A_97 = tpu.memref_slice %arg20[%add3A_89, %dma_start3A_96] : memref<81920x16xf32, #tpu.memory_space<hbm>> -> memref<512x16xf32, #tpu.memory_space<hbm>>
        %dma_start3A_98 = arith.constant 0 : i32
        %dma_start3A_99 = tpu.memref_slice %arg20[%add3A_89, %dma_start3A_98] : memref<81920x16xf32, #tpu.memory_space<hbm>> -> memref<512x16xf32, #tpu.memory_space<hbm>>
        tpu.enqueue_dma source(%arg23 : memref<512x16xf32, #tpu.memory_space<vmem>>) target(%dma_start3A_99 : memref<512x16xf32, #tpu.memory_space<hbm>>) target_semaphore(%run_scoped3A : memref<!tpu.dma_semaphore, #tpu.memory_space<semaphore_mem>>)
        %dma_wait3A_100 = arith.constant 0 : i32
        %dma_wait3A_101 = tpu.memref_slice %arg20[%add3A_89, %dma_wait3A_100] : memref<81920x16xf32, #tpu.memory_space<hbm>> -> memref<512x16xf32, #tpu.memory_space<hbm>>
        %dma_wait3A_102 = arith.constant 0 : i32
        %dma_wait3A_103 = tpu.memref_slice %arg20[%add3A_89, %dma_wait3A_102] : memref<81920x16xf32, #tpu.memory_space<hbm>> -> memref<512x16xf32, #tpu.memory_space<hbm>>
        tpu.wait_dma2 semaphore(%run_scoped3A : memref<!tpu.dma_semaphore, #tpu.memory_space<semaphore_mem>>) src(%arg23 : memref<512x16xf32, #tpu.memory_space<vmem>>) dst(%dma_wait3A_103 : memref<512x16xf32, #tpu.memory_space<hbm>>)
        tpu.yield
      }) : () -> ()
    }
    %scan3A_77 = arith.constant 5 : i32
    %mul3A_78 = arith.constant 512 : i32
    %mul3A_79 = arith.muli %add3A, %mul3A_78 : i32
    %scan3A_80 = arith.constant 0 : i32
    %scan3A_81 = arith.constant 0 : i32
    %scan3A_82 = arith.constant 16 : i32
    %scan3A_83 = arith.addi %scan3A_81, %scan3A_82 : i32
    %scan3A_84 = arith.constant 1 : i32
    scf.for %scan3A_86 = %scan3A_81 to %scan3A_83 step %scan3A_84  : i32 {
      %mul3A_87 = arith.constant 32 : i32
      %mul3A_88 = arith.muli %scan3A_86, %mul3A_87 : i32
      %add3A_89 = arith.addi %mul3A_79, %mul3A_88 : i32
      %mul3A_90 = arith.constant 20 : i32
      %mul3A_91 = arith.muli %add3A_89, %mul3A_90 : i32
      "tpu.region"() ({
        %run_scoped3A = tpu.sem_alloc : memref<!tpu.dma_semaphore, #tpu.memory_space<semaphore_mem>>
        %dma_start3A_104 = tpu.memref_slice %arg8[%mul3A_91] : memref<327680xi32, #tpu.memory_space<hbm>> -> memref<640xi32, #tpu.memory_space<hbm>>
        %dma_start3A_105 = tpu.memref_slice %arg8[%mul3A_91] : memref<327680xi32, #tpu.memory_space<hbm>> -> memref<640xi32, #tpu.memory_space<hbm>>
        tpu.enqueue_dma source(%dma_start3A_105 : memref<640xi32, #tpu.memory_space<hbm>>) target(%arg24 : memref<640xi32, #tpu.memory_space<vmem>>) target_semaphore(%run_scoped3A : memref<!tpu.dma_semaphore, #tpu.memory_space<semaphore_mem>>)
        %dma_wait3A_106 = tpu.memref_slice %arg8[%mul3A_91] : memref<327680xi32, #tpu.memory_space<hbm>> -> memref<640xi32, #tpu.memory_space<hbm>>
        %dma_wait3A_107 = tpu.memref_slice %arg8[%mul3A_91] : memref<327680xi32, #tpu.memory_space<hbm>> -> memref<640xi32, #tpu.memory_space<hbm>>
        tpu.wait_dma2 semaphore(%run_scoped3A : memref<!tpu.dma_semaphore, #tpu.memory_space<semaphore_mem>>) src(%dma_wait3A_107 : memref<640xi32, #tpu.memory_space<hbm>>) dst(%arg24 : memref<640xi32, #tpu.memory_space<vmem>>)
        tpu.yield
      }) : () -> ()
      %dma_start3A_92 = arith.constant 0 : i32
      %dma_start3A_93 = arith.constant 0 : i32
      %dma_start3A_94 = tpu.memref_slice %arg3[%dma_start3A_92, %dma_start3A_93] : memref<100000x64xf32, #tpu.memory_space<hbm>> -> memref<100000x64xf32, #tpu.memory_space<hbm>>
      tpu.enqueue_indirect_dma source(%dma_start3A_94 : memref<100000x64xf32, #tpu.memory_space<hbm>>) target(%arg25 : memref<640x64xf32, #tpu.memory_space<vmem>>) offsets(%arg24 : memref<640xi32, #tpu.memory_space<vmem>>) semaphore(%arg27 : memref<!tpu.dma_semaphore, #tpu.memory_space<semaphore_mem>>)
      %dma_wait3A_95 = arith.constant 0 : i32
      %dma_wait3A_96 = arith.constant 0 : i32
      %dma_wait3A_97 = tpu.memref_slice %arg3[%dma_wait3A_95, %dma_wait3A_96] : memref<100000x64xf32, #tpu.memory_space<hbm>> -> memref<100000x64xf32, #tpu.memory_space<hbm>>
      tpu.wait_indirect_dma semaphore(%arg27 : memref<!tpu.dma_semaphore, #tpu.memory_space<semaphore_mem>>) src(%dma_wait3A_97 : memref<100000x64xf32, #tpu.memory_space<hbm>>) dst(%arg25 : memref<640x64xf32, #tpu.memory_space<vmem>>)
      %scan3A_98 = arith.constant 0 : i32
      %scan3A_99 = arith.constant 0 : i32
      %scan3A_100 = arith.constant 32 : i32
      %scan3A_101 = arith.addi %scan3A_99, %scan3A_100 : i32
      %scan3A_102 = arith.constant 1 : i32
      scf.for %scan3A_104 = %scan3A_99 to %scan3A_101 step %scan3A_102  : i32 {
        %broadcast_in_dim3A = arith.constant 0.000000e+00 : f32
        %broadcast_in_dim3A_105 = vector.broadcast %broadcast_in_dim3A : f32 to vector<16xf32>
        %broadcast_in_dim3A_106 = arith.constant 0.000000e+00 : f32
        %broadcast_in_dim3A_107 = vector.broadcast %broadcast_in_dim3A_106 : f32 to vector<16xf32>
        %broadcast_in_dim3A_108 = arith.constant 0.000000e+00 : f32
        %broadcast_in_dim3A_109 = vector.broadcast %broadcast_in_dim3A_108 : f32 to vector<16xf32>
        %broadcast_in_dim3A_110 = arith.constant 0.000000e+00 : f32
        %broadcast_in_dim3A_111 = vector.broadcast %broadcast_in_dim3A_110 : f32 to vector<16xf32>
        %mul3A_112 = arith.constant 20 : i32
        %mul3A_113 = arith.muli %scan3A_104, %mul3A_112 : i32
        %add3A_114 = arith.constant 0 : i32
        %add3A_115 = arith.addi %mul3A_113, %add3A_114 : i32
        %get3A = arith.index_cast %add3A_115 : i32 to index
        %get3A_116 = arith.constant 0 : index
        %get3A_117 = tpu.vector_load %arg25[%get3A, %get3A_116] {strides = array<i32>} : memref<640x64xf32, #tpu.memory_space<vmem>>, vector<1x16xf32>,
        %get3A_118 = vector.shape_cast %get3A_117 : vector<1x16xf32> to vector<16xf32>
        %add3A_119 = arith.addf %broadcast_in_dim3A_105, %get3A_118 : vector<16xf32>
        %mul3A_120 = arith.constant 20 : i32
        %mul3A_121 = arith.muli %scan3A_104, %mul3A_120 : i32
        %add3A_122 = arith.constant 0 : i32
        %add3A_123 = arith.addi %mul3A_121, %add3A_122 : i32
        %get3A_124 = arith.index_cast %add3A_123 : i32 to index
        %get3A_125 = arith.constant 16 : index
        %get3A_126 = tpu.vector_load %arg25[%get3A_124, %get3A_125] {strides = array<i32>} : memref<640x64xf32, #tpu.memory_space<vmem>>, vector<1x16xf32>,
        %get3A_127 = vector.shape_cast %get3A_126 : vector<1x16xf32> to vector<16xf32>
        %add3A_128 = arith.addf %broadcast_in_dim3A_107, %get3A_127 : vector<16xf32>
        %mul3A_129 = arith.constant 20 : i32
        %mul3A_130 = arith.muli %scan3A_104, %mul3A_129 : i32
        %add3A_131 = arith.constant 0 : i32
        %add3A_132 = arith.addi %mul3A_130, %add3A_131 : i32
        %get3A_133 = arith.index_cast %add3A_132 : i32 to index
        %get3A_134 = arith.constant 32 : index
        %get3A_135 = tpu.vector_load %arg25[%get3A_133, %get3A_134] {strides = array<i32>} : memref<640x64xf32, #tpu.memory_space<vmem>>, vector<1x16xf32>,
        %get3A_136 = vector.shape_cast %get3A_135 : vector<1x16xf32> to vector<16xf32>
        %add3A_137 = arith.addf %broadcast_in_dim3A_109, %get3A_136 : vector<16xf32>
        %mul3A_138 = arith.constant 20 : i32
        %mul3A_139 = arith.muli %scan3A_104, %mul3A_138 : i32
        %add3A_140 = arith.constant 0 : i32
        %add3A_141 = arith.addi %mul3A_139, %add3A_140 : i32
        %get3A_142 = arith.index_cast %add3A_141 : i32 to index
        %get3A_143 = arith.constant 48 : index
        %get3A_144 = tpu.vector_load %arg25[%get3A_142, %get3A_143] {strides = array<i32>} : memref<640x64xf32, #tpu.memory_space<vmem>>, vector<1x16xf32>,
        %get3A_145 = vector.shape_cast %get3A_144 : vector<1x16xf32> to vector<16xf32>
        %add3A_146 = arith.addf %broadcast_in_dim3A_111, %get3A_145 : vector<16xf32>
        %mul3A_147 = arith.constant 20 : i32
        %mul3A_148 = arith.muli %scan3A_104, %mul3A_147 : i32
        %add3A_149 = arith.constant 1 : i32
        %add3A_150 = arith.addi %mul3A_148, %add3A_149 : i32
        %get3A_151 = arith.index_cast %add3A_150 : i32 to index
        %get3A_152 = arith.constant 0 : index
        %get3A_153 = tpu.vector_load %arg25[%get3A_151, %get3A_152] {strides = array<i32>} : memref<640x64xf32, #tpu.memory_space<vmem>>, vector<1x16xf32>,
        %get3A_154 = vector.shape_cast %get3A_153 : vector<1x16xf32> to vector<16xf32>
        %add3A_155 = arith.addf %add3A_119, %get3A_154 : vector<16xf32>
        %mul3A_156 = arith.constant 20 : i32
        %mul3A_157 = arith.muli %scan3A_104, %mul3A_156 : i32
        %add3A_158 = arith.constant 1 : i32
        %add3A_159 = arith.addi %mul3A_157, %add3A_158 : i32
        %get3A_160 = arith.index_cast %add3A_159 : i32 to index
        %get3A_161 = arith.constant 16 : index
        %get3A_162 = tpu.vector_load %arg25[%get3A_160, %get3A_161] {strides = array<i32>} : memref<640x64xf32, #tpu.memory_space<vmem>>, vector<1x16xf32>,
        %get3A_163 = vector.shape_cast %get3A_162 : vector<1x16xf32> to vector<16xf32>
        %add3A_164 = arith.addf %add3A_128, %get3A_163 : vector<16xf32>
        %mul3A_165 = arith.constant 20 : i32
        %mul3A_166 = arith.muli %scan3A_104, %mul3A_165 : i32
        %add3A_167 = arith.constant 1 : i32
        %add3A_168 = arith.addi %mul3A_166, %add3A_167 : i32
        %get3A_169 = arith.index_cast %add3A_168 : i32 to index
        %get3A_170 = arith.constant 32 : index
        %get3A_171 = tpu.vector_load %arg25[%get3A_169, %get3A_170] {strides = array<i32>} : memref<640x64xf32, #tpu.memory_space<vmem>>, vector<1x16xf32>,
        %get3A_172 = vector.shape_cast %get3A_171 : vector<1x16xf32> to vector<16xf32>
        %add3A_173 = arith.addf %add3A_137, %get3A_172 : vector<16xf32>
        %mul3A_174 = arith.constant 20 : i32
        %mul3A_175 = arith.muli %scan3A_104, %mul3A_174 : i32
        %add3A_176 = arith.constant 1 : i32
        %add3A_177 = arith.addi %mul3A_175, %add3A_176 : i32
        %get3A_178 = arith.index_cast %add3A_177 : i32 to index
        %get3A_179 = arith.constant 48 : index
        %get3A_180 = tpu.vector_load %arg25[%get3A_178, %get3A_179] {strides = array<i32>} : memref<640x64xf32, #tpu.memory_space<vmem>>, vector<1x16xf32>,
        %get3A_181 = vector.shape_cast %get3A_180 : vector<1x16xf32> to vector<16xf32>
        %add3A_182 = arith.addf %add3A_146, %get3A_181 : vector<16xf32>
        %mul3A_183 = arith.constant 20 : i32
        %mul3A_184 = arith.muli %scan3A_104, %mul3A_183 : i32
        %add3A_185 = arith.constant 2 : i32
        %add3A_186 = arith.addi %mul3A_184, %add3A_185 : i32
        %get3A_187 = arith.index_cast %add3A_186 : i32 to index
        %get3A_188 = arith.constant 0 : index
        %get3A_189 = tpu.vector_load %arg25[%get3A_187, %get3A_188] {strides = array<i32>} : memref<640x64xf32, #tpu.memory_space<vmem>>, vector<1x16xf32>,
        %get3A_190 = vector.shape_cast %get3A_189 : vector<1x16xf32> to vector<16xf32>
        %add3A_191 = arith.addf %add3A_155, %get3A_190 : vector<16xf32>
        %mul3A_192 = arith.constant 20 : i32
        %mul3A_193 = arith.muli %scan3A_104, %mul3A_192 : i32
        %add3A_194 = arith.constant 2 : i32
        %add3A_195 = arith.addi %mul3A_193, %add3A_194 : i32
        %get3A_196 = arith.index_cast %add3A_195 : i32 to index
        %get3A_197 = arith.constant 16 : index
        %get3A_198 = tpu.vector_load %arg25[%get3A_196, %get3A_197] {strides = array<i32>} : memref<640x64xf32, #tpu.memory_space<vmem>>, vector<1x16xf32>,
        %get3A_199 = vector.shape_cast %get3A_198 : vector<1x16xf32> to vector<16xf32>
        %add3A_200 = arith.addf %add3A_164, %get3A_199 : vector<16xf32>
        %mul3A_201 = arith.constant 20 : i32
        %mul3A_202 = arith.muli %scan3A_104, %mul3A_201 : i32
        %add3A_203 = arith.constant 2 : i32
        %add3A_204 = arith.addi %mul3A_202, %add3A_203 : i32
        %get3A_205 = arith.index_cast %add3A_204 : i32 to index
        %get3A_206 = arith.constant 32 : index
        %get3A_207 = tpu.vector_load %arg25[%get3A_205, %get3A_206] {strides = array<i32>} : memref<640x64xf32, #tpu.memory_space<vmem>>, vector<1x16xf32>,
        %get3A_208 = vector.shape_cast %get3A_207 : vector<1x16xf32> to vector<16xf32>
        %add3A_209 = arith.addf %add3A_173, %get3A_208 : vector<16xf32>
        %mul3A_210 = arith.constant 20 : i32
        %mul3A_211 = arith.muli %scan3A_104, %mul3A_210 : i32
        %add3A_212 = arith.constant 2 : i32
        %add3A_213 = arith.addi %mul3A_211, %add3A_212 : i32
        %get3A_214 = arith.index_cast %add3A_213 : i32 to index
        %get3A_215 = arith.constant 48 : index
        %get3A_216 = tpu.vector_load %arg25[%get3A_214, %get3A_215] {strides = array<i32>} : memref<640x64xf32, #tpu.memory_space<vmem>>, vector<1x16xf32>,
        %get3A_217 = vector.shape_cast %get3A_216 : vector<1x16xf32> to vector<16xf32>
        %add3A_218 = arith.addf %add3A_182, %get3A_217 : vector<16xf32>
        %mul3A_219 = arith.constant 20 : i32
        %mul3A_220 = arith.muli %scan3A_104, %mul3A_219 : i32
        %add3A_221 = arith.constant 3 : i32
        %add3A_222 = arith.addi %mul3A_220, %add3A_221 : i32
        %get3A_223 = arith.index_cast %add3A_222 : i32 to index
        %get3A_224 = arith.constant 0 : index
        %get3A_225 = tpu.vector_load %arg25[%get3A_223, %get3A_224] {strides = array<i32>} : memref<640x64xf32, #tpu.memory_space<vmem>>, vector<1x16xf32>,
        %get3A_226 = vector.shape_cast %get3A_225 : vector<1x16xf32> to vector<16xf32>
        %add3A_227 = arith.addf %add3A_191, %get3A_226 : vector<16xf32>
        %mul3A_228 = arith.constant 20 : i32
        %mul3A_229 = arith.muli %scan3A_104, %mul3A_228 : i32
        %add3A_230 = arith.constant 3 : i32
        %add3A_231 = arith.addi %mul3A_229, %add3A_230 : i32
        %get3A_232 = arith.index_cast %add3A_231 : i32 to index
        %get3A_233 = arith.constant 16 : index
        %get3A_234 = tpu.vector_load %arg25[%get3A_232, %get3A_233] {strides = array<i32>} : memref<640x64xf32, #tpu.memory_space<vmem>>, vector<1x16xf32>,
        %get3A_235 = vector.shape_cast %get3A_234 : vector<1x16xf32> to vector<16xf32>
        %add3A_236 = arith.addf %add3A_200, %get3A_235 : vector<16xf32>
        %mul3A_237 = arith.constant 20 : i32
        %mul3A_238 = arith.muli %scan3A_104, %mul3A_237 : i32
        %add3A_239 = arith.constant 3 : i32
        %add3A_240 = arith.addi %mul3A_238, %add3A_239 : i32
        %get3A_241 = arith.index_cast %add3A_240 : i32 to index
        %get3A_242 = arith.constant 32 : index
        %get3A_243 = tpu.vector_load %arg25[%get3A_241, %get3A_242] {strides = array<i32>} : memref<640x64xf32, #tpu.memory_space<vmem>>, vector<1x16xf32>,
        %get3A_244 = vector.shape_cast %get3A_243 : vector<1x16xf32> to vector<16xf32>
        %add3A_245 = arith.addf %add3A_209, %get3A_244 : vector<16xf32>
        %mul3A_246 = arith.constant 20 : i32
        %mul3A_247 = arith.muli %scan3A_104, %mul3A_246 : i32
        %add3A_248 = arith.constant 3 : i32
        %add3A_249 = arith.addi %mul3A_247, %add3A_248 : i32
        %get3A_250 = arith.index_cast %add3A_249 : i32 to index
        %get3A_251 = arith.constant 48 : index
        %get3A_252 = tpu.vector_load %arg25[%get3A_250, %get3A_251] {strides = array<i32>} : memref<640x64xf32, #tpu.memory_space<vmem>>, vector<1x16xf32>,
        %get3A_253 = vector.shape_cast %get3A_252 : vector<1x16xf32> to vector<16xf32>
        %add3A_254 = arith.addf %add3A_218, %get3A_253 : vector<16xf32>
        %mul3A_255 = arith.constant 20 : i32
        %mul3A_256 = arith.muli %scan3A_104, %mul3A_255 : i32
        %add3A_257 = arith.constant 4 : i32
        %add3A_258 = arith.addi %mul3A_256, %add3A_257 : i32
        %get3A_259 = arith.index_cast %add3A_258 : i32 to index
        %get3A_260 = arith.constant 0 : index
        %get3A_261 = tpu.vector_load %arg25[%get3A_259, %get3A_260] {strides = array<i32>} : memref<640x64xf32, #tpu.memory_space<vmem>>, vector<1x16xf32>,
        %get3A_262 = vector.shape_cast %get3A_261 : vector<1x16xf32> to vector<16xf32>
        %add3A_263 = arith.addf %add3A_227, %get3A_262 : vector<16xf32>
        %mul3A_264 = arith.constant 20 : i32
        %mul3A_265 = arith.muli %scan3A_104, %mul3A_264 : i32
        %add3A_266 = arith.constant 4 : i32
        %add3A_267 = arith.addi %mul3A_265, %add3A_266 : i32
        %get3A_268 = arith.index_cast %add3A_267 : i32 to index
        %get3A_269 = arith.constant 16 : index
        %get3A_270 = tpu.vector_load %arg25[%get3A_268, %get3A_269] {strides = array<i32>} : memref<640x64xf32, #tpu.memory_space<vmem>>, vector<1x16xf32>,
        %get3A_271 = vector.shape_cast %get3A_270 : vector<1x16xf32> to vector<16xf32>
        %add3A_272 = arith.addf %add3A_236, %get3A_271 : vector<16xf32>
        %mul3A_273 = arith.constant 20 : i32
        %mul3A_274 = arith.muli %scan3A_104, %mul3A_273 : i32
        %add3A_275 = arith.constant 4 : i32
        %add3A_276 = arith.addi %mul3A_274, %add3A_275 : i32
        %get3A_277 = arith.index_cast %add3A_276 : i32 to index
        %get3A_278 = arith.constant 32 : index
        %get3A_279 = tpu.vector_load %arg25[%get3A_277, %get3A_278] {strides = array<i32>} : memref<640x64xf32, #tpu.memory_space<vmem>>, vector<1x16xf32>,
        %get3A_280 = vector.shape_cast %get3A_279 : vector<1x16xf32> to vector<16xf32>
        %add3A_281 = arith.addf %add3A_245, %get3A_280 : vector<16xf32>
        %mul3A_282 = arith.constant 20 : i32
        %mul3A_283 = arith.muli %scan3A_104, %mul3A_282 : i32
        %add3A_284 = arith.constant 4 : i32
        %add3A_285 = arith.addi %mul3A_283, %add3A_284 : i32
        %get3A_286 = arith.index_cast %add3A_285 : i32 to index
        %get3A_287 = arith.constant 48 : index
        %get3A_288 = tpu.vector_load %arg25[%get3A_286, %get3A_287] {strides = array<i32>} : memref<640x64xf32, #tpu.memory_space<vmem>>, vector<1x16xf32>,
        %get3A_289 = vector.shape_cast %get3A_288 : vector<1x16xf32> to vector<16xf32>
        %add3A_290 = arith.addf %add3A_254, %get3A_289 : vector<16xf32>
        %mul3A_291 = arith.constant 20 : i32
        %mul3A_292 = arith.muli %scan3A_104, %mul3A_291 : i32
        %add3A_293 = arith.constant 5 : i32
        %add3A_294 = arith.addi %mul3A_292, %add3A_293 : i32
        %get3A_295 = arith.index_cast %add3A_294 : i32 to index
        %get3A_296 = arith.constant 0 : index
        %get3A_297 = tpu.vector_load %arg25[%get3A_295, %get3A_296] {strides = array<i32>} : memref<640x64xf32, #tpu.memory_space<vmem>>, vector<1x16xf32>,
        %get3A_298 = vector.shape_cast %get3A_297 : vector<1x16xf32> to vector<16xf32>
        %add3A_299 = arith.addf %add3A_263, %get3A_298 : vector<16xf32>
        %mul3A_300 = arith.constant 20 : i32
        %mul3A_301 = arith.muli %scan3A_104, %mul3A_300 : i32
        %add3A_302 = arith.constant 5 : i32
        %add3A_303 = arith.addi %mul3A_301, %add3A_302 : i32
        %get3A_304 = arith.index_cast %add3A_303 : i32 to index
        %get3A_305 = arith.constant 16 : index
        %get3A_306 = tpu.vector_load %arg25[%get3A_304, %get3A_305] {strides = array<i32>} : memref<640x64xf32, #tpu.memory_space<vmem>>, vector<1x16xf32>,
        %get3A_307 = vector.shape_cast %get3A_306 : vector<1x16xf32> to vector<16xf32>
        %add3A_308 = arith.addf %add3A_272, %get3A_307 : vector<16xf32>
        %mul3A_309 = arith.constant 20 : i32
        %mul3A_310 = arith.muli %scan3A_104, %mul3A_309 : i32
        %add3A_311 = arith.constant 5 : i32
        %add3A_312 = arith.addi %mul3A_310, %add3A_311 : i32
        %get3A_313 = arith.index_cast %add3A_312 : i32 to index
        %get3A_314 = arith.constant 32 : index
        %get3A_315 = tpu.vector_load %arg25[%get3A_313, %get3A_314] {strides = array<i32>} : memref<640x64xf32, #tpu.memory_space<vmem>>, vector<1x16xf32>,
        %get3A_316 = vector.shape_cast %get3A_315 : vector<1x16xf32> to vector<16xf32>
        %add3A_317 = arith.addf %add3A_281, %get3A_316 : vector<16xf32>
        %mul3A_318 = arith.constant 20 : i32
        %mul3A_319 = arith.muli %scan3A_104, %mul3A_318 : i32
        %add3A_320 = arith.constant 5 : i32
        %add3A_321 = arith.addi %mul3A_319, %add3A_320 : i32
        %get3A_322 = arith.index_cast %add3A_321 : i32 to index
        %get3A_323 = arith.constant 48 : index
        %get3A_324 = tpu.vector_load %arg25[%get3A_322, %get3A_323] {strides = array<i32>} : memref<640x64xf32, #tpu.memory_space<vmem>>, vector<1x16xf32>,
        %get3A_325 = vector.shape_cast %get3A_324 : vector<1x16xf32> to vector<16xf32>
        %add3A_326 = arith.addf %add3A_290, %get3A_325 : vector<16xf32>
        %mul3A_327 = arith.constant 20 : i32
        %mul3A_328 = arith.muli %scan3A_104, %mul3A_327 : i32
        %add3A_329 = arith.constant 6 : i32
        %add3A_330 = arith.addi %mul3A_328, %add3A_329 : i32
        %get3A_331 = arith.index_cast %add3A_330 : i32 to index
        %get3A_332 = arith.constant 0 : index
        %get3A_333 = tpu.vector_load %arg25[%get3A_331, %get3A_332] {strides = array<i32>} : memref<640x64xf32, #tpu.memory_space<vmem>>, vector<1x16xf32>,
        %get3A_334 = vector.shape_cast %get3A_333 : vector<1x16xf32> to vector<16xf32>
        %add3A_335 = arith.addf %add3A_299, %get3A_334 : vector<16xf32>
        %mul3A_336 = arith.constant 20 : i32
        %mul3A_337 = arith.muli %scan3A_104, %mul3A_336 : i32
        %add3A_338 = arith.constant 6 : i32
        %add3A_339 = arith.addi %mul3A_337, %add3A_338 : i32
        %get3A_340 = arith.index_cast %add3A_339 : i32 to index
        %get3A_341 = arith.constant 16 : index
        %get3A_342 = tpu.vector_load %arg25[%get3A_340, %get3A_341] {strides = array<i32>} : memref<640x64xf32, #tpu.memory_space<vmem>>, vector<1x16xf32>,
        %get3A_343 = vector.shape_cast %get3A_342 : vector<1x16xf32> to vector<16xf32>
        %add3A_344 = arith.addf %add3A_308, %get3A_343 : vector<16xf32>
        %mul3A_345 = arith.constant 20 : i32
        %mul3A_346 = arith.muli %scan3A_104, %mul3A_345 : i32
        %add3A_347 = arith.constant 6 : i32
        %add3A_348 = arith.addi %mul3A_346, %add3A_347 : i32
        %get3A_349 = arith.index_cast %add3A_348 : i32 to index
        %get3A_350 = arith.constant 32 : index
        %get3A_351 = tpu.vector_load %arg25[%get3A_349, %get3A_350] {strides = array<i32>} : memref<640x64xf32, #tpu.memory_space<vmem>>, vector<1x16xf32>,
        %get3A_352 = vector.shape_cast %get3A_351 : vector<1x16xf32> to vector<16xf32>
        %add3A_353 = arith.addf %add3A_317, %get3A_352 : vector<16xf32>
        %mul3A_354 = arith.constant 20 : i32
        %mul3A_355 = arith.muli %scan3A_104, %mul3A_354 : i32
        %add3A_356 = arith.constant 6 : i32
        %add3A_357 = arith.addi %mul3A_355, %add3A_356 : i32
        %get3A_358 = arith.index_cast %add3A_357 : i32 to index
        %get3A_359 = arith.constant 48 : index
        %get3A_360 = tpu.vector_load %arg25[%get3A_358, %get3A_359] {strides = array<i32>} : memref<640x64xf32, #tpu.memory_space<vmem>>, vector<1x16xf32>,
        %get3A_361 = vector.shape_cast %get3A_360 : vector<1x16xf32> to vector<16xf32>
        %add3A_362 = arith.addf %add3A_326, %get3A_361 : vector<16xf32>
        %mul3A_363 = arith.constant 20 : i32
        %mul3A_364 = arith.muli %scan3A_104, %mul3A_363 : i32
        %add3A_365 = arith.constant 7 : i32
        %add3A_366 = arith.addi %mul3A_364, %add3A_365 : i32
        %get3A_367 = arith.index_cast %add3A_366 : i32 to index
        %get3A_368 = arith.constant 0 : index
        %get3A_369 = tpu.vector_load %arg25[%get3A_367, %get3A_368] {strides = array<i32>} : memref<640x64xf32, #tpu.memory_space<vmem>>, vector<1x16xf32>,
        %get3A_370 = vector.shape_cast %get3A_369 : vector<1x16xf32> to vector<16xf32>
        %add3A_371 = arith.addf %add3A_335, %get3A_370 : vector<16xf32>
        %mul3A_372 = arith.constant 20 : i32
        %mul3A_373 = arith.muli %scan3A_104, %mul3A_372 : i32
        %add3A_374 = arith.constant 7 : i32
        %add3A_375 = arith.addi %mul3A_373, %add3A_374 : i32
        %get3A_376 = arith.index_cast %add3A_375 : i32 to index
        %get3A_377 = arith.constant 16 : index
        %get3A_378 = tpu.vector_load %arg25[%get3A_376, %get3A_377] {strides = array<i32>} : memref<640x64xf32, #tpu.memory_space<vmem>>, vector<1x16xf32>,
        %get3A_379 = vector.shape_cast %get3A_378 : vector<1x16xf32> to vector<16xf32>
        %add3A_380 = arith.addf %add3A_344, %get3A_379 : vector<16xf32>
        %mul3A_381 = arith.constant 20 : i32
        %mul3A_382 = arith.muli %scan3A_104, %mul3A_381 : i32
        %add3A_383 = arith.constant 7 : i32
        %add3A_384 = arith.addi %mul3A_382, %add3A_383 : i32
        %get3A_385 = arith.index_cast %add3A_384 : i32 to index
        %get3A_386 = arith.constant 32 : index
        %get3A_387 = tpu.vector_load %arg25[%get3A_385, %get3A_386] {strides = array<i32>} : memref<640x64xf32, #tpu.memory_space<vmem>>, vector<1x16xf32>,
        %get3A_388 = vector.shape_cast %get3A_387 : vector<1x16xf32> to vector<16xf32>
        %add3A_389 = arith.addf %add3A_353, %get3A_388 : vector<16xf32>
        %mul3A_390 = arith.constant 20 : i32
        %mul3A_391 = arith.muli %scan3A_104, %mul3A_390 : i32
        %add3A_392 = arith.constant 7 : i32
        %add3A_393 = arith.addi %mul3A_391, %add3A_392 : i32
        %get3A_394 = arith.index_cast %add3A_393 : i32 to index
        %get3A_395 = arith.constant 48 : index
        %get3A_396 = tpu.vector_load %arg25[%get3A_394, %get3A_395] {strides = array<i32>} : memref<640x64xf32, #tpu.memory_space<vmem>>, vector<1x16xf32>,
        %get3A_397 = vector.shape_cast %get3A_396 : vector<1x16xf32> to vector<16xf32>
        %add3A_398 = arith.addf %add3A_362, %get3A_397 : vector<16xf32>
        %mul3A_399 = arith.constant 20 : i32
        %mul3A_400 = arith.muli %scan3A_104, %mul3A_399 : i32
        %add3A_401 = arith.constant 8 : i32
        %add3A_402 = arith.addi %mul3A_400, %add3A_401 : i32
        %get3A_403 = arith.index_cast %add3A_402 : i32 to index
        %get3A_404 = arith.constant 0 : index
        %get3A_405 = tpu.vector_load %arg25[%get3A_403, %get3A_404] {strides = array<i32>} : memref<640x64xf32, #tpu.memory_space<vmem>>, vector<1x16xf32>,
        %get3A_406 = vector.shape_cast %get3A_405 : vector<1x16xf32> to vector<16xf32>
        %add3A_407 = arith.addf %add3A_371, %get3A_406 : vector<16xf32>
        %mul3A_408 = arith.constant 20 : i32
        %mul3A_409 = arith.muli %scan3A_104, %mul3A_408 : i32
        %add3A_410 = arith.constant 8 : i32
        %add3A_411 = arith.addi %mul3A_409, %add3A_410 : i32
        %get3A_412 = arith.index_cast %add3A_411 : i32 to index
        %get3A_413 = arith.constant 16 : index
        %get3A_414 = tpu.vector_load %arg25[%get3A_412, %get3A_413] {strides = array<i32>} : memref<640x64xf32, #tpu.memory_space<vmem>>, vector<1x16xf32>,
        %get3A_415 = vector.shape_cast %get3A_414 : vector<1x16xf32> to vector<16xf32>
        %add3A_416 = arith.addf %add3A_380, %get3A_415 : vector<16xf32>
        %mul3A_417 = arith.constant 20 : i32
        %mul3A_418 = arith.muli %scan3A_104, %mul3A_417 : i32
        %add3A_419 = arith.constant 8 : i32
        %add3A_420 = arith.addi %mul3A_418, %add3A_419 : i32
        %get3A_421 = arith.index_cast %add3A_420 : i32 to index
        %get3A_422 = arith.constant 32 : index
        %get3A_423 = tpu.vector_load %arg25[%get3A_421, %get3A_422] {strides = array<i32>} : memref<640x64xf32, #tpu.memory_space<vmem>>, vector<1x16xf32>,
        %get3A_424 = vector.shape_cast %get3A_423 : vector<1x16xf32> to vector<16xf32>
        %add3A_425 = arith.addf %add3A_389, %get3A_424 : vector<16xf32>
        %mul3A_426 = arith.constant 20 : i32
        %mul3A_427 = arith.muli %scan3A_104, %mul3A_426 : i32
        %add3A_428 = arith.constant 8 : i32
        %add3A_429 = arith.addi %mul3A_427, %add3A_428 : i32
        %get3A_430 = arith.index_cast %add3A_429 : i32 to index
        %get3A_431 = arith.constant 48 : index
        %get3A_432 = tpu.vector_load %arg25[%get3A_430, %get3A_431] {strides = array<i32>} : memref<640x64xf32, #tpu.memory_space<vmem>>, vector<1x16xf32>,
        %get3A_433 = vector.shape_cast %get3A_432 : vector<1x16xf32> to vector<16xf32>
        %add3A_434 = arith.addf %add3A_398, %get3A_433 : vector<16xf32>
        %mul3A_435 = arith.constant 20 : i32
        %mul3A_436 = arith.muli %scan3A_104, %mul3A_435 : i32
        %add3A_437 = arith.constant 9 : i32
        %add3A_438 = arith.addi %mul3A_436, %add3A_437 : i32
        %get3A_439 = arith.index_cast %add3A_438 : i32 to index
        %get3A_440 = arith.constant 0 : index
        %get3A_441 = tpu.vector_load %arg25[%get3A_439, %get3A_440] {strides = array<i32>} : memref<640x64xf32, #tpu.memory_space<vmem>>, vector<1x16xf32>,
        %get3A_442 = vector.shape_cast %get3A_441 : vector<1x16xf32> to vector<16xf32>
        %add3A_443 = arith.addf %add3A_407, %get3A_442 : vector<16xf32>
        %mul3A_444 = arith.constant 20 : i32
        %mul3A_445 = arith.muli %scan3A_104, %mul3A_444 : i32
        %add3A_446 = arith.constant 9 : i32
        %add3A_447 = arith.addi %mul3A_445, %add3A_446 : i32
        %get3A_448 = arith.index_cast %add3A_447 : i32 to index
        %get3A_449 = arith.constant 16 : index
        %get3A_450 = tpu.vector_load %arg25[%get3A_448, %get3A_449] {strides = array<i32>} : memref<640x64xf32, #tpu.memory_space<vmem>>, vector<1x16xf32>,
        %get3A_451 = vector.shape_cast %get3A_450 : vector<1x16xf32> to vector<16xf32>
        %add3A_452 = arith.addf %add3A_416, %get3A_451 : vector<16xf32>
        %mul3A_453 = arith.constant 20 : i32
        %mul3A_454 = arith.muli %scan3A_104, %mul3A_453 : i32
        %add3A_455 = arith.constant 9 : i32
        %add3A_456 = arith.addi %mul3A_454, %add3A_455 : i32
        %get3A_457 = arith.index_cast %add3A_456 : i32 to index
        %get3A_458 = arith.constant 32 : index
        %get3A_459 = tpu.vector_load %arg25[%get3A_457, %get3A_458] {strides = array<i32>} : memref<640x64xf32, #tpu.memory_space<vmem>>, vector<1x16xf32>,
        %get3A_460 = vector.shape_cast %get3A_459 : vector<1x16xf32> to vector<16xf32>
        %add3A_461 = arith.addf %add3A_425, %get3A_460 : vector<16xf32>
        %mul3A_462 = arith.constant 20 : i32
        %mul3A_463 = arith.muli %scan3A_104, %mul3A_462 : i32
        %add3A_464 = arith.constant 9 : i32
        %add3A_465 = arith.addi %mul3A_463, %add3A_464 : i32
        %get3A_466 = arith.index_cast %add3A_465 : i32 to index
        %get3A_467 = arith.constant 48 : index
        %get3A_468 = tpu.vector_load %arg25[%get3A_466, %get3A_467] {strides = array<i32>} : memref<640x64xf32, #tpu.memory_space<vmem>>, vector<1x16xf32>,
        %get3A_469 = vector.shape_cast %get3A_468 : vector<1x16xf32> to vector<16xf32>
        %add3A_470 = arith.addf %add3A_434, %get3A_469 : vector<16xf32>
        %mul3A_471 = arith.constant 20 : i32
        %mul3A_472 = arith.muli %scan3A_104, %mul3A_471 : i32
        %add3A_473 = arith.constant 10 : i32
        %add3A_474 = arith.addi %mul3A_472, %add3A_473 : i32
        %get3A_475 = arith.index_cast %add3A_474 : i32 to index
        %get3A_476 = arith.constant 0 : index
        %get3A_477 = tpu.vector_load %arg25[%get3A_475, %get3A_476] {strides = array<i32>} : memref<640x64xf32, #tpu.memory_space<vmem>>, vector<1x16xf32>,
        %get3A_478 = vector.shape_cast %get3A_477 : vector<1x16xf32> to vector<16xf32>
        %add3A_479 = arith.addf %add3A_443, %get3A_478 : vector<16xf32>
        %mul3A_480 = arith.constant 20 : i32
        %mul3A_481 = arith.muli %scan3A_104, %mul3A_480 : i32
        %add3A_482 = arith.constant 10 : i32
        %add3A_483 = arith.addi %mul3A_481, %add3A_482 : i32
        %get3A_484 = arith.index_cast %add3A_483 : i32 to index
        %get3A_485 = arith.constant 16 : index
        %get3A_486 = tpu.vector_load %arg25[%get3A_484, %get3A_485] {strides = array<i32>} : memref<640x64xf32, #tpu.memory_space<vmem>>, vector<1x16xf32>,
        %get3A_487 = vector.shape_cast %get3A_486 : vector<1x16xf32> to vector<16xf32>
        %add3A_488 = arith.addf %add3A_452, %get3A_487 : vector<16xf32>
        %mul3A_489 = arith.constant 20 : i32
        %mul3A_490 = arith.muli %scan3A_104, %mul3A_489 : i32
        %add3A_491 = arith.constant 10 : i32
        %add3A_492 = arith.addi %mul3A_490, %add3A_491 : i32
        %get3A_493 = arith.index_cast %add3A_492 : i32 to index
        %get3A_494 = arith.constant 32 : index
        %get3A_495 = tpu.vector_load %arg25[%get3A_493, %get3A_494] {strides = array<i32>} : memref<640x64xf32, #tpu.memory_space<vmem>>, vector<1x16xf32>,
        %get3A_496 = vector.shape_cast %get3A_495 : vector<1x16xf32> to vector<16xf32>
        %add3A_497 = arith.addf %add3A_461, %get3A_496 : vector<16xf32>
        %mul3A_498 = arith.constant 20 : i32
        %mul3A_499 = arith.muli %scan3A_104, %mul3A_498 : i32
        %add3A_500 = arith.constant 10 : i32
        %add3A_501 = arith.addi %mul3A_499, %add3A_500 : i32
        %get3A_502 = arith.index_cast %add3A_501 : i32 to index
        %get3A_503 = arith.constant 48 : index
        %get3A_504 = tpu.vector_load %arg25[%get3A_502, %get3A_503] {strides = array<i32>} : memref<640x64xf32, #tpu.memory_space<vmem>>, vector<1x16xf32>,
        %get3A_505 = vector.shape_cast %get3A_504 : vector<1x16xf32> to vector<16xf32>
        %add3A_506 = arith.addf %add3A_470, %get3A_505 : vector<16xf32>
        %mul3A_507 = arith.constant 20 : i32
        %mul3A_508 = arith.muli %scan3A_104, %mul3A_507 : i32
        %add3A_509 = arith.constant 11 : i32
        %add3A_510 = arith.addi %mul3A_508, %add3A_509 : i32
        %get3A_511 = arith.index_cast %add3A_510 : i32 to index
        %get3A_512 = arith.constant 0 : index
        %get3A_513 = tpu.vector_load %arg25[%get3A_511, %get3A_512] {strides = array<i32>} : memref<640x64xf32, #tpu.memory_space<vmem>>, vector<1x16xf32>,
        %get3A_514 = vector.shape_cast %get3A_513 : vector<1x16xf32> to vector<16xf32>
        %add3A_515 = arith.addf %add3A_479, %get3A_514 : vector<16xf32>
        %mul3A_516 = arith.constant 20 : i32
        %mul3A_517 = arith.muli %scan3A_104, %mul3A_516 : i32
        %add3A_518 = arith.constant 11 : i32
        %add3A_519 = arith.addi %mul3A_517, %add3A_518 : i32
        %get3A_520 = arith.index_cast %add3A_519 : i32 to index
        %get3A_521 = arith.constant 16 : index
        %get3A_522 = tpu.vector_load %arg25[%get3A_520, %get3A_521] {strides = array<i32>} : memref<640x64xf32, #tpu.memory_space<vmem>>, vector<1x16xf32>,
        %get3A_523 = vector.shape_cast %get3A_522 : vector<1x16xf32> to vector<16xf32>
        %add3A_524 = arith.addf %add3A_488, %get3A_523 : vector<16xf32>
        %mul3A_525 = arith.constant 20 : i32
        %mul3A_526 = arith.muli %scan3A_104, %mul3A_525 : i32
        %add3A_527 = arith.constant 11 : i32
        %add3A_528 = arith.addi %mul3A_526, %add3A_527 : i32
        %get3A_529 = arith.index_cast %add3A_528 : i32 to index
        %get3A_530 = arith.constant 32 : index
        %get3A_531 = tpu.vector_load %arg25[%get3A_529, %get3A_530] {strides = array<i32>} : memref<640x64xf32, #tpu.memory_space<vmem>>, vector<1x16xf32>,
        %get3A_532 = vector.shape_cast %get3A_531 : vector<1x16xf32> to vector<16xf32>
        %add3A_533 = arith.addf %add3A_497, %get3A_532 : vector<16xf32>
        %mul3A_534 = arith.constant 20 : i32
        %mul3A_535 = arith.muli %scan3A_104, %mul3A_534 : i32
        %add3A_536 = arith.constant 11 : i32
        %add3A_537 = arith.addi %mul3A_535, %add3A_536 : i32
        %get3A_538 = arith.index_cast %add3A_537 : i32 to index
        %get3A_539 = arith.constant 48 : index
        %get3A_540 = tpu.vector_load %arg25[%get3A_538, %get3A_539] {strides = array<i32>} : memref<640x64xf32, #tpu.memory_space<vmem>>, vector<1x16xf32>,
        %get3A_541 = vector.shape_cast %get3A_540 : vector<1x16xf32> to vector<16xf32>
        %add3A_542 = arith.addf %add3A_506, %get3A_541 : vector<16xf32>
        %mul3A_543 = arith.constant 20 : i32
        %mul3A_544 = arith.muli %scan3A_104, %mul3A_543 : i32
        %add3A_545 = arith.constant 12 : i32
        %add3A_546 = arith.addi %mul3A_544, %add3A_545 : i32
        %get3A_547 = arith.index_cast %add3A_546 : i32 to index
        %get3A_548 = arith.constant 0 : index
        %get3A_549 = tpu.vector_load %arg25[%get3A_547, %get3A_548] {strides = array<i32>} : memref<640x64xf32, #tpu.memory_space<vmem>>, vector<1x16xf32>,
        %get3A_550 = vector.shape_cast %get3A_549 : vector<1x16xf32> to vector<16xf32>
        %add3A_551 = arith.addf %add3A_515, %get3A_550 : vector<16xf32>
        %mul3A_552 = arith.constant 20 : i32
        %mul3A_553 = arith.muli %scan3A_104, %mul3A_552 : i32
        %add3A_554 = arith.constant 12 : i32
        %add3A_555 = arith.addi %mul3A_553, %add3A_554 : i32
        %get3A_556 = arith.index_cast %add3A_555 : i32 to index
        %get3A_557 = arith.constant 16 : index
        %get3A_558 = tpu.vector_load %arg25[%get3A_556, %get3A_557] {strides = array<i32>} : memref<640x64xf32, #tpu.memory_space<vmem>>, vector<1x16xf32>,
        %get3A_559 = vector.shape_cast %get3A_558 : vector<1x16xf32> to vector<16xf32>
        %add3A_560 = arith.addf %add3A_524, %get3A_559 : vector<16xf32>
        %mul3A_561 = arith.constant 20 : i32
        %mul3A_562 = arith.muli %scan3A_104, %mul3A_561 : i32
        %add3A_563 = arith.constant 12 : i32
        %add3A_564 = arith.addi %mul3A_562, %add3A_563 : i32
        %get3A_565 = arith.index_cast %add3A_564 : i32 to index
        %get3A_566 = arith.constant 32 : index
        %get3A_567 = tpu.vector_load %arg25[%get3A_565, %get3A_566] {strides = array<i32>} : memref<640x64xf32, #tpu.memory_space<vmem>>, vector<1x16xf32>,
        %get3A_568 = vector.shape_cast %get3A_567 : vector<1x16xf32> to vector<16xf32>
        %add3A_569 = arith.addf %add3A_533, %get3A_568 : vector<16xf32>
        %mul3A_570 = arith.constant 20 : i32
        %mul3A_571 = arith.muli %scan3A_104, %mul3A_570 : i32
        %add3A_572 = arith.constant 12 : i32
        %add3A_573 = arith.addi %mul3A_571, %add3A_572 : i32
        %get3A_574 = arith.index_cast %add3A_573 : i32 to index
        %get3A_575 = arith.constant 48 : index
        %get3A_576 = tpu.vector_load %arg25[%get3A_574, %get3A_575] {strides = array<i32>} : memref<640x64xf32, #tpu.memory_space<vmem>>, vector<1x16xf32>,
        %get3A_577 = vector.shape_cast %get3A_576 : vector<1x16xf32> to vector<16xf32>
        %add3A_578 = arith.addf %add3A_542, %get3A_577 : vector<16xf32>
        %mul3A_579 = arith.constant 20 : i32
        %mul3A_580 = arith.muli %scan3A_104, %mul3A_579 : i32
        %add3A_581 = arith.constant 13 : i32
        %add3A_582 = arith.addi %mul3A_580, %add3A_581 : i32
        %get3A_583 = arith.index_cast %add3A_582 : i32 to index
        %get3A_584 = arith.constant 0 : index
        %get3A_585 = tpu.vector_load %arg25[%get3A_583, %get3A_584] {strides = array<i32>} : memref<640x64xf32, #tpu.memory_space<vmem>>, vector<1x16xf32>,
        %get3A_586 = vector.shape_cast %get3A_585 : vector<1x16xf32> to vector<16xf32>
        %add3A_587 = arith.addf %add3A_551, %get3A_586 : vector<16xf32>
        %mul3A_588 = arith.constant 20 : i32
        %mul3A_589 = arith.muli %scan3A_104, %mul3A_588 : i32
        %add3A_590 = arith.constant 13 : i32
        %add3A_591 = arith.addi %mul3A_589, %add3A_590 : i32
        %get3A_592 = arith.index_cast %add3A_591 : i32 to index
        %get3A_593 = arith.constant 16 : index
        %get3A_594 = tpu.vector_load %arg25[%get3A_592, %get3A_593] {strides = array<i32>} : memref<640x64xf32, #tpu.memory_space<vmem>>, vector<1x16xf32>,
        %get3A_595 = vector.shape_cast %get3A_594 : vector<1x16xf32> to vector<16xf32>
        %add3A_596 = arith.addf %add3A_560, %get3A_595 : vector<16xf32>
        %mul3A_597 = arith.constant 20 : i32
        %mul3A_598 = arith.muli %scan3A_104, %mul3A_597 : i32
        %add3A_599 = arith.constant 13 : i32
        %add3A_600 = arith.addi %mul3A_598, %add3A_599 : i32
        %get3A_601 = arith.index_cast %add3A_600 : i32 to index
        %get3A_602 = arith.constant 32 : index
        %get3A_603 = tpu.vector_load %arg25[%get3A_601, %get3A_602] {strides = array<i32>} : memref<640x64xf32, #tpu.memory_space<vmem>>, vector<1x16xf32>,
        %get3A_604 = vector.shape_cast %get3A_603 : vector<1x16xf32> to vector<16xf32>
        %add3A_605 = arith.addf %add3A_569, %get3A_604 : vector<16xf32>
        %mul3A_606 = arith.constant 20 : i32
        %mul3A_607 = arith.muli %scan3A_104, %mul3A_606 : i32
        %add3A_608 = arith.constant 13 : i32
        %add3A_609 = arith.addi %mul3A_607, %add3A_608 : i32
        %get3A_610 = arith.index_cast %add3A_609 : i32 to index
        %get3A_611 = arith.constant 48 : index
        %get3A_612 = tpu.vector_load %arg25[%get3A_610, %get3A_611] {strides = array<i32>} : memref<640x64xf32, #tpu.memory_space<vmem>>, vector<1x16xf32>,
        %get3A_613 = vector.shape_cast %get3A_612 : vector<1x16xf32> to vector<16xf32>
        %add3A_614 = arith.addf %add3A_578, %get3A_613 : vector<16xf32>
        %mul3A_615 = arith.constant 20 : i32
        %mul3A_616 = arith.muli %scan3A_104, %mul3A_615 : i32
        %add3A_617 = arith.constant 14 : i32
        %add3A_618 = arith.addi %mul3A_616, %add3A_617 : i32
        %get3A_619 = arith.index_cast %add3A_618 : i32 to index
        %get3A_620 = arith.constant 0 : index
        %get3A_621 = tpu.vector_load %arg25[%get3A_619, %get3A_620] {strides = array<i32>} : memref<640x64xf32, #tpu.memory_space<vmem>>, vector<1x16xf32>,
        %get3A_622 = vector.shape_cast %get3A_621 : vector<1x16xf32> to vector<16xf32>
        %add3A_623 = arith.addf %add3A_587, %get3A_622 : vector<16xf32>
        %mul3A_624 = arith.constant 20 : i32
        %mul3A_625 = arith.muli %scan3A_104, %mul3A_624 : i32
        %add3A_626 = arith.constant 14 : i32
        %add3A_627 = arith.addi %mul3A_625, %add3A_626 : i32
        %get3A_628 = arith.index_cast %add3A_627 : i32 to index
        %get3A_629 = arith.constant 16 : index
        %get3A_630 = tpu.vector_load %arg25[%get3A_628, %get3A_629] {strides = array<i32>} : memref<640x64xf32, #tpu.memory_space<vmem>>, vector<1x16xf32>,
        %get3A_631 = vector.shape_cast %get3A_630 : vector<1x16xf32> to vector<16xf32>
        %add3A_632 = arith.addf %add3A_596, %get3A_631 : vector<16xf32>
        %mul3A_633 = arith.constant 20 : i32
        %mul3A_634 = arith.muli %scan3A_104, %mul3A_633 : i32
        %add3A_635 = arith.constant 14 : i32
        %add3A_636 = arith.addi %mul3A_634, %add3A_635 : i32
        %get3A_637 = arith.index_cast %add3A_636 : i32 to index
        %get3A_638 = arith.constant 32 : index
        %get3A_639 = tpu.vector_load %arg25[%get3A_637, %get3A_638] {strides = array<i32>} : memref<640x64xf32, #tpu.memory_space<vmem>>, vector<1x16xf32>,
        %get3A_640 = vector.shape_cast %get3A_639 : vector<1x16xf32> to vector<16xf32>
        %add3A_641 = arith.addf %add3A_605, %get3A_640 : vector<16xf32>
        %mul3A_642 = arith.constant 20 : i32
        %mul3A_643 = arith.muli %scan3A_104, %mul3A_642 : i32
        %add3A_644 = arith.constant 14 : i32
        %add3A_645 = arith.addi %mul3A_643, %add3A_644 : i32
        %get3A_646 = arith.index_cast %add3A_645 : i32 to index
        %get3A_647 = arith.constant 48 : index
        %get3A_648 = tpu.vector_load %arg25[%get3A_646, %get3A_647] {strides = array<i32>} : memref<640x64xf32, #tpu.memory_space<vmem>>, vector<1x16xf32>,
        %get3A_649 = vector.shape_cast %get3A_648 : vector<1x16xf32> to vector<16xf32>
        %add3A_650 = arith.addf %add3A_614, %get3A_649 : vector<16xf32>
        %mul3A_651 = arith.constant 20 : i32
        %mul3A_652 = arith.muli %scan3A_104, %mul3A_651 : i32
        %add3A_653 = arith.constant 15 : i32
        %add3A_654 = arith.addi %mul3A_652, %add3A_653 : i32
        %get3A_655 = arith.index_cast %add3A_654 : i32 to index
        %get3A_656 = arith.constant 0 : index
        %get3A_657 = tpu.vector_load %arg25[%get3A_655, %get3A_656] {strides = array<i32>} : memref<640x64xf32, #tpu.memory_space<vmem>>, vector<1x16xf32>,
        %get3A_658 = vector.shape_cast %get3A_657 : vector<1x16xf32> to vector<16xf32>
        %add3A_659 = arith.addf %add3A_623, %get3A_658 : vector<16xf32>
        %mul3A_660 = arith.constant 20 : i32
        %mul3A_661 = arith.muli %scan3A_104, %mul3A_660 : i32
        %add3A_662 = arith.constant 15 : i32
        %add3A_663 = arith.addi %mul3A_661, %add3A_662 : i32
        %get3A_664 = arith.index_cast %add3A_663 : i32 to index
        %get3A_665 = arith.constant 16 : index
        %get3A_666 = tpu.vector_load %arg25[%get3A_664, %get3A_665] {strides = array<i32>} : memref<640x64xf32, #tpu.memory_space<vmem>>, vector<1x16xf32>,
        %get3A_667 = vector.shape_cast %get3A_666 : vector<1x16xf32> to vector<16xf32>
        %add3A_668 = arith.addf %add3A_632, %get3A_667 : vector<16xf32>
        %mul3A_669 = arith.constant 20 : i32
        %mul3A_670 = arith.muli %scan3A_104, %mul3A_669 : i32
        %add3A_671 = arith.constant 15 : i32
        %add3A_672 = arith.addi %mul3A_670, %add3A_671 : i32
        %get3A_673 = arith.index_cast %add3A_672 : i32 to index
        %get3A_674 = arith.constant 32 : index
        %get3A_675 = tpu.vector_load %arg25[%get3A_673, %get3A_674] {strides = array<i32>} : memref<640x64xf32, #tpu.memory_space<vmem>>, vector<1x16xf32>,
        %get3A_676 = vector.shape_cast %get3A_675 : vector<1x16xf32> to vector<16xf32>
        %add3A_677 = arith.addf %add3A_641, %get3A_676 : vector<16xf32>
        %mul3A_678 = arith.constant 20 : i32
        %mul3A_679 = arith.muli %scan3A_104, %mul3A_678 : i32
        %add3A_680 = arith.constant 15 : i32
        %add3A_681 = arith.addi %mul3A_679, %add3A_680 : i32
        %get3A_682 = arith.index_cast %add3A_681 : i32 to index
        %get3A_683 = arith.constant 48 : index
        %get3A_684 = tpu.vector_load %arg25[%get3A_682, %get3A_683] {strides = array<i32>} : memref<640x64xf32, #tpu.memory_space<vmem>>, vector<1x16xf32>,
        %get3A_685 = vector.shape_cast %get3A_684 : vector<1x16xf32> to vector<16xf32>
        %add3A_686 = arith.addf %add3A_650, %get3A_685 : vector<16xf32>
        %mul3A_687 = arith.constant 20 : i32
        %mul3A_688 = arith.muli %scan3A_104, %mul3A_687 : i32
        %add3A_689 = arith.constant 16 : i32
        %add3A_690 = arith.addi %mul3A_688, %add3A_689 : i32
        %get3A_691 = arith.index_cast %add3A_690 : i32 to index
        %get3A_692 = arith.constant 0 : index
        %get3A_693 = tpu.vector_load %arg25[%get3A_691, %get3A_692] {strides = array<i32>} : memref<640x64xf32, #tpu.memory_space<vmem>>, vector<1x16xf32>,
        %get3A_694 = vector.shape_cast %get3A_693 : vector<1x16xf32> to vector<16xf32>
        %add3A_695 = arith.addf %add3A_659, %get3A_694 : vector<16xf32>
        %mul3A_696 = arith.constant 20 : i32
        %mul3A_697 = arith.muli %scan3A_104, %mul3A_696 : i32
        %add3A_698 = arith.constant 16 : i32
        %add3A_699 = arith.addi %mul3A_697, %add3A_698 : i32
        %get3A_700 = arith.index_cast %add3A_699 : i32 to index
        %get3A_701 = arith.constant 16 : index
        %get3A_702 = tpu.vector_load %arg25[%get3A_700, %get3A_701] {strides = array<i32>} : memref<640x64xf32, #tpu.memory_space<vmem>>, vector<1x16xf32>,
        %get3A_703 = vector.shape_cast %get3A_702 : vector<1x16xf32> to vector<16xf32>
        %add3A_704 = arith.addf %add3A_668, %get3A_703 : vector<16xf32>
        %mul3A_705 = arith.constant 20 : i32
        %mul3A_706 = arith.muli %scan3A_104, %mul3A_705 : i32
        %add3A_707 = arith.constant 16 : i32
        %add3A_708 = arith.addi %mul3A_706, %add3A_707 : i32
        %get3A_709 = arith.index_cast %add3A_708 : i32 to index
        %get3A_710 = arith.constant 32 : index
        %get3A_711 = tpu.vector_load %arg25[%get3A_709, %get3A_710] {strides = array<i32>} : memref<640x64xf32, #tpu.memory_space<vmem>>, vector<1x16xf32>,
        %get3A_712 = vector.shape_cast %get3A_711 : vector<1x16xf32> to vector<16xf32>
        %add3A_713 = arith.addf %add3A_677, %get3A_712 : vector<16xf32>
        %mul3A_714 = arith.constant 20 : i32
        %mul3A_715 = arith.muli %scan3A_104, %mul3A_714 : i32
        %add3A_716 = arith.constant 16 : i32
        %add3A_717 = arith.addi %mul3A_715, %add3A_716 : i32
        %get3A_718 = arith.index_cast %add3A_717 : i32 to index
        %get3A_719 = arith.constant 48 : index
        %get3A_720 = tpu.vector_load %arg25[%get3A_718, %get3A_719] {strides = array<i32>} : memref<640x64xf32, #tpu.memory_space<vmem>>, vector<1x16xf32>,
        %get3A_721 = vector.shape_cast %get3A_720 : vector<1x16xf32> to vector<16xf32>
        %add3A_722 = arith.addf %add3A_686, %get3A_721 : vector<16xf32>
        %mul3A_723 = arith.constant 20 : i32
        %mul3A_724 = arith.muli %scan3A_104, %mul3A_723 : i32
        %add3A_725 = arith.constant 17 : i32
        %add3A_726 = arith.addi %mul3A_724, %add3A_725 : i32
        %get3A_727 = arith.index_cast %add3A_726 : i32 to index
        %get3A_728 = arith.constant 0 : index
        %get3A_729 = tpu.vector_load %arg25[%get3A_727, %get3A_728] {strides = array<i32>} : memref<640x64xf32, #tpu.memory_space<vmem>>, vector<1x16xf32>,
        %get3A_730 = vector.shape_cast %get3A_729 : vector<1x16xf32> to vector<16xf32>
        %add3A_731 = arith.addf %add3A_695, %get3A_730 : vector<16xf32>
        %mul3A_732 = arith.constant 20 : i32
        %mul3A_733 = arith.muli %scan3A_104, %mul3A_732 : i32
        %add3A_734 = arith.constant 17 : i32
        %add3A_735 = arith.addi %mul3A_733, %add3A_734 : i32
        %get3A_736 = arith.index_cast %add3A_735 : i32 to index
        %get3A_737 = arith.constant 16 : index
        %get3A_738 = tpu.vector_load %arg25[%get3A_736, %get3A_737] {strides = array<i32>} : memref<640x64xf32, #tpu.memory_space<vmem>>, vector<1x16xf32>,
        %get3A_739 = vector.shape_cast %get3A_738 : vector<1x16xf32> to vector<16xf32>
        %add3A_740 = arith.addf %add3A_704, %get3A_739 : vector<16xf32>
        %mul3A_741 = arith.constant 20 : i32
        %mul3A_742 = arith.muli %scan3A_104, %mul3A_741 : i32
        %add3A_743 = arith.constant 17 : i32
        %add3A_744 = arith.addi %mul3A_742, %add3A_743 : i32
        %get3A_745 = arith.index_cast %add3A_744 : i32 to index
        %get3A_746 = arith.constant 32 : index
        %get3A_747 = tpu.vector_load %arg25[%get3A_745, %get3A_746] {strides = array<i32>} : memref<640x64xf32, #tpu.memory_space<vmem>>, vector<1x16xf32>,
        %get3A_748 = vector.shape_cast %get3A_747 : vector<1x16xf32> to vector<16xf32>
        %add3A_749 = arith.addf %add3A_713, %get3A_748 : vector<16xf32>
        %mul3A_750 = arith.constant 20 : i32
        %mul3A_751 = arith.muli %scan3A_104, %mul3A_750 : i32
        %add3A_752 = arith.constant 17 : i32
        %add3A_753 = arith.addi %mul3A_751, %add3A_752 : i32
        %get3A_754 = arith.index_cast %add3A_753 : i32 to index
        %get3A_755 = arith.constant 48 : index
        %get3A_756 = tpu.vector_load %arg25[%get3A_754, %get3A_755] {strides = array<i32>} : memref<640x64xf32, #tpu.memory_space<vmem>>, vector<1x16xf32>,
        %get3A_757 = vector.shape_cast %get3A_756 : vector<1x16xf32> to vector<16xf32>
        %add3A_758 = arith.addf %add3A_722, %get3A_757 : vector<16xf32>
        %mul3A_759 = arith.constant 20 : i32
        %mul3A_760 = arith.muli %scan3A_104, %mul3A_759 : i32
        %add3A_761 = arith.constant 18 : i32
        %add3A_762 = arith.addi %mul3A_760, %add3A_761 : i32
        %get3A_763 = arith.index_cast %add3A_762 : i32 to index
        %get3A_764 = arith.constant 0 : index
        %get3A_765 = tpu.vector_load %arg25[%get3A_763, %get3A_764] {strides = array<i32>} : memref<640x64xf32, #tpu.memory_space<vmem>>, vector<1x16xf32>,
        %get3A_766 = vector.shape_cast %get3A_765 : vector<1x16xf32> to vector<16xf32>
        %add3A_767 = arith.addf %add3A_731, %get3A_766 : vector<16xf32>
        %mul3A_768 = arith.constant 20 : i32
        %mul3A_769 = arith.muli %scan3A_104, %mul3A_768 : i32
        %add3A_770 = arith.constant 18 : i32
        %add3A_771 = arith.addi %mul3A_769, %add3A_770 : i32
        %get3A_772 = arith.index_cast %add3A_771 : i32 to index
        %get3A_773 = arith.constant 16 : index
        %get3A_774 = tpu.vector_load %arg25[%get3A_772, %get3A_773] {strides = array<i32>} : memref<640x64xf32, #tpu.memory_space<vmem>>, vector<1x16xf32>,
        %get3A_775 = vector.shape_cast %get3A_774 : vector<1x16xf32> to vector<16xf32>
        %add3A_776 = arith.addf %add3A_740, %get3A_775 : vector<16xf32>
        %mul3A_777 = arith.constant 20 : i32
        %mul3A_778 = arith.muli %scan3A_104, %mul3A_777 : i32
        %add3A_779 = arith.constant 18 : i32
        %add3A_780 = arith.addi %mul3A_778, %add3A_779 : i32
        %get3A_781 = arith.index_cast %add3A_780 : i32 to index
        %get3A_782 = arith.constant 32 : index
        %get3A_783 = tpu.vector_load %arg25[%get3A_781, %get3A_782] {strides = array<i32>} : memref<640x64xf32, #tpu.memory_space<vmem>>, vector<1x16xf32>,
        %get3A_784 = vector.shape_cast %get3A_783 : vector<1x16xf32> to vector<16xf32>
        %add3A_785 = arith.addf %add3A_749, %get3A_784 : vector<16xf32>
        %mul3A_786 = arith.constant 20 : i32
        %mul3A_787 = arith.muli %scan3A_104, %mul3A_786 : i32
        %add3A_788 = arith.constant 18 : i32
        %add3A_789 = arith.addi %mul3A_787, %add3A_788 : i32
        %get3A_790 = arith.index_cast %add3A_789 : i32 to index
        %get3A_791 = arith.constant 48 : index
        %get3A_792 = tpu.vector_load %arg25[%get3A_790, %get3A_791] {strides = array<i32>} : memref<640x64xf32, #tpu.memory_space<vmem>>, vector<1x16xf32>,
        %get3A_793 = vector.shape_cast %get3A_792 : vector<1x16xf32> to vector<16xf32>
        %add3A_794 = arith.addf %add3A_758, %get3A_793 : vector<16xf32>
        %mul3A_795 = arith.constant 20 : i32
        %mul3A_796 = arith.muli %scan3A_104, %mul3A_795 : i32
        %add3A_797 = arith.constant 19 : i32
        %add3A_798 = arith.addi %mul3A_796, %add3A_797 : i32
        %get3A_799 = arith.index_cast %add3A_798 : i32 to index
        %get3A_800 = arith.constant 0 : index
        %get3A_801 = tpu.vector_load %arg25[%get3A_799, %get3A_800] {strides = array<i32>} : memref<640x64xf32, #tpu.memory_space<vmem>>, vector<1x16xf32>,
        %get3A_802 = vector.shape_cast %get3A_801 : vector<1x16xf32> to vector<16xf32>
        %add3A_803 = arith.addf %add3A_767, %get3A_802 : vector<16xf32>
        %mul3A_804 = arith.constant 20 : i32
        %mul3A_805 = arith.muli %scan3A_104, %mul3A_804 : i32
        %add3A_806 = arith.constant 19 : i32
        %add3A_807 = arith.addi %mul3A_805, %add3A_806 : i32
        %get3A_808 = arith.index_cast %add3A_807 : i32 to index
        %get3A_809 = arith.constant 16 : index
        %get3A_810 = tpu.vector_load %arg25[%get3A_808, %get3A_809] {strides = array<i32>} : memref<640x64xf32, #tpu.memory_space<vmem>>, vector<1x16xf32>,
        %get3A_811 = vector.shape_cast %get3A_810 : vector<1x16xf32> to vector<16xf32>
        %add3A_812 = arith.addf %add3A_776, %get3A_811 : vector<16xf32>
        %mul3A_813 = arith.constant 20 : i32
        %mul3A_814 = arith.muli %scan3A_104, %mul3A_813 : i32
        %add3A_815 = arith.constant 19 : i32
        %add3A_816 = arith.addi %mul3A_814, %add3A_815 : i32
        %get3A_817 = arith.index_cast %add3A_816 : i32 to index
        %get3A_818 = arith.constant 32 : index
        %get3A_819 = tpu.vector_load %arg25[%get3A_817, %get3A_818] {strides = array<i32>} : memref<640x64xf32, #tpu.memory_space<vmem>>, vector<1x16xf32>,
        %get3A_820 = vector.shape_cast %get3A_819 : vector<1x16xf32> to vector<16xf32>
        %add3A_821 = arith.addf %add3A_785, %get3A_820 : vector<16xf32>
        %mul3A_822 = arith.constant 20 : i32
        %mul3A_823 = arith.muli %scan3A_104, %mul3A_822 : i32
        %add3A_824 = arith.constant 19 : i32
        %add3A_825 = arith.addi %mul3A_823, %add3A_824 : i32
        %get3A_826 = arith.index_cast %add3A_825 : i32 to index
        %get3A_827 = arith.constant 48 : index
        %get3A_828 = tpu.vector_load %arg25[%get3A_826, %get3A_827] {strides = array<i32>} : memref<640x64xf32, #tpu.memory_space<vmem>>, vector<1x16xf32>,
        %get3A_829 = vector.shape_cast %get3A_828 : vector<1x16xf32> to vector<16xf32>
        %add3A_830 = arith.addf %add3A_794, %get3A_829 : vector<16xf32>
        %swap3A = arith.index_cast %scan3A_104 : i32 to index
        %swap3A_831 = arith.constant 0 : index
        %swap3A_832 = tpu.vector_load %arg26[%swap3A, %swap3A_831] {strides = array<i32>} : memref<32x64xf32, #tpu.memory_space<vmem>>, vector<1x16xf32>,
        %swap3A_833 = vector.shape_cast %swap3A_832 : vector<1x16xf32> to vector<16xf32>
        %swap3A_834 = vector.shape_cast %add3A_803 : vector<16xf32> to vector<1x16xf32>
        tpu.vector_store %arg26[%swap3A, %swap3A_831], %swap3A_834 {strides = array<i32>} : memref<32x64xf32, #tpu.memory_space<vmem>>, vector<1x16xf32>,
        %swap3A_835 = arith.index_cast %scan3A_104 : i32 to index
        %swap3A_836 = arith.constant 16 : index
        %swap3A_837 = tpu.vector_load %arg26[%swap3A_835, %swap3A_836] {strides = array<i32>} : memref<32x64xf32, #tpu.memory_space<vmem>>, vector<1x16xf32>,
        %swap3A_838 = vector.shape_cast %swap3A_837 : vector<1x16xf32> to vector<16xf32>
        %swap3A_839 = vector.shape_cast %add3A_812 : vector<16xf32> to vector<1x16xf32>
        tpu.vector_store %arg26[%swap3A_835, %swap3A_836], %swap3A_839 {strides = array<i32>} : memref<32x64xf32, #tpu.memory_space<vmem>>, vector<1x16xf32>,
        %swap3A_840 = arith.index_cast %scan3A_104 : i32 to index
        %swap3A_841 = arith.constant 32 : index
        %swap3A_842 = tpu.vector_load %arg26[%swap3A_840, %swap3A_841] {strides = array<i32>} : memref<32x64xf32, #tpu.memory_space<vmem>>, vector<1x16xf32>,
        %swap3A_843 = vector.shape_cast %swap3A_842 : vector<1x16xf32> to vector<16xf32>
        %swap3A_844 = vector.shape_cast %add3A_821 : vector<16xf32> to vector<1x16xf32>
        tpu.vector_store %arg26[%swap3A_840, %swap3A_841], %swap3A_844 {strides = array<i32>} : memref<32x64xf32, #tpu.memory_space<vmem>>, vector<1x16xf32>,
        %swap3A_845 = arith.index_cast %scan3A_104 : i32 to index
        %swap3A_846 = arith.constant 48 : index
        %swap3A_847 = tpu.vector_load %arg26[%swap3A_845, %swap3A_846] {strides = array<i32>} : memref<32x64xf32, #tpu.memory_space<vmem>>, vector<1x16xf32>,
        %swap3A_848 = vector.shape_cast %swap3A_847 : vector<1x16xf32> to vector<16xf32>
        %swap3A_849 = vector.shape_cast %add3A_830 : vector<16xf32> to vector<1x16xf32>
        tpu.vector_store %arg26[%swap3A_845, %swap3A_846], %swap3A_849 {strides = array<i32>} : memref<32x64xf32, #tpu.memory_space<vmem>>, vector<1x16xf32>,
      }
      %scan3A_103 = arith.constant 32 : i32
      "tpu.region"() ({
        %run_scoped3A = tpu.sem_alloc : memref<!tpu.dma_semaphore, #tpu.memory_space<semaphore_mem>>
        %dma_start3A_104 = arith.constant 0 : i32
        %dma_start3A_105 = tpu.memref_slice %arg16[%add3A_89, %dma_start3A_104] : memref<16384x64xf32, #tpu.memory_space<hbm>> -> memref<32x64xf32, #tpu.memory_space<hbm>>
        %dma_start3A_106 = arith.constant 0 : i32
        %dma_start3A_107 = tpu.memref_slice %arg16[%add3A_89, %dma_start3A_106] : memref<16384x64xf32, #tpu.memory_space<hbm>> -> memref<32x64xf32, #tpu.memory_space<hbm>>
        tpu.enqueue_dma source(%arg26 : memref<32x64xf32, #tpu.memory_space<vmem>>) target(%dma_start3A_107 : memref<32x64xf32, #tpu.memory_space<hbm>>) target_semaphore(%run_scoped3A : memref<!tpu.dma_semaphore, #tpu.memory_space<semaphore_mem>>)
        %dma_wait3A_108 = arith.constant 0 : i32
        %dma_wait3A_109 = tpu.memref_slice %arg16[%add3A_89, %dma_wait3A_108] : memref<16384x64xf32, #tpu.memory_space<hbm>> -> memref<32x64xf32, #tpu.memory_space<hbm>>
        %dma_wait3A_110 = arith.constant 0 : i32
        %dma_wait3A_111 = tpu.memref_slice %arg16[%add3A_89, %dma_wait3A_110] : memref<16384x64xf32, #tpu.memory_space<hbm>> -> memref<32x64xf32, #tpu.memory_space<hbm>>
        tpu.wait_dma2 semaphore(%run_scoped3A : memref<!tpu.dma_semaphore, #tpu.memory_space<semaphore_mem>>) src(%arg26 : memref<32x64xf32, #tpu.memory_space<vmem>>) dst(%dma_wait3A_111 : memref<32x64xf32, #tpu.memory_space<hbm>>)
        tpu.yield
      }) : () -> ()
    }
    %scan3A_85 = arith.constant 16 : i32
    return
  }
}

#map = affine_map<(d0, d1) -> (0, 0)>
module attributes {stable_mosaic.version = 14 : i64} {
  func.func @k(%arg0: i32, %arg1: i32, %arg2: memref<1000000x64xf32, #tpu.memory_space<hbm>>, %arg3: memref<100000x64xf32, #tpu.memory_space<hbm>>, %arg4: memref<32x16xf32, #tpu.memory_space<hbm>>, %arg5: memref<32x16xf32, #tpu.memory_space<hbm>>, %arg6: memref<250x64xf32, #tpu.memory_space<vmem>>, %arg7: memref<250x64xf32, #tpu.memory_space<vmem>>, %arg8: memref<16xf32, #tpu.memory_space<vmem>>, %arg9: memref<!tpu.dma_semaphore, #tpu.memory_space<semaphore_mem>>, %arg10: memref<!tpu.dma_semaphore, #tpu.memory_space<semaphore_mem>>) attributes {dimension_semantics = [#tpu.dimension_semantics<core_parallel>, #tpu.dimension_semantics<subcore_parallel>], iteration_bounds = array<i64: 2, 16>, scalar_prefetch = 0 : i64, scratch_operands = 5 : i64, tpu.core_type = #tpu.core_type<sc_vector_subcore>, window_params = [{transform_indices = #map}, {transform_indices = #map}, {transform_indices = #map}, {transform_indices = #map}]} {
    %mul3A = arith.constant 2 : i32
    %mul3A_0 = arith.muli %arg1, %mul3A : i32
    %add3A = arith.addi %mul3A_0, %arg0 : i32
    %mul3A_1 = arith.constant 3125 : i32
    %mul3A_2 = arith.muli %add3A, %mul3A_1 : i32
    %broadcast_in_dim3A = arith.constant 0.000000e+00 : f32
    %broadcast_in_dim3A_3 = vector.broadcast %broadcast_in_dim3A : f32 to vector<16xf32>
    %broadcast_in_dim3A_4 = arith.constant 0.000000e+00 : f32
    %broadcast_in_dim3A_5 = vector.broadcast %broadcast_in_dim3A_4 : f32 to vector<16xf32>
    %broadcast_in_dim3A_6 = arith.constant 0.000000e+00 : f32
    %broadcast_in_dim3A_7 = vector.broadcast %broadcast_in_dim3A_6 : f32 to vector<16xf32>
    %broadcast_in_dim3A_8 = arith.constant 0.000000e+00 : f32
    %broadcast_in_dim3A_9 = vector.broadcast %broadcast_in_dim3A_8 : f32 to vector<16xf32>
    %scan3A = arith.constant 0 : i32
    %scan3A_10 = arith.constant 12 : i32
    %scan3A_11 = arith.addi %scan3A, %scan3A_10 : i32
    %scan3A_12 = arith.constant 1 : i32
    %scan3A_13:4 = scf.for %scan3A_60 = %scan3A to %scan3A_11 step %scan3A_12 iter_args(%scan3A_61 = %broadcast_in_dim3A_3, %scan3A_62 = %broadcast_in_dim3A_5, %scan3A_63 = %broadcast_in_dim3A_7, %scan3A_64 = %broadcast_in_dim3A_9) -> (vector<16xf32>, vector<16xf32>, vector<16xf32>, vector<16xf32>)  : i32 {
      %mul3A_65 = arith.constant 2 : i32
      %mul3A_66 = arith.muli %mul3A_65, %scan3A_60 : i32
      %mul3A_67 = arith.constant 125 : i32
      %mul3A_68 = arith.muli %mul3A_66, %mul3A_67 : i32
      %add3A_69 = arith.addi %mul3A_2, %mul3A_68 : i32
      %dma_start3A = arith.constant 0 : i32
      %dma_start3A_70 = arith.constant 0 : i32
      %dma_start3A_71 = tpu.memref_slice %arg6[%dma_start3A, %dma_start3A_70] : memref<250x64xf32, #tpu.memory_space<vmem>> -> memref<125x64xf32, #tpu.memory_space<vmem>>
      %dma_start3A_72 = arith.constant 0 : i32
      %dma_start3A_73 = tpu.memref_slice %arg3[%add3A_69, %dma_start3A_72] : memref<100000x64xf32, #tpu.memory_space<hbm>> -> memref<125x64xf32, #tpu.memory_space<hbm>>
      %dma_start3A_74 = arith.constant 0 : i32
      %dma_start3A_75 = arith.constant 0 : i32
      %dma_start3A_76 = tpu.memref_slice %arg6[%dma_start3A_74, %dma_start3A_75] : memref<250x64xf32, #tpu.memory_space<vmem>> -> memref<125x64xf32, #tpu.memory_space<vmem>>
      %dma_start3A_77 = arith.constant 0 : i32
      %dma_start3A_78 = tpu.memref_slice %arg3[%add3A_69, %dma_start3A_77] : memref<100000x64xf32, #tpu.memory_space<hbm>> -> memref<125x64xf32, #tpu.memory_space<hbm>>
      tpu.enqueue_dma source(%dma_start3A_78 : memref<125x64xf32, #tpu.memory_space<hbm>>) target(%dma_start3A_76 : memref<125x64xf32, #tpu.memory_space<vmem>>) target_semaphore(%arg9 : memref<!tpu.dma_semaphore, #tpu.memory_space<semaphore_mem>>)
      %mul3A_79 = arith.constant 2 : i32
      %mul3A_80 = arith.muli %mul3A_79, %scan3A_60 : i32
      %add3A_81 = arith.constant 1 : i32
      %add3A_82 = arith.addi %mul3A_80, %add3A_81 : i32
      %mul3A_83 = arith.constant 125 : i32
      %mul3A_84 = arith.muli %add3A_82, %mul3A_83 : i32
      %add3A_85 = arith.addi %mul3A_2, %mul3A_84 : i32
      %dma_start3A_86 = arith.constant 0 : i32
      %dma_start3A_87 = arith.constant 0 : i32
      %dma_start3A_88 = tpu.memref_slice %arg7[%dma_start3A_86, %dma_start3A_87] : memref<250x64xf32, #tpu.memory_space<vmem>> -> memref<125x64xf32, #tpu.memory_space<vmem>>
      %dma_start3A_89 = arith.constant 0 : i32
      %dma_start3A_90 = tpu.memref_slice %arg3[%add3A_85, %dma_start3A_89] : memref<100000x64xf32, #tpu.memory_space<hbm>> -> memref<125x64xf32, #tpu.memory_space<hbm>>
      %dma_start3A_91 = arith.constant 0 : i32
      %dma_start3A_92 = arith.constant 0 : i32
      %dma_start3A_93 = tpu.memref_slice %arg7[%dma_start3A_91, %dma_start3A_92] : memref<250x64xf32, #tpu.memory_space<vmem>> -> memref<125x64xf32, #tpu.memory_space<vmem>>
      %dma_start3A_94 = arith.constant 0 : i32
      %dma_start3A_95 = tpu.memref_slice %arg3[%add3A_85, %dma_start3A_94] : memref<100000x64xf32, #tpu.memory_space<hbm>> -> memref<125x64xf32, #tpu.memory_space<hbm>>
      tpu.enqueue_dma source(%dma_start3A_95 : memref<125x64xf32, #tpu.memory_space<hbm>>) target(%dma_start3A_93 : memref<125x64xf32, #tpu.memory_space<vmem>>) target_semaphore(%arg10 : memref<!tpu.dma_semaphore, #tpu.memory_space<semaphore_mem>>)
      %dma_wait3A = arith.constant 0 : i32
      %dma_wait3A_96 = arith.constant 0 : i32
      %dma_wait3A_97 = tpu.memref_slice %arg6[%dma_wait3A, %dma_wait3A_96] : memref<250x64xf32, #tpu.memory_space<vmem>> -> memref<125x64xf32, #tpu.memory_space<vmem>>
      %dma_wait3A_98 = arith.constant 0 : i32
      %dma_wait3A_99 = tpu.memref_slice %arg3[%add3A_69, %dma_wait3A_98] : memref<100000x64xf32, #tpu.memory_space<hbm>> -> memref<125x64xf32, #tpu.memory_space<hbm>>
      %dma_wait3A_100 = arith.constant 0 : i32
      %dma_wait3A_101 = arith.constant 0 : i32
      %dma_wait3A_102 = tpu.memref_slice %arg6[%dma_wait3A_100, %dma_wait3A_101] : memref<250x64xf32, #tpu.memory_space<vmem>> -> memref<125x64xf32, #tpu.memory_space<vmem>>
      %dma_wait3A_103 = arith.constant 0 : i32
      %dma_wait3A_104 = tpu.memref_slice %arg3[%add3A_69, %dma_wait3A_103] : memref<100000x64xf32, #tpu.memory_space<hbm>> -> memref<125x64xf32, #tpu.memory_space<hbm>>
      tpu.wait_dma2 semaphore(%arg9 : memref<!tpu.dma_semaphore, #tpu.memory_space<semaphore_mem>>) src(%dma_wait3A_104 : memref<125x64xf32, #tpu.memory_space<hbm>>) dst(%dma_wait3A_102 : memref<125x64xf32, #tpu.memory_space<vmem>>)
      %scan3A_105 = arith.constant 0 : i32
      %scan3A_106 = arith.constant 125 : i32
      %scan3A_107 = arith.addi %scan3A_105, %scan3A_106 : i32
      %scan3A_108 = arith.constant 1 : i32
      %scan3A_109:4 = scf.for %scan3A_127 = %scan3A_105 to %scan3A_107 step %scan3A_108 iter_args(%scan3A_128 = %scan3A_61, %scan3A_129 = %scan3A_62, %scan3A_130 = %scan3A_63, %scan3A_131 = %scan3A_64) -> (vector<16xf32>, vector<16xf32>, vector<16xf32>, vector<16xf32>)  : i32 {
        %get3A = arith.index_cast %scan3A_127 : i32 to index
        %get3A_132 = arith.constant 0 : index
        %get3A_133 = tpu.vector_load %arg6[%get3A, %get3A_132] {strides = array<i32>} : memref<250x64xf32, #tpu.memory_space<vmem>>, vector<1x16xf32>,
        %get3A_134 = vector.shape_cast %get3A_133 : vector<1x16xf32> to vector<16xf32>
        %mul3A_135 = arith.mulf %get3A_134, %get3A_134 : vector<16xf32>
        %add3A_136 = arith.addf %scan3A_128, %mul3A_135 : vector<16xf32>
        %get3A_137 = arith.index_cast %scan3A_127 : i32 to index
        %get3A_138 = arith.constant 16 : index
        %get3A_139 = tpu.vector_load %arg6[%get3A_137, %get3A_138] {strides = array<i32>} : memref<250x64xf32, #tpu.memory_space<vmem>>, vector<1x16xf32>,
        %get3A_140 = vector.shape_cast %get3A_139 : vector<1x16xf32> to vector<16xf32>
        %mul3A_141 = arith.mulf %get3A_140, %get3A_140 : vector<16xf32>
        %add3A_142 = arith.addf %scan3A_129, %mul3A_141 : vector<16xf32>
        %get3A_143 = arith.index_cast %scan3A_127 : i32 to index
        %get3A_144 = arith.constant 32 : index
        %get3A_145 = tpu.vector_load %arg6[%get3A_143, %get3A_144] {strides = array<i32>} : memref<250x64xf32, #tpu.memory_space<vmem>>, vector<1x16xf32>,
        %get3A_146 = vector.shape_cast %get3A_145 : vector<1x16xf32> to vector<16xf32>
        %mul3A_147 = arith.mulf %get3A_146, %get3A_146 : vector<16xf32>
        %add3A_148 = arith.addf %scan3A_130, %mul3A_147 : vector<16xf32>
        %get3A_149 = arith.index_cast %scan3A_127 : i32 to index
        %get3A_150 = arith.constant 48 : index
        %get3A_151 = tpu.vector_load %arg6[%get3A_149, %get3A_150] {strides = array<i32>} : memref<250x64xf32, #tpu.memory_space<vmem>>, vector<1x16xf32>,
        %get3A_152 = vector.shape_cast %get3A_151 : vector<1x16xf32> to vector<16xf32>
        %mul3A_153 = arith.mulf %get3A_152, %get3A_152 : vector<16xf32>
        %add3A_154 = arith.addf %scan3A_131, %mul3A_153 : vector<16xf32>
        scf.yield %add3A_136, %add3A_142, %add3A_148, %add3A_154 : vector<16xf32>, vector<16xf32>, vector<16xf32>, vector<16xf32>
      }
      %scan3A_110 = arith.constant 125 : i32
      %dma_wait3A_111 = arith.constant 0 : i32
      %dma_wait3A_112 = arith.constant 0 : i32
      %dma_wait3A_113 = tpu.memref_slice %arg7[%dma_wait3A_111, %dma_wait3A_112] : memref<250x64xf32, #tpu.memory_space<vmem>> -> memref<125x64xf32, #tpu.memory_space<vmem>>
      %dma_wait3A_114 = arith.constant 0 : i32
      %dma_wait3A_115 = tpu.memref_slice %arg3[%add3A_85, %dma_wait3A_114] : memref<100000x64xf32, #tpu.memory_space<hbm>> -> memref<125x64xf32, #tpu.memory_space<hbm>>
      %dma_wait3A_116 = arith.constant 0 : i32
      %dma_wait3A_117 = arith.constant 0 : i32
      %dma_wait3A_118 = tpu.memref_slice %arg7[%dma_wait3A_116, %dma_wait3A_117] : memref<250x64xf32, #tpu.memory_space<vmem>> -> memref<125x64xf32, #tpu.memory_space<vmem>>
      %dma_wait3A_119 = arith.constant 0 : i32
      %dma_wait3A_120 = tpu.memref_slice %arg3[%add3A_85, %dma_wait3A_119] : memref<100000x64xf32, #tpu.memory_space<hbm>> -> memref<125x64xf32, #tpu.memory_space<hbm>>
      tpu.wait_dma2 semaphore(%arg10 : memref<!tpu.dma_semaphore, #tpu.memory_space<semaphore_mem>>) src(%dma_wait3A_120 : memref<125x64xf32, #tpu.memory_space<hbm>>) dst(%dma_wait3A_118 : memref<125x64xf32, #tpu.memory_space<vmem>>)
      %scan3A_121 = arith.constant 0 : i32
      %scan3A_122 = arith.constant 125 : i32
      %scan3A_123 = arith.addi %scan3A_121, %scan3A_122 : i32
      %scan3A_124 = arith.constant 1 : i32
      %scan3A_125:4 = scf.for %scan3A_127 = %scan3A_121 to %scan3A_123 step %scan3A_124 iter_args(%scan3A_128 = %scan3A_109#0, %scan3A_129 = %scan3A_109#1, %scan3A_130 = %scan3A_109#2, %scan3A_131 = %scan3A_109#3) -> (vector<16xf32>, vector<16xf32>, vector<16xf32>, vector<16xf32>)  : i32 {
        %get3A = arith.index_cast %scan3A_127 : i32 to index
        %get3A_132 = arith.constant 0 : index
        %get3A_133 = tpu.vector_load %arg7[%get3A, %get3A_132] {strides = array<i32>} : memref<250x64xf32, #tpu.memory_space<vmem>>, vector<1x16xf32>,
        %get3A_134 = vector.shape_cast %get3A_133 : vector<1x16xf32> to vector<16xf32>
        %mul3A_135 = arith.mulf %get3A_134, %get3A_134 : vector<16xf32>
        %add3A_136 = arith.addf %scan3A_128, %mul3A_135 : vector<16xf32>
        %get3A_137 = arith.index_cast %scan3A_127 : i32 to index
        %get3A_138 = arith.constant 16 : index
        %get3A_139 = tpu.vector_load %arg7[%get3A_137, %get3A_138] {strides = array<i32>} : memref<250x64xf32, #tpu.memory_space<vmem>>, vector<1x16xf32>,
        %get3A_140 = vector.shape_cast %get3A_139 : vector<1x16xf32> to vector<16xf32>
        %mul3A_141 = arith.mulf %get3A_140, %get3A_140 : vector<16xf32>
        %add3A_142 = arith.addf %scan3A_129, %mul3A_141 : vector<16xf32>
        %get3A_143 = arith.index_cast %scan3A_127 : i32 to index
        %get3A_144 = arith.constant 32 : index
        %get3A_145 = tpu.vector_load %arg7[%get3A_143, %get3A_144] {strides = array<i32>} : memref<250x64xf32, #tpu.memory_space<vmem>>, vector<1x16xf32>,
        %get3A_146 = vector.shape_cast %get3A_145 : vector<1x16xf32> to vector<16xf32>
        %mul3A_147 = arith.mulf %get3A_146, %get3A_146 : vector<16xf32>
        %add3A_148 = arith.addf %scan3A_130, %mul3A_147 : vector<16xf32>
        %get3A_149 = arith.index_cast %scan3A_127 : i32 to index
        %get3A_150 = arith.constant 48 : index
        %get3A_151 = tpu.vector_load %arg7[%get3A_149, %get3A_150] {strides = array<i32>} : memref<250x64xf32, #tpu.memory_space<vmem>>, vector<1x16xf32>,
        %get3A_152 = vector.shape_cast %get3A_151 : vector<1x16xf32> to vector<16xf32>
        %mul3A_153 = arith.mulf %get3A_152, %get3A_152 : vector<16xf32>
        %add3A_154 = arith.addf %scan3A_131, %mul3A_153 : vector<16xf32>
        scf.yield %add3A_136, %add3A_142, %add3A_148, %add3A_154 : vector<16xf32>, vector<16xf32>, vector<16xf32>, vector<16xf32>
      }
      %scan3A_126 = arith.constant 125 : i32
      scf.yield %scan3A_125#0, %scan3A_125#1, %scan3A_125#2, %scan3A_125#3 : vector<16xf32>, vector<16xf32>, vector<16xf32>, vector<16xf32>
    }
    %scan3A_14 = arith.constant 12 : i32
    %add3A_15 = arith.constant 3000 : i32
    %add3A_16 = arith.addi %mul3A_2, %add3A_15 : i32
    "tpu.region"() ({
      %run_scoped3A = tpu.sem_alloc : memref<!tpu.dma_semaphore, #tpu.memory_space<semaphore_mem>>
      %dma_start3A = arith.constant 0 : i32
      %dma_start3A_60 = arith.constant 0 : i32
      %dma_start3A_61 = tpu.memref_slice %arg6[%dma_start3A, %dma_start3A_60] : memref<250x64xf32, #tpu.memory_space<vmem>> -> memref<125x64xf32, #tpu.memory_space<vmem>>
      %dma_start3A_62 = arith.constant 0 : i32
      %dma_start3A_63 = tpu.memref_slice %arg3[%add3A_16, %dma_start3A_62] : memref<100000x64xf32, #tpu.memory_space<hbm>> -> memref<125x64xf32, #tpu.memory_space<hbm>>
      %dma_start3A_64 = arith.constant 0 : i32
      %dma_start3A_65 = arith.constant 0 : i32
      %dma_start3A_66 = tpu.memref_slice %arg6[%dma_start3A_64, %dma_start3A_65] : memref<250x64xf32, #tpu.memory_space<vmem>> -> memref<125x64xf32, #tpu.memory_space<vmem>>
      %dma_start3A_67 = arith.constant 0 : i32
      %dma_start3A_68 = tpu.memref_slice %arg3[%add3A_16, %dma_start3A_67] : memref<100000x64xf32, #tpu.memory_space<hbm>> -> memref<125x64xf32, #tpu.memory_space<hbm>>
      tpu.enqueue_dma source(%dma_start3A_68 : memref<125x64xf32, #tpu.memory_space<hbm>>) target(%dma_start3A_66 : memref<125x64xf32, #tpu.memory_space<vmem>>) target_semaphore(%run_scoped3A : memref<!tpu.dma_semaphore, #tpu.memory_space<semaphore_mem>>)
      %dma_wait3A = arith.constant 0 : i32
      %dma_wait3A_69 = arith.constant 0 : i32
      %dma_wait3A_70 = tpu.memref_slice %arg6[%dma_wait3A, %dma_wait3A_69] : memref<250x64xf32, #tpu.memory_space<vmem>> -> memref<125x64xf32, #tpu.memory_space<vmem>>
      %dma_wait3A_71 = arith.constant 0 : i32
      %dma_wait3A_72 = tpu.memref_slice %arg3[%add3A_16, %dma_wait3A_71] : memref<100000x64xf32, #tpu.memory_space<hbm>> -> memref<125x64xf32, #tpu.memory_space<hbm>>
      %dma_wait3A_73 = arith.constant 0 : i32
      %dma_wait3A_74 = arith.constant 0 : i32
      %dma_wait3A_75 = tpu.memref_slice %arg6[%dma_wait3A_73, %dma_wait3A_74] : memref<250x64xf32, #tpu.memory_space<vmem>> -> memref<125x64xf32, #tpu.memory_space<vmem>>
      %dma_wait3A_76 = arith.constant 0 : i32
      %dma_wait3A_77 = tpu.memref_slice %arg3[%add3A_16, %dma_wait3A_76] : memref<100000x64xf32, #tpu.memory_space<hbm>> -> memref<125x64xf32, #tpu.memory_space<hbm>>
      tpu.wait_dma2 semaphore(%run_scoped3A : memref<!tpu.dma_semaphore, #tpu.memory_space<semaphore_mem>>) src(%dma_wait3A_77 : memref<125x64xf32, #tpu.memory_space<hbm>>) dst(%dma_wait3A_75 : memref<125x64xf32, #tpu.memory_space<vmem>>)
      tpu.yield
    }) : () -> ()
    %scan3A_17 = arith.constant 0 : i32
    %scan3A_18 = arith.constant 125 : i32
    %scan3A_19 = arith.addi %scan3A_17, %scan3A_18 : i32
    %scan3A_20 = arith.constant 1 : i32
    %scan3A_21:4 = scf.for %scan3A_60 = %scan3A_17 to %scan3A_19 step %scan3A_20 iter_args(%scan3A_61 = %scan3A_13#0, %scan3A_62 = %scan3A_13#1, %scan3A_63 = %scan3A_13#2, %scan3A_64 = %scan3A_13#3) -> (vector<16xf32>, vector<16xf32>, vector<16xf32>, vector<16xf32>)  : i32 {
      %get3A = arith.index_cast %scan3A_60 : i32 to index
      %get3A_65 = arith.constant 0 : index
      %get3A_66 = tpu.vector_load %arg6[%get3A, %get3A_65] {strides = array<i32>} : memref<250x64xf32, #tpu.memory_space<vmem>>, vector<1x16xf32>,
      %get3A_67 = vector.shape_cast %get3A_66 : vector<1x16xf32> to vector<16xf32>
      %mul3A_68 = arith.mulf %get3A_67, %get3A_67 : vector<16xf32>
      %add3A_69 = arith.addf %scan3A_61, %mul3A_68 : vector<16xf32>
      %get3A_70 = arith.index_cast %scan3A_60 : i32 to index
      %get3A_71 = arith.constant 16 : index
      %get3A_72 = tpu.vector_load %arg6[%get3A_70, %get3A_71] {strides = array<i32>} : memref<250x64xf32, #tpu.memory_space<vmem>>, vector<1x16xf32>,
      %get3A_73 = vector.shape_cast %get3A_72 : vector<1x16xf32> to vector<16xf32>
      %mul3A_74 = arith.mulf %get3A_73, %get3A_73 : vector<16xf32>
      %add3A_75 = arith.addf %scan3A_62, %mul3A_74 : vector<16xf32>
      %get3A_76 = arith.index_cast %scan3A_60 : i32 to index
      %get3A_77 = arith.constant 32 : index
      %get3A_78 = tpu.vector_load %arg6[%get3A_76, %get3A_77] {strides = array<i32>} : memref<250x64xf32, #tpu.memory_space<vmem>>, vector<1x16xf32>,
      %get3A_79 = vector.shape_cast %get3A_78 : vector<1x16xf32> to vector<16xf32>
      %mul3A_80 = arith.mulf %get3A_79, %get3A_79 : vector<16xf32>
      %add3A_81 = arith.addf %scan3A_63, %mul3A_80 : vector<16xf32>
      %get3A_82 = arith.index_cast %scan3A_60 : i32 to index
      %get3A_83 = arith.constant 48 : index
      %get3A_84 = tpu.vector_load %arg6[%get3A_82, %get3A_83] {strides = array<i32>} : memref<250x64xf32, #tpu.memory_space<vmem>>, vector<1x16xf32>,
      %get3A_85 = vector.shape_cast %get3A_84 : vector<1x16xf32> to vector<16xf32>
      %mul3A_86 = arith.mulf %get3A_85, %get3A_85 : vector<16xf32>
      %add3A_87 = arith.addf %scan3A_64, %mul3A_86 : vector<16xf32>
      scf.yield %add3A_69, %add3A_75, %add3A_81, %add3A_87 : vector<16xf32>, vector<16xf32>, vector<16xf32>, vector<16xf32>
    }
    %scan3A_22 = arith.constant 125 : i32
    %add3A_23 = arith.addf %scan3A_21#0, %scan3A_21#1 : vector<16xf32>
    %add3A_24 = arith.addf %add3A_23, %scan3A_21#2 : vector<16xf32>
    %add3A_25 = arith.addf %add3A_24, %scan3A_21#3 : vector<16xf32>
    %swap3A = arith.constant 0 : index
    %swap3A_26 = tpu.vector_load %arg8[%swap3A] {strides = array<i32>} : memref<16xf32, #tpu.memory_space<vmem>>, vector<16xf32>,
    %swap3A_27 = vector.shape_cast %swap3A_26 : vector<16xf32> to vector<16xf32>
    %swap3A_28 = vector.shape_cast %add3A_25 : vector<16xf32> to vector<16xf32>
    tpu.vector_store %arg8[%swap3A], %swap3A_28 {strides = array<i32>} : memref<16xf32, #tpu.memory_space<vmem>>, vector<16xf32>,
    "tpu.region"() ({
      %run_scoped3A = tpu.sem_alloc : memref<!tpu.dma_semaphore, #tpu.memory_space<semaphore_mem>>
      %dma_start3A = arith.constant 0 : i32
      %dma_start3A_60 = tpu.memref_slice %arg4[%add3A, %dma_start3A] : memref<32x16xf32, #tpu.memory_space<hbm>> -> memref<1x16xf32, #tpu.memory_space<hbm>>
      %dma_start3A_61 = tpu.memref_squeeze %dma_start3A_60 : memref<1x16xf32, #tpu.memory_space<hbm>> -> memref<16xf32, #tpu.memory_space<hbm>>
      %dma_start3A_62 = arith.constant 0 : i32
      %dma_start3A_63 = tpu.memref_slice %arg4[%add3A, %dma_start3A_62] : memref<32x16xf32, #tpu.memory_space<hbm>> -> memref<1x16xf32, #tpu.memory_space<hbm>>
      %dma_start3A_64 = tpu.memref_squeeze %dma_start3A_63 : memref<1x16xf32, #tpu.memory_space<hbm>> -> memref<16xf32, #tpu.memory_space<hbm>>
      tpu.enqueue_dma source(%arg8 : memref<16xf32, #tpu.memory_space<vmem>>) target(%dma_start3A_64 : memref<16xf32, #tpu.memory_space<hbm>>) target_semaphore(%run_scoped3A : memref<!tpu.dma_semaphore, #tpu.memory_space<semaphore_mem>>)
      %dma_wait3A = arith.constant 0 : i32
      %dma_wait3A_65 = tpu.memref_slice %arg4[%add3A, %dma_wait3A] : memref<32x16xf32, #tpu.memory_space<hbm>> -> memref<1x16xf32, #tpu.memory_space<hbm>>
      %dma_wait3A_66 = tpu.memref_squeeze %dma_wait3A_65 : memref<1x16xf32, #tpu.memory_space<hbm>> -> memref<16xf32, #tpu.memory_space<hbm>>
      %dma_wait3A_67 = arith.constant 0 : i32
      %dma_wait3A_68 = tpu.memref_slice %arg4[%add3A, %dma_wait3A_67] : memref<32x16xf32, #tpu.memory_space<hbm>> -> memref<1x16xf32, #tpu.memory_space<hbm>>
      %dma_wait3A_69 = tpu.memref_squeeze %dma_wait3A_68 : memref<1x16xf32, #tpu.memory_space<hbm>> -> memref<16xf32, #tpu.memory_space<hbm>>
      tpu.wait_dma2 semaphore(%run_scoped3A : memref<!tpu.dma_semaphore, #tpu.memory_space<semaphore_mem>>) src(%arg8 : memref<16xf32, #tpu.memory_space<vmem>>) dst(%dma_wait3A_69 : memref<16xf32, #tpu.memory_space<hbm>>)
      tpu.yield
    }) : () -> ()
    %mul3A_29 = arith.constant 31250 : i32
    %mul3A_30 = arith.muli %add3A, %mul3A_29 : i32
    %broadcast_in_dim3A_31 = arith.constant 0.000000e+00 : f32
    %broadcast_in_dim3A_32 = vector.broadcast %broadcast_in_dim3A_31 : f32 to vector<16xf32>
    %broadcast_in_dim3A_33 = arith.constant 0.000000e+00 : f32
    %broadcast_in_dim3A_34 = vector.broadcast %broadcast_in_dim3A_33 : f32 to vector<16xf32>
    %broadcast_in_dim3A_35 = arith.constant 0.000000e+00 : f32
    %broadcast_in_dim3A_36 = vector.broadcast %broadcast_in_dim3A_35 : f32 to vector<16xf32>
    %broadcast_in_dim3A_37 = arith.constant 0.000000e+00 : f32
    %broadcast_in_dim3A_38 = vector.broadcast %broadcast_in_dim3A_37 : f32 to vector<16xf32>
    %scan3A_39 = arith.constant 0 : i32
    %scan3A_40 = arith.constant 62 : i32
    %scan3A_41 = arith.addi %scan3A_39, %scan3A_40 : i32
    %scan3A_42 = arith.constant 1 : i32
    %scan3A_43:4 = scf.for %scan3A_60 = %scan3A_39 to %scan3A_41 step %scan3A_42 iter_args(%scan3A_61 = %broadcast_in_dim3A_32, %scan3A_62 = %broadcast_in_dim3A_34, %scan3A_63 = %broadcast_in_dim3A_36, %scan3A_64 = %broadcast_in_dim3A_38) -> (vector<16xf32>, vector<16xf32>, vector<16xf32>, vector<16xf32>)  : i32 {
      %mul3A_65 = arith.constant 2 : i32
      %mul3A_66 = arith.muli %mul3A_65, %scan3A_60 : i32
      %mul3A_67 = arith.constant 250 : i32
      %mul3A_68 = arith.muli %mul3A_66, %mul3A_67 : i32
      %add3A_69 = arith.addi %mul3A_30, %mul3A_68 : i32
      %dma_start3A = arith.constant 0 : i32
      %dma_start3A_70 = arith.constant 0 : i32
      %dma_start3A_71 = tpu.memref_slice %arg6[%dma_start3A, %dma_start3A_70] : memref<250x64xf32, #tpu.memory_space<vmem>> -> memref<250x64xf32, #tpu.memory_space<vmem>>
      %dma_start3A_72 = arith.constant 0 : i32
      %dma_start3A_73 = tpu.memref_slice %arg2[%add3A_69, %dma_start3A_72] : memref<1000000x64xf32, #tpu.memory_space<hbm>> -> memref<250x64xf32, #tpu.memory_space<hbm>>
      %dma_start3A_74 = arith.constant 0 : i32
      %dma_start3A_75 = arith.constant 0 : i32
      %dma_start3A_76 = tpu.memref_slice %arg6[%dma_start3A_74, %dma_start3A_75] : memref<250x64xf32, #tpu.memory_space<vmem>> -> memref<250x64xf32, #tpu.memory_space<vmem>>
      %dma_start3A_77 = arith.constant 0 : i32
      %dma_start3A_78 = tpu.memref_slice %arg2[%add3A_69, %dma_start3A_77] : memref<1000000x64xf32, #tpu.memory_space<hbm>> -> memref<250x64xf32, #tpu.memory_space<hbm>>
      tpu.enqueue_dma source(%dma_start3A_78 : memref<250x64xf32, #tpu.memory_space<hbm>>) target(%dma_start3A_76 : memref<250x64xf32, #tpu.memory_space<vmem>>) target_semaphore(%arg9 : memref<!tpu.dma_semaphore, #tpu.memory_space<semaphore_mem>>)
      %mul3A_79 = arith.constant 2 : i32
      %mul3A_80 = arith.muli %mul3A_79, %scan3A_60 : i32
      %add3A_81 = arith.constant 1 : i32
      %add3A_82 = arith.addi %mul3A_80, %add3A_81 : i32
      %mul3A_83 = arith.constant 250 : i32
      %mul3A_84 = arith.muli %add3A_82, %mul3A_83 : i32
      %add3A_85 = arith.addi %mul3A_30, %mul3A_84 : i32
      %dma_start3A_86 = arith.constant 0 : i32
      %dma_start3A_87 = arith.constant 0 : i32
      %dma_start3A_88 = tpu.memref_slice %arg7[%dma_start3A_86, %dma_start3A_87] : memref<250x64xf32, #tpu.memory_space<vmem>> -> memref<250x64xf32, #tpu.memory_space<vmem>>
      %dma_start3A_89 = arith.constant 0 : i32
      %dma_start3A_90 = tpu.memref_slice %arg2[%add3A_85, %dma_start3A_89] : memref<1000000x64xf32, #tpu.memory_space<hbm>> -> memref<250x64xf32, #tpu.memory_space<hbm>>
      %dma_start3A_91 = arith.constant 0 : i32
      %dma_start3A_92 = arith.constant 0 : i32
      %dma_start3A_93 = tpu.memref_slice %arg7[%dma_start3A_91, %dma_start3A_92] : memref<250x64xf32, #tpu.memory_space<vmem>> -> memref<250x64xf32, #tpu.memory_space<vmem>>
      %dma_start3A_94 = arith.constant 0 : i32
      %dma_start3A_95 = tpu.memref_slice %arg2[%add3A_85, %dma_start3A_94] : memref<1000000x64xf32, #tpu.memory_space<hbm>> -> memref<250x64xf32, #tpu.memory_space<hbm>>
      tpu.enqueue_dma source(%dma_start3A_95 : memref<250x64xf32, #tpu.memory_space<hbm>>) target(%dma_start3A_93 : memref<250x64xf32, #tpu.memory_space<vmem>>) target_semaphore(%arg10 : memref<!tpu.dma_semaphore, #tpu.memory_space<semaphore_mem>>)
      %dma_wait3A = arith.constant 0 : i32
      %dma_wait3A_96 = arith.constant 0 : i32
      %dma_wait3A_97 = tpu.memref_slice %arg6[%dma_wait3A, %dma_wait3A_96] : memref<250x64xf32, #tpu.memory_space<vmem>> -> memref<250x64xf32, #tpu.memory_space<vmem>>
      %dma_wait3A_98 = arith.constant 0 : i32
      %dma_wait3A_99 = tpu.memref_slice %arg2[%add3A_69, %dma_wait3A_98] : memref<1000000x64xf32, #tpu.memory_space<hbm>> -> memref<250x64xf32, #tpu.memory_space<hbm>>
      %dma_wait3A_100 = arith.constant 0 : i32
      %dma_wait3A_101 = arith.constant 0 : i32
      %dma_wait3A_102 = tpu.memref_slice %arg6[%dma_wait3A_100, %dma_wait3A_101] : memref<250x64xf32, #tpu.memory_space<vmem>> -> memref<250x64xf32, #tpu.memory_space<vmem>>
      %dma_wait3A_103 = arith.constant 0 : i32
      %dma_wait3A_104 = tpu.memref_slice %arg2[%add3A_69, %dma_wait3A_103] : memref<1000000x64xf32, #tpu.memory_space<hbm>> -> memref<250x64xf32, #tpu.memory_space<hbm>>
      tpu.wait_dma2 semaphore(%arg9 : memref<!tpu.dma_semaphore, #tpu.memory_space<semaphore_mem>>) src(%dma_wait3A_104 : memref<250x64xf32, #tpu.memory_space<hbm>>) dst(%dma_wait3A_102 : memref<250x64xf32, #tpu.memory_space<vmem>>)
      %scan3A_105 = arith.constant 0 : i32
      %scan3A_106 = arith.constant 250 : i32
      %scan3A_107 = arith.addi %scan3A_105, %scan3A_106 : i32
      %scan3A_108 = arith.constant 1 : i32
      %scan3A_109:4 = scf.for %scan3A_127 = %scan3A_105 to %scan3A_107 step %scan3A_108 iter_args(%scan3A_128 = %scan3A_61, %scan3A_129 = %scan3A_62, %scan3A_130 = %scan3A_63, %scan3A_131 = %scan3A_64) -> (vector<16xf32>, vector<16xf32>, vector<16xf32>, vector<16xf32>)  : i32 {
        %get3A = arith.index_cast %scan3A_127 : i32 to index
        %get3A_132 = arith.constant 0 : index
        %get3A_133 = tpu.vector_load %arg6[%get3A, %get3A_132] {strides = array<i32>} : memref<250x64xf32, #tpu.memory_space<vmem>>, vector<1x16xf32>,
        %get3A_134 = vector.shape_cast %get3A_133 : vector<1x16xf32> to vector<16xf32>
        %mul3A_135 = arith.mulf %get3A_134, %get3A_134 : vector<16xf32>
        %add3A_136 = arith.addf %scan3A_128, %mul3A_135 : vector<16xf32>
        %get3A_137 = arith.index_cast %scan3A_127 : i32 to index
        %get3A_138 = arith.constant 16 : index
        %get3A_139 = tpu.vector_load %arg6[%get3A_137, %get3A_138] {strides = array<i32>} : memref<250x64xf32, #tpu.memory_space<vmem>>, vector<1x16xf32>,
        %get3A_140 = vector.shape_cast %get3A_139 : vector<1x16xf32> to vector<16xf32>
        %mul3A_141 = arith.mulf %get3A_140, %get3A_140 : vector<16xf32>
        %add3A_142 = arith.addf %scan3A_129, %mul3A_141 : vector<16xf32>
        %get3A_143 = arith.index_cast %scan3A_127 : i32 to index
        %get3A_144 = arith.constant 32 : index
        %get3A_145 = tpu.vector_load %arg6[%get3A_143, %get3A_144] {strides = array<i32>} : memref<250x64xf32, #tpu.memory_space<vmem>>, vector<1x16xf32>,
        %get3A_146 = vector.shape_cast %get3A_145 : vector<1x16xf32> to vector<16xf32>
        %mul3A_147 = arith.mulf %get3A_146, %get3A_146 : vector<16xf32>
        %add3A_148 = arith.addf %scan3A_130, %mul3A_147 : vector<16xf32>
        %get3A_149 = arith.index_cast %scan3A_127 : i32 to index
        %get3A_150 = arith.constant 48 : index
        %get3A_151 = tpu.vector_load %arg6[%get3A_149, %get3A_150] {strides = array<i32>} : memref<250x64xf32, #tpu.memory_space<vmem>>, vector<1x16xf32>,
        %get3A_152 = vector.shape_cast %get3A_151 : vector<1x16xf32> to vector<16xf32>
        %mul3A_153 = arith.mulf %get3A_152, %get3A_152 : vector<16xf32>
        %add3A_154 = arith.addf %scan3A_131, %mul3A_153 : vector<16xf32>
        scf.yield %add3A_136, %add3A_142, %add3A_148, %add3A_154 : vector<16xf32>, vector<16xf32>, vector<16xf32>, vector<16xf32>
      }
      %scan3A_110 = arith.constant 250 : i32
      %dma_wait3A_111 = arith.constant 0 : i32
      %dma_wait3A_112 = arith.constant 0 : i32
      %dma_wait3A_113 = tpu.memref_slice %arg7[%dma_wait3A_111, %dma_wait3A_112] : memref<250x64xf32, #tpu.memory_space<vmem>> -> memref<250x64xf32, #tpu.memory_space<vmem>>
      %dma_wait3A_114 = arith.constant 0 : i32
      %dma_wait3A_115 = tpu.memref_slice %arg2[%add3A_85, %dma_wait3A_114] : memref<1000000x64xf32, #tpu.memory_space<hbm>> -> memref<250x64xf32, #tpu.memory_space<hbm>>
      %dma_wait3A_116 = arith.constant 0 : i32
      %dma_wait3A_117 = arith.constant 0 : i32
      %dma_wait3A_118 = tpu.memref_slice %arg7[%dma_wait3A_116, %dma_wait3A_117] : memref<250x64xf32, #tpu.memory_space<vmem>> -> memref<250x64xf32, #tpu.memory_space<vmem>>
      %dma_wait3A_119 = arith.constant 0 : i32
      %dma_wait3A_120 = tpu.memref_slice %arg2[%add3A_85, %dma_wait3A_119] : memref<1000000x64xf32, #tpu.memory_space<hbm>> -> memref<250x64xf32, #tpu.memory_space<hbm>>
      tpu.wait_dma2 semaphore(%arg10 : memref<!tpu.dma_semaphore, #tpu.memory_space<semaphore_mem>>) src(%dma_wait3A_120 : memref<250x64xf32, #tpu.memory_space<hbm>>) dst(%dma_wait3A_118 : memref<250x64xf32, #tpu.memory_space<vmem>>)
      %scan3A_121 = arith.constant 0 : i32
      %scan3A_122 = arith.constant 250 : i32
      %scan3A_123 = arith.addi %scan3A_121, %scan3A_122 : i32
      %scan3A_124 = arith.constant 1 : i32
      %scan3A_125:4 = scf.for %scan3A_127 = %scan3A_121 to %scan3A_123 step %scan3A_124 iter_args(%scan3A_128 = %scan3A_109#0, %scan3A_129 = %scan3A_109#1, %scan3A_130 = %scan3A_109#2, %scan3A_131 = %scan3A_109#3) -> (vector<16xf32>, vector<16xf32>, vector<16xf32>, vector<16xf32>)  : i32 {
        %get3A = arith.index_cast %scan3A_127 : i32 to index
        %get3A_132 = arith.constant 0 : index
        %get3A_133 = tpu.vector_load %arg7[%get3A, %get3A_132] {strides = array<i32>} : memref<250x64xf32, #tpu.memory_space<vmem>>, vector<1x16xf32>,
        %get3A_134 = vector.shape_cast %get3A_133 : vector<1x16xf32> to vector<16xf32>
        %mul3A_135 = arith.mulf %get3A_134, %get3A_134 : vector<16xf32>
        %add3A_136 = arith.addf %scan3A_128, %mul3A_135 : vector<16xf32>
        %get3A_137 = arith.index_cast %scan3A_127 : i32 to index
        %get3A_138 = arith.constant 16 : index
        %get3A_139 = tpu.vector_load %arg7[%get3A_137, %get3A_138] {strides = array<i32>} : memref<250x64xf32, #tpu.memory_space<vmem>>, vector<1x16xf32>,
        %get3A_140 = vector.shape_cast %get3A_139 : vector<1x16xf32> to vector<16xf32>
        %mul3A_141 = arith.mulf %get3A_140, %get3A_140 : vector<16xf32>
        %add3A_142 = arith.addf %scan3A_129, %mul3A_141 : vector<16xf32>
        %get3A_143 = arith.index_cast %scan3A_127 : i32 to index
        %get3A_144 = arith.constant 32 : index
        %get3A_145 = tpu.vector_load %arg7[%get3A_143, %get3A_144] {strides = array<i32>} : memref<250x64xf32, #tpu.memory_space<vmem>>, vector<1x16xf32>,
        %get3A_146 = vector.shape_cast %get3A_145 : vector<1x16xf32> to vector<16xf32>
        %mul3A_147 = arith.mulf %get3A_146, %get3A_146 : vector<16xf32>
        %add3A_148 = arith.addf %scan3A_130, %mul3A_147 : vector<16xf32>
        %get3A_149 = arith.index_cast %scan3A_127 : i32 to index
        %get3A_150 = arith.constant 48 : index
        %get3A_151 = tpu.vector_load %arg7[%get3A_149, %get3A_150] {strides = array<i32>} : memref<250x64xf32, #tpu.memory_space<vmem>>, vector<1x16xf32>,
        %get3A_152 = vector.shape_cast %get3A_151 : vector<1x16xf32> to vector<16xf32>
        %mul3A_153 = arith.mulf %get3A_152, %get3A_152 : vector<16xf32>
        %add3A_154 = arith.addf %scan3A_131, %mul3A_153 : vector<16xf32>
        scf.yield %add3A_136, %add3A_142, %add3A_148, %add3A_154 : vector<16xf32>, vector<16xf32>, vector<16xf32>, vector<16xf32>
      }
      %scan3A_126 = arith.constant 250 : i32
      scf.yield %scan3A_125#0, %scan3A_125#1, %scan3A_125#2, %scan3A_125#3 : vector<16xf32>, vector<16xf32>, vector<16xf32>, vector<16xf32>
    }
    %scan3A_44 = arith.constant 62 : i32
    %add3A_45 = arith.constant 31000 : i32
    %add3A_46 = arith.addi %mul3A_30, %add3A_45 : i32
    "tpu.region"() ({
      %run_scoped3A = tpu.sem_alloc : memref<!tpu.dma_semaphore, #tpu.memory_space<semaphore_mem>>
      %dma_start3A = arith.constant 0 : i32
      %dma_start3A_60 = arith.constant 0 : i32
      %dma_start3A_61 = tpu.memref_slice %arg6[%dma_start3A, %dma_start3A_60] : memref<250x64xf32, #tpu.memory_space<vmem>> -> memref<250x64xf32, #tpu.memory_space<vmem>>
      %dma_start3A_62 = arith.constant 0 : i32
      %dma_start3A_63 = tpu.memref_slice %arg2[%add3A_46, %dma_start3A_62] : memref<1000000x64xf32, #tpu.memory_space<hbm>> -> memref<250x64xf32, #tpu.memory_space<hbm>>
      %dma_start3A_64 = arith.constant 0 : i32
      %dma_start3A_65 = arith.constant 0 : i32
      %dma_start3A_66 = tpu.memref_slice %arg6[%dma_start3A_64, %dma_start3A_65] : memref<250x64xf32, #tpu.memory_space<vmem>> -> memref<250x64xf32, #tpu.memory_space<vmem>>
      %dma_start3A_67 = arith.constant 0 : i32
      %dma_start3A_68 = tpu.memref_slice %arg2[%add3A_46, %dma_start3A_67] : memref<1000000x64xf32, #tpu.memory_space<hbm>> -> memref<250x64xf32, #tpu.memory_space<hbm>>
      tpu.enqueue_dma source(%dma_start3A_68 : memref<250x64xf32, #tpu.memory_space<hbm>>) target(%dma_start3A_66 : memref<250x64xf32, #tpu.memory_space<vmem>>) target_semaphore(%run_scoped3A : memref<!tpu.dma_semaphore, #tpu.memory_space<semaphore_mem>>)
      %dma_wait3A = arith.constant 0 : i32
      %dma_wait3A_69 = arith.constant 0 : i32
      %dma_wait3A_70 = tpu.memref_slice %arg6[%dma_wait3A, %dma_wait3A_69] : memref<250x64xf32, #tpu.memory_space<vmem>> -> memref<250x64xf32, #tpu.memory_space<vmem>>
      %dma_wait3A_71 = arith.constant 0 : i32
      %dma_wait3A_72 = tpu.memref_slice %arg2[%add3A_46, %dma_wait3A_71] : memref<1000000x64xf32, #tpu.memory_space<hbm>> -> memref<250x64xf32, #tpu.memory_space<hbm>>
      %dma_wait3A_73 = arith.constant 0 : i32
      %dma_wait3A_74 = arith.constant 0 : i32
      %dma_wait3A_75 = tpu.memref_slice %arg6[%dma_wait3A_73, %dma_wait3A_74] : memref<250x64xf32, #tpu.memory_space<vmem>> -> memref<250x64xf32, #tpu.memory_space<vmem>>
      %dma_wait3A_76 = arith.constant 0 : i32
      %dma_wait3A_77 = tpu.memref_slice %arg2[%add3A_46, %dma_wait3A_76] : memref<1000000x64xf32, #tpu.memory_space<hbm>> -> memref<250x64xf32, #tpu.memory_space<hbm>>
      tpu.wait_dma2 semaphore(%run_scoped3A : memref<!tpu.dma_semaphore, #tpu.memory_space<semaphore_mem>>) src(%dma_wait3A_77 : memref<250x64xf32, #tpu.memory_space<hbm>>) dst(%dma_wait3A_75 : memref<250x64xf32, #tpu.memory_space<vmem>>)
      tpu.yield
    }) : () -> ()
    %scan3A_47 = arith.constant 0 : i32
    %scan3A_48 = arith.constant 250 : i32
    %scan3A_49 = arith.addi %scan3A_47, %scan3A_48 : i32
    %scan3A_50 = arith.constant 1 : i32
    %scan3A_51:4 = scf.for %scan3A_60 = %scan3A_47 to %scan3A_49 step %scan3A_50 iter_args(%scan3A_61 = %scan3A_43#0, %scan3A_62 = %scan3A_43#1, %scan3A_63 = %scan3A_43#2, %scan3A_64 = %scan3A_43#3) -> (vector<16xf32>, vector<16xf32>, vector<16xf32>, vector<16xf32>)  : i32 {
      %get3A = arith.index_cast %scan3A_60 : i32 to index
      %get3A_65 = arith.constant 0 : index
      %get3A_66 = tpu.vector_load %arg6[%get3A, %get3A_65] {strides = array<i32>} : memref<250x64xf32, #tpu.memory_space<vmem>>, vector<1x16xf32>,
      %get3A_67 = vector.shape_cast %get3A_66 : vector<1x16xf32> to vector<16xf32>
      %mul3A_68 = arith.mulf %get3A_67, %get3A_67 : vector<16xf32>
      %add3A_69 = arith.addf %scan3A_61, %mul3A_68 : vector<16xf32>
      %get3A_70 = arith.index_cast %scan3A_60 : i32 to index
      %get3A_71 = arith.constant 16 : index
      %get3A_72 = tpu.vector_load %arg6[%get3A_70, %get3A_71] {strides = array<i32>} : memref<250x64xf32, #tpu.memory_space<vmem>>, vector<1x16xf32>,
      %get3A_73 = vector.shape_cast %get3A_72 : vector<1x16xf32> to vector<16xf32>
      %mul3A_74 = arith.mulf %get3A_73, %get3A_73 : vector<16xf32>
      %add3A_75 = arith.addf %scan3A_62, %mul3A_74 : vector<16xf32>
      %get3A_76 = arith.index_cast %scan3A_60 : i32 to index
      %get3A_77 = arith.constant 32 : index
      %get3A_78 = tpu.vector_load %arg6[%get3A_76, %get3A_77] {strides = array<i32>} : memref<250x64xf32, #tpu.memory_space<vmem>>, vector<1x16xf32>,
      %get3A_79 = vector.shape_cast %get3A_78 : vector<1x16xf32> to vector<16xf32>
      %mul3A_80 = arith.mulf %get3A_79, %get3A_79 : vector<16xf32>
      %add3A_81 = arith.addf %scan3A_63, %mul3A_80 : vector<16xf32>
      %get3A_82 = arith.index_cast %scan3A_60 : i32 to index
      %get3A_83 = arith.constant 48 : index
      %get3A_84 = tpu.vector_load %arg6[%get3A_82, %get3A_83] {strides = array<i32>} : memref<250x64xf32, #tpu.memory_space<vmem>>, vector<1x16xf32>,
      %get3A_85 = vector.shape_cast %get3A_84 : vector<1x16xf32> to vector<16xf32>
      %mul3A_86 = arith.mulf %get3A_85, %get3A_85 : vector<16xf32>
      %add3A_87 = arith.addf %scan3A_64, %mul3A_86 : vector<16xf32>
      scf.yield %add3A_69, %add3A_75, %add3A_81, %add3A_87 : vector<16xf32>, vector<16xf32>, vector<16xf32>, vector<16xf32>
    }
    %scan3A_52 = arith.constant 250 : i32
    %add3A_53 = arith.addf %scan3A_51#0, %scan3A_51#1 : vector<16xf32>
    %add3A_54 = arith.addf %add3A_53, %scan3A_51#2 : vector<16xf32>
    %add3A_55 = arith.addf %add3A_54, %scan3A_51#3 : vector<16xf32>
    %swap3A_56 = arith.constant 0 : index
    %swap3A_57 = tpu.vector_load %arg8[%swap3A_56] {strides = array<i32>} : memref<16xf32, #tpu.memory_space<vmem>>, vector<16xf32>,
    %swap3A_58 = vector.shape_cast %swap3A_57 : vector<16xf32> to vector<16xf32>
    %swap3A_59 = vector.shape_cast %add3A_55 : vector<16xf32> to vector<16xf32>
    tpu.vector_store %arg8[%swap3A_56], %swap3A_59 {strides = array<i32>} : memref<16xf32, #tpu.memory_space<vmem>>, vector<16xf32>,
    "tpu.region"() ({
      %run_scoped3A = tpu.sem_alloc : memref<!tpu.dma_semaphore, #tpu.memory_space<semaphore_mem>>
      %dma_start3A = arith.constant 0 : i32
      %dma_start3A_60 = tpu.memref_slice %arg5[%add3A, %dma_start3A] : memref<32x16xf32, #tpu.memory_space<hbm>> -> memref<1x16xf32, #tpu.memory_space<hbm>>
      %dma_start3A_61 = tpu.memref_squeeze %dma_start3A_60 : memref<1x16xf32, #tpu.memory_space<hbm>> -> memref<16xf32, #tpu.memory_space<hbm>>
      %dma_start3A_62 = arith.constant 0 : i32
      %dma_start3A_63 = tpu.memref_slice %arg5[%add3A, %dma_start3A_62] : memref<32x16xf32, #tpu.memory_space<hbm>> -> memref<1x16xf32, #tpu.memory_space<hbm>>
      %dma_start3A_64 = tpu.memref_squeeze %dma_start3A_63 : memref<1x16xf32, #tpu.memory_space<hbm>> -> memref<16xf32, #tpu.memory_space<hbm>>
      tpu.enqueue_dma source(%arg8 : memref<16xf32, #tpu.memory_space<vmem>>) target(%dma_start3A_64 : memref<16xf32, #tpu.memory_space<hbm>>) target_semaphore(%run_scoped3A : memref<!tpu.dma_semaphore, #tpu.memory_space<semaphore_mem>>)
      %dma_wait3A = arith.constant 0 : i32
      %dma_wait3A_65 = tpu.memref_slice %arg5[%add3A, %dma_wait3A] : memref<32x16xf32, #tpu.memory_space<hbm>> -> memref<1x16xf32, #tpu.memory_space<hbm>>
      %dma_wait3A_66 = tpu.memref_squeeze %dma_wait3A_65 : memref<1x16xf32, #tpu.memory_space<hbm>> -> memref<16xf32, #tpu.memory_space<hbm>>
      %dma_wait3A_67 = arith.constant 0 : i32
      %dma_wait3A_68 = tpu.memref_slice %arg5[%add3A, %dma_wait3A_67] : memref<32x16xf32, #tpu.memory_space<hbm>> -> memref<1x16xf32, #tpu.memory_space<hbm>>
      %dma_wait3A_69 = tpu.memref_squeeze %dma_wait3A_68 : memref<1x16xf32, #tpu.memory_space<hbm>> -> memref<16xf32, #tpu.memory_space<hbm>>
      tpu.wait_dma2 semaphore(%run_scoped3A : memref<!tpu.dma_semaphore, #tpu.memory_space<semaphore_mem>>) src(%arg8 : memref<16xf32, #tpu.memory_space<vmem>>) dst(%dma_wait3A_69 : memref<16xf32, #tpu.memory_space<hbm>>)
      tpu.yield
    }) : () -> ()
    return
  }
}

module attributes {stable_mosaic.version = 14 : i64} {
  func.func @body(%arg0: i32, %arg1: memref<512x64xf32, #tpu.memory_space<vmem>>, %arg2: memref<512x64xf32, #tpu.memory_space<vmem>>, %arg3: memref<512x64xf32, #tpu.memory_space<vmem>>, %arg4: memref<2560x64xf32, #tpu.memory_space<vmem>>, %arg5: memref<512x64xf32, #tpu.memory_space<vmem>>, %arg6: memref<2560x64xf32, #tpu.memory_space<vmem>>, %arg7: memref<512x16xf32, #tpu.memory_space<vmem>>, %arg8: memref<2560x16xf32, #tpu.memory_space<vmem>>, %arg9: memref<1x1x512xi32, #tpu.memory_space<vmem>>, %arg10: memref<1x1x2560xi32, #tpu.memory_space<vmem>>, %arg11: memref<64x64xf32, #tpu.memory_space<vmem>>, %arg12: memref<1x64xf32, #tpu.memory_space<vmem>>, %arg13: memref<1x1xf32, #tpu.memory_space<vmem>>, %arg14: memref<1x1xf32, #tpu.memory_space<vmem>>, %arg15: memref<1x1xf32, #tpu.memory_space<vmem>>, %arg16: memref<1x1xf32, #tpu.memory_space<vmem>>, %arg17: memref<1x1xf32, #tpu.memory_space<vmem>>, %arg18: memref<1x1x512xf32, #tpu.memory_space<vmem>>) attributes {dimension_semantics = [#tpu.dimension_semantics<arbitrary>], iteration_bounds = array<i64: 32>, scalar_prefetch = 0 : i64, scratch_operands = 0 : i64, tpu.core_type = #tpu.core_type<tc>, window_params = [{transform_indices = @transform_0, window_bounds = array<i64: 512, 64>}, {transform_indices = @transform_1, window_bounds = array<i64: 512, 64>}, {transform_indices = @transform_2, window_bounds = array<i64: 512, 64>}, {transform_indices = @transform_3, window_bounds = array<i64: 2560, 64>}, {transform_indices = @transform_4, window_bounds = array<i64: 512, 64>}, {transform_indices = @transform_5, window_bounds = array<i64: 2560, 64>}, {transform_indices = @transform_6, window_bounds = array<i64: 512, 16>}, {transform_indices = @transform_7, window_bounds = array<i64: 2560, 16>}, {transform_indices = @transform_8, window_bounds = array<i64: 1, 1, 512>}, {transform_indices = @transform_9, window_bounds = array<i64: 1, 1, 2560>}, {pipeline_mode = #tpu.pipeline_mode<synchronous>, transform_indices = @transform_10, window_bounds = array<i64: 64, 64>}, {pipeline_mode = #tpu.pipeline_mode<synchronous>, transform_indices = @transform_11, window_bounds = array<i64: 1, 64>}, {pipeline_mode = #tpu.pipeline_mode<synchronous>, transform_indices = @transform_12, window_bounds = array<i64: 1, 1>}, {pipeline_mode = #tpu.pipeline_mode<synchronous>, transform_indices = @transform_13, window_bounds = array<i64: 1, 1>}, {pipeline_mode = #tpu.pipeline_mode<synchronous>, transform_indices = @transform_14, window_bounds = array<i64: 1, 1>}, {pipeline_mode = #tpu.pipeline_mode<synchronous>, transform_indices = @transform_15, window_bounds = array<i64: 1, 1>}, {pipeline_mode = #tpu.pipeline_mode<synchronous>, transform_indices = @transform_16, window_bounds = array<i64: 1, 1>}, {transform_indices = @transform_17, window_bounds = array<i64: 1, 1, 512>}]} {
    %get3A = arith.constant 0 : index
    %get3A_0 = arith.constant 0 : index
    %get3A_1 = vector.load %arg1[%get3A, %get3A_0] : memref<512x64xf32, #tpu.memory_space<vmem>>, vector<512x64xf32>
    %get3A_2 = arith.constant 0 : index
    %get3A_3 = arith.constant 0 : index
    %get3A_4 = vector.load %arg2[%get3A_2, %get3A_3] : memref<512x64xf32, #tpu.memory_space<vmem>>, vector<512x64xf32>
    %get3A_5 = arith.constant 0 : index
    %get3A_6 = arith.constant 0 : index
    %get3A_7 = vector.load %arg3[%get3A_5, %get3A_6] : memref<512x64xf32, #tpu.memory_space<vmem>>, vector<512x64xf32>
    %mul3A = arith.constant 5.000000e-02 : f32
    %mul3A_8 = vector.broadcast %mul3A : f32 to vector<512x64xf32>
    %mul3A_9 = arith.mulf %get3A_7, %mul3A_8 : vector<512x64xf32>
    %get3A_10 = arith.constant 0 : index
    %get3A_11 = arith.constant 0 : index
    %get3A_12 = vector.load %arg11[%get3A_10, %get3A_11] : memref<64x64xf32, #tpu.memory_space<vmem>>, vector<64x64xf32>
    %dot_general3A = arith.constant dense<0.000000e+00> : vector<512x64xf32>
    %dot_general3A_13 = tpu.matmul %mul3A_9, %get3A_12, %dot_general3A {dimension_numbers = #tpu.dot_dimension_numbers<[1], [0], [0], [1], [0, 0, 1, 1], [], []>, transpose_lhs_hint = false} : vector<512x64xf32>, vector<64x64xf32>, vector<512x64xf32> -> vector<512x64xf32>
    %get3A_14 = arith.constant 0 : index
    %get3A_15 = arith.constant 0 : index
    %get3A_16 = vector.load %arg12[%get3A_14, %get3A_15] : memref<1x64xf32, #tpu.memory_space<vmem>>, vector<1x64xf32>
    %add3A = vector.broadcast %get3A_16 : vector<1x64xf32> to vector<512x64xf32>
    %add3A_17 = arith.addf %dot_general3A_13, %add3A : vector<512x64xf32>
    %tanh3A = math.tanh %add3A_17 : vector<512x64xf32>
    %get3A_18 = arith.constant 0 : index
    %get3A_19 = arith.constant 0 : index
    %get3A_20 = vector.load %arg13[%get3A_18, %get3A_19] : memref<1x1xf32, #tpu.memory_space<vmem>>, vector<1x1xf32>
    %get3A_21 = vector.extract %get3A_20[0, 0] : f32 from vector<1x1xf32>
    %mul3A_22 = vector.broadcast %get3A_21 : f32 to vector<512x64xf32>
    %mul3A_23 = arith.mulf %mul3A_22, %tanh3A : vector<512x64xf32>
    %sub3A = arith.constant 1.000000e+00 : f32
    %sub3A_24 = arith.subf %sub3A, %get3A_21 : f32
    %mul3A_25 = vector.broadcast %sub3A_24 : f32 to vector<512x64xf32>
    %mul3A_26 = arith.mulf %mul3A_25, %get3A_1 : vector<512x64xf32>
    %add3A_27 = arith.addf %mul3A_23, %mul3A_26 : vector<512x64xf32>
    %mul3A_28 = arith.mulf %get3A_4, %add3A_27 : vector<512x64xf32>
    %reduce_sum3A = vector.shape_cast %mul3A_28 : vector<512x64xf32> to vector<1x512x64xf32>
    %reduce_sum3A_29 = arith.constant dense<0.000000e+00> : vector<1xf32>
    %reduce_sum3A_30 = vector.multi_reduction <add>, %reduce_sum3A, %reduce_sum3A_29 [1, 2] : vector<1x512x64xf32> to vector<1xf32>
    %reduce_sum3A_31 = vector.shape_cast %reduce_sum3A_30 : vector<1xf32> to vector<1x1x1xf32>
    %reduce_sum3A_32 = vector.extract %reduce_sum3A_31[0, 0, 0] : f32 from vector<1x1x1xf32>
    %get3A_33 = arith.constant 0 : index
    %get3A_34 = arith.constant 0 : index
    %get3A_35 = vector.load %arg4[%get3A_33, %get3A_34] : memref<2560x64xf32, #tpu.memory_space<vmem>>, vector<2560x64xf32>
    %reshape3A = vector.shape_cast %get3A_35 : vector<2560x64xf32> to vector<512x5x64xf32>
    %broadcast_in_dim3A = vector.shape_cast %add3A_27 : vector<512x64xf32> to vector<512x1x64xf32>
    %mul3A_36 = vector.broadcast %broadcast_in_dim3A : vector<512x1x64xf32> to vector<512x5x64xf32>
    %mul3A_37 = arith.mulf %reshape3A, %mul3A_36 : vector<512x5x64xf32>
    %reduce_sum3A_38 = arith.constant dense<0.000000e+00> : vector<512x5xf32>
    %reduce_sum3A_39 = vector.multi_reduction <add>, %mul3A_37, %reduce_sum3A_38 [2] : vector<512x5x64xf32> to vector<512x5xf32>
    %neg3A = arith.constant 0.000000e+00 : f32
    %neg3A_40 = vector.broadcast %neg3A : f32 to vector<512x5xf32>
    %neg3A_41 = arith.subf %neg3A_40, %reduce_sum3A_39 : vector<512x5xf32>
    %min3A = arith.constant 0.000000e+00 : f32
    %min3A_42 = vector.broadcast %min3A : f32 to vector<512x5xf32>
    %min3A_43 = arith.minimumf %neg3A_41, %min3A_42 : vector<512x5xf32>
    %abs3A = math.absf %neg3A_41 : vector<512x5xf32>
    %neg3A_44 = arith.constant 0.000000e+00 : f32
    %neg3A_45 = vector.broadcast %neg3A_44 : f32 to vector<512x5xf32>
    %neg3A_46 = arith.subf %neg3A_45, %abs3A : vector<512x5xf32>
    %exp3A = math.exp %neg3A_46 : vector<512x5xf32>
    %log1p3A = math.log1p %exp3A : vector<512x5xf32>
    %sub3A_47 = arith.subf %min3A_43, %log1p3A : vector<512x5xf32>
    %neg3A_48 = arith.constant 0.000000e+00 : f32
    %neg3A_49 = vector.broadcast %neg3A_48 : f32 to vector<512x5xf32>
    %neg3A_50 = arith.subf %neg3A_49, %sub3A_47 : vector<512x5xf32>
    %reduce_sum3A_51 = vector.shape_cast %neg3A_50 : vector<512x5xf32> to vector<1x512x5xf32>
    %reduce_sum3A_52 = arith.constant dense<0.000000e+00> : vector<1xf32>
    %reduce_sum3A_53 = vector.multi_reduction <add>, %reduce_sum3A_51, %reduce_sum3A_52 [1, 2] : vector<1x512x5xf32> to vector<1xf32>
    %reduce_sum3A_54 = vector.shape_cast %reduce_sum3A_53 : vector<1xf32> to vector<1x1x1xf32>
    %reduce_sum3A_55 = vector.extract %reduce_sum3A_54[0, 0, 0] : f32 from vector<1x1x1xf32>
    %get3A_56 = arith.constant 0 : index
    %get3A_57 = arith.constant 0 : index
    %get3A_58 = vector.load %arg5[%get3A_56, %get3A_57] : memref<512x64xf32, #tpu.memory_space<vmem>>, vector<512x64xf32>
    %mul3A_59 = arith.mulf %get3A_58, %get3A_4 : vector<512x64xf32>
    %reduce_sum3A_60 = vector.shape_cast %mul3A_59 : vector<512x64xf32> to vector<1x512x64xf32>
    %reduce_sum3A_61 = arith.constant dense<0.000000e+00> : vector<1xf32>
    %reduce_sum3A_62 = vector.multi_reduction <add>, %reduce_sum3A_60, %reduce_sum3A_61 [1, 2] : vector<1x512x64xf32> to vector<1xf32>
    %reduce_sum3A_63 = vector.shape_cast %reduce_sum3A_62 : vector<1xf32> to vector<1x1x1xf32>
    %reduce_sum3A_64 = vector.extract %reduce_sum3A_63[0, 0, 0] : f32 from vector<1x1x1xf32>
    %get3A_65 = arith.constant 0 : index
    %get3A_66 = arith.constant 0 : index
    %get3A_67 = vector.load %arg6[%get3A_65, %get3A_66] : memref<2560x64xf32, #tpu.memory_space<vmem>>, vector<2560x64xf32>
    %reshape3A_68 = vector.shape_cast %get3A_67 : vector<2560x64xf32> to vector<512x5x64xf32>
    %broadcast_in_dim3A_69 = vector.shape_cast %get3A_4 : vector<512x64xf32> to vector<512x1x64xf32>
    %mul3A_70 = vector.broadcast %broadcast_in_dim3A_69 : vector<512x1x64xf32> to vector<512x5x64xf32>
    %mul3A_71 = arith.mulf %reshape3A_68, %mul3A_70 : vector<512x5x64xf32>
    %reduce_sum3A_72 = arith.constant dense<0.000000e+00> : vector<512x5xf32>
    %reduce_sum3A_73 = vector.multi_reduction <add>, %mul3A_71, %reduce_sum3A_72 [2] : vector<512x5x64xf32> to vector<512x5xf32>
    %iota3A = tpu.iota {dimensions = array<i32: 1>} : vector<2560x16xi32>
    %get3A_74 = arith.constant 0 : index
    %get3A_75 = arith.constant 0 : index
    %get3A_76 = arith.constant 0 : index
    %get3A_77 = vector.load %arg10[%get3A_74, %get3A_75, %get3A_76] : memref<1x1x2560xi32, #tpu.memory_space<vmem>>, vector<1x1x2560xi32>
    %get3A_78 = vector.shape_cast %get3A_77 : vector<1x1x2560xi32> to vector<2560xi32>
    %broadcast_in_dim3A_79 = vector.shape_cast %get3A_78 : vector<2560xi32> to vector<2560x1xi32>
    %eq3A = vector.broadcast %broadcast_in_dim3A_79 : vector<2560x1xi32> to vector<2560x16xi32>
    %eq3A_80 = arith.cmpi eq, %iota3A, %eq3A : vector<2560x16xi32>
    %get3A_81 = arith.constant 0 : index
    %get3A_82 = arith.constant 0 : index
    %get3A_83 = vector.load %arg8[%get3A_81, %get3A_82] : memref<2560x16xf32, #tpu.memory_space<vmem>>, vector<2560x16xf32>
    %jit3A = arith.constant 0.000000e+00 : f32
    %broadcast_in_dim3A_84 = vector.broadcast %jit3A : f32 to vector<2560x16xf32>
    %select_n3A = arith.select %eq3A_80, %get3A_83, %broadcast_in_dim3A_84 : vector<2560x16xi1>, vector<2560x16xf32>
    %reduce_sum3A_85 = arith.constant dense<0.000000e+00> : vector<2560xf32>
    %reduce_sum3A_86 = vector.multi_reduction <add>, %select_n3A, %reduce_sum3A_85 [1] : vector<2560x16xf32> to vector<2560xf32>
    %reshape3A_87 = vector.shape_cast %reduce_sum3A_86 : vector<2560xf32> to vector<512x5xf32>
    %neg3A_88 = arith.constant 0.000000e+00 : f32
    %neg3A_89 = vector.broadcast %neg3A_88 : f32 to vector<512x5xf32>
    %neg3A_90 = arith.subf %neg3A_89, %reduce_sum3A_73 : vector<512x5xf32>
    %sub3A_91 = arith.subf %neg3A_90, %reshape3A_87 : vector<512x5xf32>
    %min3A_92 = arith.constant 0.000000e+00 : f32
    %min3A_93 = vector.broadcast %min3A_92 : f32 to vector<512x5xf32>
    %min3A_94 = arith.minimumf %sub3A_91, %min3A_93 : vector<512x5xf32>
    %abs3A_95 = math.absf %sub3A_91 : vector<512x5xf32>
    %neg3A_96 = arith.constant 0.000000e+00 : f32
    %neg3A_97 = vector.broadcast %neg3A_96 : f32 to vector<512x5xf32>
    %neg3A_98 = arith.subf %neg3A_97, %abs3A_95 : vector<512x5xf32>
    %exp3A_99 = math.exp %neg3A_98 : vector<512x5xf32>
    %log1p3A_100 = math.log1p %exp3A_99 : vector<512x5xf32>
    %sub3A_101 = arith.subf %min3A_94, %log1p3A_100 : vector<512x5xf32>
    %neg3A_102 = arith.constant 0.000000e+00 : f32
    %neg3A_103 = vector.broadcast %neg3A_102 : f32 to vector<512x5xf32>
    %neg3A_104 = arith.subf %neg3A_103, %sub3A_101 : vector<512x5xf32>
    %reduce_sum3A_105 = vector.shape_cast %neg3A_104 : vector<512x5xf32> to vector<1x512x5xf32>
    %reduce_sum3A_106 = arith.constant dense<0.000000e+00> : vector<1xf32>
    %reduce_sum3A_107 = vector.multi_reduction <add>, %reduce_sum3A_105, %reduce_sum3A_106 [1, 2] : vector<1x512x5xf32> to vector<1xf32>
    %reduce_sum3A_108 = vector.shape_cast %reduce_sum3A_107 : vector<1xf32> to vector<1x1x1xf32>
    %reduce_sum3A_109 = vector.extract %reduce_sum3A_108[0, 0, 0] : f32 from vector<1x1x1xf32>
    %iota3A_110 = tpu.iota {dimensions = array<i32: 1>} : vector<512x16xi32>
    %get3A_111 = arith.constant 0 : index
    %get3A_112 = arith.constant 0 : index
    %get3A_113 = arith.constant 0 : index
    %get3A_114 = vector.load %arg9[%get3A_111, %get3A_112, %get3A_113] : memref<1x1x512xi32, #tpu.memory_space<vmem>>, vector<1x1x512xi32>
    %get3A_115 = vector.shape_cast %get3A_114 : vector<1x1x512xi32> to vector<512xi32>
    %broadcast_in_dim3A_116 = vector.shape_cast %get3A_115 : vector<512xi32> to vector<512x1xi32>
    %eq3A_117 = vector.broadcast %broadcast_in_dim3A_116 : vector<512x1xi32> to vector<512x16xi32>
    %eq3A_118 = arith.cmpi eq, %iota3A_110, %eq3A_117 : vector<512x16xi32>
    %get3A_119 = arith.constant 0 : index
    %get3A_120 = arith.constant 0 : index
    %get3A_121 = vector.load %arg7[%get3A_119, %get3A_120] : memref<512x16xf32, #tpu.memory_space<vmem>>, vector<512x16xf32>
    %jit3A_122 = arith.constant 0.000000e+00 : f32
    %broadcast_in_dim3A_123 = vector.broadcast %jit3A_122 : f32 to vector<512x16xf32>
    %select_n3A_124 = arith.select %eq3A_118, %get3A_121, %broadcast_in_dim3A_123 : vector<512x16xi1>, vector<512x16xf32>
    %reduce_sum3A_125 = arith.constant dense<0.000000e+00> : vector<512xf32>
    %reduce_sum3A_126 = vector.multi_reduction <add>, %select_n3A_124, %reduce_sum3A_125 [1] : vector<512x16xf32> to vector<512xf32>
    %reshape3A_127 = vector.shape_cast %reduce_sum3A_126 : vector<512xf32> to vector<1x1x512xf32>
    %swap3A = arith.constant 0 : index
    %swap3A_128 = arith.constant 0 : index
    %swap3A_129 = arith.constant 0 : index
    %swap3A_130 = vector.load %arg18[%swap3A, %swap3A_128, %swap3A_129] : memref<1x1x512xf32, #tpu.memory_space<vmem>>, vector<1x1x512xf32>
    tpu.vector_store %arg18[%swap3A, %swap3A_128, %swap3A_129], %reshape3A_127 {strides = array<i32>} : memref<1x1x512xf32, #tpu.memory_space<vmem>>, vector<1x1x512xf32>,
    %eq3A_131 = arith.constant 0 : i32
    %eq3A_132 = arith.cmpi eq, %arg0, %eq3A_131 : i32
    %convert_element_type3A = arith.extui %eq3A_132 : i1 to i32
    %cond3A = arith.constant 0 : i32
    %cond3A_133 = arith.cmpi ne, %convert_element_type3A, %cond3A : i32
    scf.if %cond3A_133 {
      %broadcast_in_dim3A_166 = arith.constant 0.000000e+00 : f32
      %broadcast_in_dim3A_167 = vector.broadcast %broadcast_in_dim3A_166 : f32 to vector<1x1xf32>
      %swap3A_168 = arith.constant 0 : index
      %swap3A_169 = arith.constant 0 : index
      %swap3A_170 = vector.load %arg14[%swap3A_168, %swap3A_169] : memref<1x1xf32, #tpu.memory_space<vmem>>, vector<1x1xf32>
      tpu.vector_store %arg14[%swap3A_168, %swap3A_169], %broadcast_in_dim3A_167 {strides = array<i32>} : memref<1x1xf32, #tpu.memory_space<vmem>>, vector<1x1xf32>,
      %broadcast_in_dim3A_171 = arith.constant 0.000000e+00 : f32
      %broadcast_in_dim3A_172 = vector.broadcast %broadcast_in_dim3A_171 : f32 to vector<1x1xf32>
      %swap3A_173 = arith.constant 0 : index
      %swap3A_174 = arith.constant 0 : index
      %swap3A_175 = vector.load %arg15[%swap3A_173, %swap3A_174] : memref<1x1xf32, #tpu.memory_space<vmem>>, vector<1x1xf32>
      tpu.vector_store %arg15[%swap3A_173, %swap3A_174], %broadcast_in_dim3A_172 {strides = array<i32>} : memref<1x1xf32, #tpu.memory_space<vmem>>, vector<1x1xf32>,
      %broadcast_in_dim3A_176 = arith.constant 0.000000e+00 : f32
      %broadcast_in_dim3A_177 = vector.broadcast %broadcast_in_dim3A_176 : f32 to vector<1x1xf32>
      %swap3A_178 = arith.constant 0 : index
      %swap3A_179 = arith.constant 0 : index
      %swap3A_180 = vector.load %arg16[%swap3A_178, %swap3A_179] : memref<1x1xf32, #tpu.memory_space<vmem>>, vector<1x1xf32>
      tpu.vector_store %arg16[%swap3A_178, %swap3A_179], %broadcast_in_dim3A_177 {strides = array<i32>} : memref<1x1xf32, #tpu.memory_space<vmem>>, vector<1x1xf32>,
      %broadcast_in_dim3A_181 = arith.constant 0.000000e+00 : f32
      %broadcast_in_dim3A_182 = vector.broadcast %broadcast_in_dim3A_181 : f32 to vector<1x1xf32>
      %swap3A_183 = arith.constant 0 : index
      %swap3A_184 = arith.constant 0 : index
      %swap3A_185 = vector.load %arg17[%swap3A_183, %swap3A_184] : memref<1x1xf32, #tpu.memory_space<vmem>>, vector<1x1xf32>
      tpu.vector_store %arg17[%swap3A_183, %swap3A_184], %broadcast_in_dim3A_182 {strides = array<i32>} : memref<1x1xf32, #tpu.memory_space<vmem>>, vector<1x1xf32>,
    } else {
    }
    %get3A_134 = arith.constant 0 : index
    %get3A_135 = arith.constant 0 : index
    %get3A_136 = vector.load %arg14[%get3A_134, %get3A_135] : memref<1x1xf32, #tpu.memory_space<vmem>>, vector<1x1xf32>
    %reshape3A_137 = vector.broadcast %reduce_sum3A_32 : f32 to vector<1x1xf32>
    %add3A_138 = arith.addf %get3A_136, %reshape3A_137 : vector<1x1xf32>
    %swap3A_139 = arith.constant 0 : index
    %swap3A_140 = arith.constant 0 : index
    %swap3A_141 = vector.load %arg14[%swap3A_139, %swap3A_140] : memref<1x1xf32, #tpu.memory_space<vmem>>, vector<1x1xf32>
    tpu.vector_store %arg14[%swap3A_139, %swap3A_140], %add3A_138 {strides = array<i32>} : memref<1x1xf32, #tpu.memory_space<vmem>>, vector<1x1xf32>,
    %get3A_142 = arith.constant 0 : index
    %get3A_143 = arith.constant 0 : index
    %get3A_144 = vector.load %arg15[%get3A_142, %get3A_143] : memref<1x1xf32, #tpu.memory_space<vmem>>, vector<1x1xf32>
    %reshape3A_145 = vector.broadcast %reduce_sum3A_64 : f32 to vector<1x1xf32>
    %add3A_146 = arith.addf %get3A_144, %reshape3A_145 : vector<1x1xf32>
    %swap3A_147 = arith.constant 0 : index
    %swap3A_148 = arith.constant 0 : index
    %swap3A_149 = vector.load %arg15[%swap3A_147, %swap3A_148] : memref<1x1xf32, #tpu.memory_space<vmem>>, vector<1x1xf32>
    tpu.vector_store %arg15[%swap3A_147, %swap3A_148], %add3A_146 {strides = array<i32>} : memref<1x1xf32, #tpu.memory_space<vmem>>, vector<1x1xf32>,
    %get3A_150 = arith.constant 0 : index
    %get3A_151 = arith.constant 0 : index
    %get3A_152 = vector.load %arg16[%get3A_150, %get3A_151] : memref<1x1xf32, #tpu.memory_space<vmem>>, vector<1x1xf32>
    %reshape3A_153 = vector.broadcast %reduce_sum3A_55 : f32 to vector<1x1xf32>
    %add3A_154 = arith.addf %get3A_152, %reshape3A_153 : vector<1x1xf32>
    %swap3A_155 = arith.constant 0 : index
    %swap3A_156 = arith.constant 0 : index
    %swap3A_157 = vector.load %arg16[%swap3A_155, %swap3A_156] : memref<1x1xf32, #tpu.memory_space<vmem>>, vector<1x1xf32>
    tpu.vector_store %arg16[%swap3A_155, %swap3A_156], %add3A_154 {strides = array<i32>} : memref<1x1xf32, #tpu.memory_space<vmem>>, vector<1x1xf32>,
    %get3A_158 = arith.constant 0 : index
    %get3A_159 = arith.constant 0 : index
    %get3A_160 = vector.load %arg17[%get3A_158, %get3A_159] : memref<1x1xf32, #tpu.memory_space<vmem>>, vector<1x1xf32>
    %reshape3A_161 = vector.broadcast %reduce_sum3A_109 : f32 to vector<1x1xf32>
    %add3A_162 = arith.addf %get3A_160, %reshape3A_161 : vector<1x1xf32>
    %swap3A_163 = arith.constant 0 : index
    %swap3A_164 = arith.constant 0 : index
    %swap3A_165 = vector.load %arg17[%swap3A_163, %swap3A_164] : memref<1x1xf32, #tpu.memory_space<vmem>>, vector<1x1xf32>
    tpu.vector_store %arg17[%swap3A_163, %swap3A_164], %add3A_162 {strides = array<i32>} : memref<1x1xf32, #tpu.memory_space<vmem>>, vector<1x1xf32>,
    return
  }
  func.func @transform_0(%arg0: i32) -> (i32, i32) {
    %c0_i32 = arith.constant 0 : i32
    %c0_i32_0 = arith.constant 0 : i32
    return %arg0, %c0_i32 : i32, i32
  }
  func.func @transform_1(%arg0: i32) -> (i32, i32) {
    %c0_i32 = arith.constant 0 : i32
    %c0_i32_0 = arith.constant 0 : i32
    return %arg0, %c0_i32 : i32, i32
  }
  func.func @transform_2(%arg0: i32) -> (i32, i32) {
    %c0_i32 = arith.constant 0 : i32
    %c0_i32_0 = arith.constant 0 : i32
    return %arg0, %c0_i32 : i32, i32
  }
  func.func @transform_3(%arg0: i32) -> (i32, i32) {
    %c0_i32 = arith.constant 0 : i32
    %c0_i32_0 = arith.constant 0 : i32
    return %arg0, %c0_i32 : i32, i32
  }
  func.func @transform_4(%arg0: i32) -> (i32, i32) {
    %c0_i32 = arith.constant 0 : i32
    %c0_i32_0 = arith.constant 0 : i32
    return %arg0, %c0_i32 : i32, i32
  }
  func.func @transform_5(%arg0: i32) -> (i32, i32) {
    %c0_i32 = arith.constant 0 : i32
    %c0_i32_0 = arith.constant 0 : i32
    return %arg0, %c0_i32 : i32, i32
  }
  func.func @transform_6(%arg0: i32) -> (i32, i32) {
    %c0_i32 = arith.constant 0 : i32
    %c0_i32_0 = arith.constant 0 : i32
    return %arg0, %c0_i32 : i32, i32
  }
  func.func @transform_7(%arg0: i32) -> (i32, i32) {
    %c0_i32 = arith.constant 0 : i32
    %c0_i32_0 = arith.constant 0 : i32
    return %arg0, %c0_i32 : i32, i32
  }
  func.func @transform_8(%arg0: i32) -> (i32, i32, i32) {
    %c0_i32 = arith.constant 0 : i32
    %c0_i32_0 = arith.constant 0 : i32
    %c0_i32_1 = arith.constant 0 : i32
    return %arg0, %c0_i32, %c0_i32_0 : i32, i32, i32
  }
  func.func @transform_9(%arg0: i32) -> (i32, i32, i32) {
    %c0_i32 = arith.constant 0 : i32
    %c0_i32_0 = arith.constant 0 : i32
    %c0_i32_1 = arith.constant 0 : i32
    return %arg0, %c0_i32, %c0_i32_0 : i32, i32, i32
  }
  func.func @transform_10(%arg0: i32) -> (i32, i32) {
    %c0_i32 = arith.constant 0 : i32
    %c0_i32_0 = arith.constant 0 : i32
    %c0_i32_1 = arith.constant 0 : i32
    return %c0_i32, %c0_i32_0 : i32, i32
  }
  func.func @transform_11(%arg0: i32) -> (i32, i32) {
    %c0_i32 = arith.constant 0 : i32
    %c0_i32_0 = arith.constant 0 : i32
    %c0_i32_1 = arith.constant 0 : i32
    return %c0_i32, %c0_i32_0 : i32, i32
  }
  func.func @transform_12(%arg0: i32) -> (i32, i32) {
    %c0_i32 = arith.constant 0 : i32
    %c0_i32_0 = arith.constant 0 : i32
    %c0_i32_1 = arith.constant 0 : i32
    return %c0_i32, %c0_i32_0 : i32, i32
  }
  func.func @transform_13(%arg0: i32) -> (i32, i32) {
    %c0_i32 = arith.constant 0 : i32
    %c0_i32_0 = arith.constant 0 : i32
    %c0_i32_1 = arith.constant 0 : i32
    return %c0_i32, %c0_i32_0 : i32, i32
  }
  func.func @transform_14(%arg0: i32) -> (i32, i32) {
    %c0_i32 = arith.constant 0 : i32
    %c0_i32_0 = arith.constant 0 : i32
    %c0_i32_1 = arith.constant 0 : i32
    return %c0_i32, %c0_i32_0 : i32, i32
  }
  func.func @transform_15(%arg0: i32) -> (i32, i32) {
    %c0_i32 = arith.constant 0 : i32
    %c0_i32_0 = arith.constant 0 : i32
    %c0_i32_1 = arith.constant 0 : i32
    return %c0_i32, %c0_i32_0 : i32, i32
  }
  func.func @transform_16(%arg0: i32) -> (i32, i32) {
    %c0_i32 = arith.constant 0 : i32
    %c0_i32_0 = arith.constant 0 : i32
    %c0_i32_1 = arith.constant 0 : i32
    return %c0_i32, %c0_i32_0 : i32, i32
  }
  func.func @transform_17(%arg0: i32) -> (i32, i32, i32) {
    %c0_i32 = arith.constant 0 : i32
    %c0_i32_0 = arith.constant 0 : i32
    %c0_i32_1 = arith.constant 0 : i32
    return %arg0, %c0_i32, %c0_i32_0 : i32, i32, i32
  }
}

module attributes {stable_mosaic.version = 14 : i64} {
  func.func @body(%arg0: memref<1x1xf32, #tpu.memory_space<vmem>>, %arg1: memref<1x1xf32, #tpu.memory_space<vmem>>, %arg2: memref<1x1xf32, #tpu.memory_space<vmem>>, %arg3: memref<1x1xf32, #tpu.memory_space<vmem>>, %arg4: memref<32x16xf32, #tpu.memory_space<vmem>>, %arg5: memref<32x16xf32, #tpu.memory_space<vmem>>, %arg6: memref<128x128xf32, #tpu.memory_space<vmem>>, %arg7: memref<1x1xf32, #tpu.memory_space<vmem>>) attributes {dimension_semantics = [], scalar_prefetch = 0 : i64, scratch_operands = 0 : i64, tpu.core_type = #tpu.core_type<tc>} {
    %get3A = arith.constant 0 : index
    %get3A_0 = arith.constant 0 : index
    %get3A_1 = vector.load %arg1[%get3A, %get3A_0] : memref<1x1xf32, #tpu.memory_space<vmem>>, vector<1x1xf32>
    %get3A_2 = vector.extract %get3A_1[0, 0] : f32 from vector<1x1xf32>
    %get3A_3 = arith.constant 0 : index
    %get3A_4 = arith.constant 0 : index
    %get3A_5 = vector.load %arg6[%get3A_3, %get3A_4] : memref<128x128xf32, #tpu.memory_space<vmem>>, vector<128x128xf32>
    %add3A = vector.broadcast %get3A_2 : f32 to vector<128x128xf32>
    %add3A_6 = arith.addf %add3A, %get3A_5 : vector<128x128xf32>
    %min3A = arith.constant 0.000000e+00 : f32
    %min3A_7 = vector.broadcast %min3A : f32 to vector<128x128xf32>
    %min3A_8 = arith.minimumf %add3A_6, %min3A_7 : vector<128x128xf32>
    %abs3A = math.absf %add3A_6 : vector<128x128xf32>
    %neg3A = arith.constant 0.000000e+00 : f32
    %neg3A_9 = vector.broadcast %neg3A : f32 to vector<128x128xf32>
    %neg3A_10 = arith.subf %neg3A_9, %abs3A : vector<128x128xf32>
    %exp3A = math.exp %neg3A_10 : vector<128x128xf32>
    %log1p3A = math.log1p %exp3A : vector<128x128xf32>
    %sub3A = arith.subf %min3A_8, %log1p3A : vector<128x128xf32>
    %neg3A_11 = arith.constant 0.000000e+00 : f32
    %neg3A_12 = vector.broadcast %neg3A_11 : f32 to vector<128x128xf32>
    %neg3A_13 = arith.subf %neg3A_12, %sub3A : vector<128x128xf32>
    %reduce_sum3A = vector.shape_cast %neg3A_13 : vector<128x128xf32> to vector<1x128x128xf32>
    %reduce_sum3A_14 = arith.constant dense<0.000000e+00> : vector<1xf32>
    %reduce_sum3A_15 = vector.multi_reduction <add>, %reduce_sum3A, %reduce_sum3A_14 [1, 2] : vector<1x128x128xf32> to vector<1xf32>
    %reduce_sum3A_16 = vector.shape_cast %reduce_sum3A_15 : vector<1xf32> to vector<1x1x1xf32>
    %reduce_sum3A_17 = vector.extract %reduce_sum3A_16[0, 0, 0] : f32 from vector<1x1x1xf32>
    %div3A = arith.constant 1.638400e+04 : f32
    %div3A_18 = arith.divf %reduce_sum3A_17, %div3A : f32
    %get3A_19 = arith.constant 0 : index
    %get3A_20 = arith.constant 0 : index
    %get3A_21 = vector.load %arg0[%get3A_19, %get3A_20] : memref<1x1xf32, #tpu.memory_space<vmem>>, vector<1x1xf32>
    %get3A_22 = vector.extract %get3A_21[0, 0] : f32 from vector<1x1xf32>
    %min3A_23 = arith.constant 0.000000e+00 : f32
    %min3A_24 = arith.minimumf %get3A_22, %min3A_23 : f32
    %abs3A_25 = math.absf %get3A_22 : f32
    %neg3A_26 = arith.constant 0.000000e+00 : f32
    %neg3A_27 = arith.subf %neg3A_26, %abs3A_25 : f32
    %exp3A_28 = math.exp %neg3A_27 : f32
    %log1p3A_29 = math.log1p %exp3A_28 : f32
    %sub3A_30 = arith.subf %min3A_24, %log1p3A_29 : f32
    %neg3A_31 = arith.constant 0.000000e+00 : f32
    %neg3A_32 = arith.subf %neg3A_31, %sub3A_30 : f32
    %get3A_33 = arith.constant 0 : index
    %get3A_34 = arith.constant 0 : index
    %get3A_35 = vector.load %arg2[%get3A_33, %get3A_34] : memref<1x1xf32, #tpu.memory_space<vmem>>, vector<1x1xf32>
    %get3A_36 = vector.extract %get3A_35[0, 0] : f32 from vector<1x1xf32>
    %add3A_37 = arith.addf %neg3A_32, %get3A_36 : f32
    %get3A_38 = arith.constant 0 : index
    %get3A_39 = arith.constant 0 : index
    %get3A_40 = vector.load %arg4[%get3A_38, %get3A_39] : memref<32x16xf32, #tpu.memory_space<vmem>>, vector<32x16xf32>
    %reduce_sum3A_41 = vector.shape_cast %get3A_40 : vector<32x16xf32> to vector<1x32x16xf32>
    %reduce_sum3A_42 = arith.constant dense<0.000000e+00> : vector<1xf32>
    %reduce_sum3A_43 = vector.multi_reduction <add>, %reduce_sum3A_41, %reduce_sum3A_42 [1, 2] : vector<1x32x16xf32> to vector<1xf32>
    %reduce_sum3A_44 = vector.shape_cast %reduce_sum3A_43 : vector<1xf32> to vector<1x1x1xf32>
    %reduce_sum3A_45 = vector.extract %reduce_sum3A_44[0, 0, 0] : f32 from vector<1x1x1xf32>
    %sqrt3A = math.sqrt %reduce_sum3A_45 : f32
    %get3A_46 = arith.constant 0 : index
    %get3A_47 = arith.constant 0 : index
    %get3A_48 = vector.load %arg5[%get3A_46, %get3A_47] : memref<32x16xf32, #tpu.memory_space<vmem>>, vector<32x16xf32>
    %reduce_sum3A_49 = vector.shape_cast %get3A_48 : vector<32x16xf32> to vector<1x32x16xf32>
    %reduce_sum3A_50 = arith.constant dense<0.000000e+00> : vector<1xf32>
    %reduce_sum3A_51 = vector.multi_reduction <add>, %reduce_sum3A_49, %reduce_sum3A_50 [1, 2] : vector<1x32x16xf32> to vector<1xf32>
    %reduce_sum3A_52 = vector.shape_cast %reduce_sum3A_51 : vector<1xf32> to vector<1x1x1xf32>
    %reduce_sum3A_53 = vector.extract %reduce_sum3A_52[0, 0, 0] : f32 from vector<1x1x1xf32>
    %sqrt3A_54 = math.sqrt %reduce_sum3A_53 : f32
    %add3A_55 = arith.addf %sqrt3A, %sqrt3A_54 : f32
    %mul3A = arith.constant 9.99999997E-7 : f32
    %mul3A_56 = arith.mulf %mul3A, %add3A_55 : f32
    %get3A_57 = arith.constant 0 : index
    %get3A_58 = arith.constant 0 : index
    %get3A_59 = vector.load %arg3[%get3A_57, %get3A_58] : memref<1x1xf32, #tpu.memory_space<vmem>>, vector<1x1xf32>
    %get3A_60 = vector.extract %get3A_59[0, 0] : f32 from vector<1x1xf32>
    %div3A_61 = arith.constant 1.638400e+04 : f32
    %div3A_62 = arith.divf %get3A_60, %div3A_61 : f32
    %add3A_63 = arith.addf %div3A_18, %div3A_62 : f32
    %add3A_64 = arith.addf %add3A_63, %add3A_37 : f32
    %add3A_65 = arith.addf %add3A_64, %mul3A_56 : f32
    %reshape3A = vector.broadcast %add3A_65 : f32 to vector<1x1xf32>
    %swap3A = arith.constant 0 : index
    %swap3A_66 = arith.constant 0 : index
    %swap3A_67 = vector.load %arg7[%swap3A, %swap3A_66] : memref<1x1xf32, #tpu.memory_space<vmem>>, vector<1x1xf32>
    tpu.vector_store %arg7[%swap3A, %swap3A_66], %reshape3A {strides = array<i32>} : memref<1x1xf32, #tpu.memory_space<vmem>>, vector<1x1xf32>,
    return
  }
}

</mosaic_0001>

<sc_bundles>
// kernel: kernel.6.cloned.1.call-start
scs
__scs_entry_jumppad:
0x0: {  	(pc) =	sbr.rel $0x88, $3  }
0x1: {  	(tag) =	ssettag $0x0;
	lr =	simm.s32 $0x1  }
0x2: {  	[smem:$0x3F95] =	sst lr;
	_ =	strace $0xD0000000  }
0x3: {  	_ = 	snop  }
0x4: {  	_ = 	snop  }
0x5: {  	_ = 	snop  }
0x6: {  	_ = 	snop  }
0x7: {  	_ = 	snop  }
__scs_overlays_trampoline_lowered:
0x8: {  	[smem:$0x3FA4] =	sst s0  }
0x9: {  	[smem:$0x3FA5] =	sst s1  }
0xa: {  	[smem:$0x3FA6] =	sst s2  }
0xb: {  	[smem:$0x3FA7] =	sst s3  }
0xc: {  	[smem:$0x3FA8] =	sst s4  }
0xd: {  	[smem:$0x3FA9] =	sst s5  }
0xe: {  	[smem:$0x3FAA] =	sst s6  }
0xf: {  	[smem:$0x3FAB] =	sst s7  }
0x10: {  	[smem:$0x3FAC] =	sst s8  }
0x11: {  	[smem:$0x3FAD] =	sst s9;
	s0 =	simm.s32 @!p0 $0x0  }
0x12: {  	s1 =	sld [smem:$0x3F93];
	s0 =	simm.s32 @p0 $0x1  }
0x13: {  	[smem:$0x3FAE] =	sst s0;
	s0 =	simm.s32 @!p1 $0x0  }
0x14: {  	s2 =	sld [smem:$0x3F92];
	s0 =	simm.s32 @p1 $0x1  }
0x15: {  	[smem:$0x3FAF] =	sst s0;
	s0 =	simm.s32 @!p2 $0x0  }
0x16: {  	s3 =	sld [smem:$0x3FDB];
	s0 =	simm.s32 @p2 $0x1  }
0x17: {  	s4 =	simm.s32 $0x1BF5;
	[smem:$0x3FB1] =	sst s0  }
0x18: {  	s0 =	sld [smem:$0x3F94];
	_ =	swait.ge [sflag:s4], $0x0  }
0x19: {  	s7 =	sld [smem:$0x3F95]  }
0x1a: {  	s8 =	sadd.s32 $0xFFFFE003, lr  }
0x1b: {  	s9 =	sadd.s32 $0xFFFFFEF7, lr;
	s5 =	simm.s32 $0xFFFFFFFF;
	p2 =	slt.u32 s8, $0xFFFFF086  }
0x1c: {  	p1 =	slt.u32 s9, $0xF7A;
	s5 =	simm.s32 @!p2 $0x0  }
0x1d: {  	s5 =	simm.s32 @p1 $0x1;
	p0 =	seq.s32 s7, s2  }
0x1e: {  	s7 =	smul.u32 @!p0 $0xF7A, s2;
	p2 =	seq.s32 @!p0 s5, $0x0  }
0x1f: {  	s9 =	smul.u32 $0xF7A, s1;
	s8 =	simm.s32 @!p0 $0x1BF5;
	p2 =	por !p2, p0  }
0x20: {  	[sflag:s8] =	ssyncset.s32 @!p0 $0xFFFFF086;
	s6 =	sadd.s32 @!p0 s3, s7;
	s7 =	simm.s32 @!p0 $0x108  }
0x21: {  	s3 =	sadd.s32 s3, s9;
	s6 =	sadd.s32 @!p0 $0x88, s6;
	s7 =	simm.s32 @p2 $0x1082  }
0x22: {  	[simem:s7], [sflag:s8] =	dma.local @!p0 [hbm:s6], $0xF7A  }
0x23: {  	s9 =	sor.u32 $0xD0000000, s2;
	s6 =	simm.s32 $0x108;
	_ =	swait.ge @!p0 [sflag:s8], $0x0  }
0x24: {  	s3 =	sadd.s32 $0x88, s3;
	s6 =	simm.s32 @!p1 $0x1082;
	[sflag:s4] =	ssyncset.s32 $0xFFFFF086  }
0x25: {  	[simem:s6], [sflag:s4] =	dma.local [hbm:s3], $0xF7A  }
0x26: {  	[smem:$0x3F95] =	sst s1;
	(tag) =	ssettag s2;
	_ =	strace s9  }
0x27: {  	s1 =	sld [smem:$0x3FA5]  }
0x28: {  	s2 =	sld [smem:$0x3FA6]  }
0x29: {  	s4 =	sld [smem:$0x3FA8]  }
0x2a: {  	p0 =	seq.s32 s5, $0x0;
	s5 =	sld [smem:$0x3FA9]  }
0x2b: {  	s6 =	sld [smem:$0x3FAA]  }
0x2c: {  	s7 =	sld [smem:$0x3FAB]  }
0x2d: {  	s3 =	simm.s32 $0x108;
	s8 =	sld [smem:$0x3FAC]  }
0x2e: {  	s3 =	simm.s32 @!p0 $0x1082;
	s9 =	sld [smem:$0x3FAD]  }
0x2f: {  	lr =	sadd.s32 s0, s3;
	s0 =	sld [smem:$0x3FA4]  }
0x30: {  	s3 =	sld [smem:$0x3FA7]  }
0x31: {  	[smem:$0x3FB0] =	sst s10  }
0x32: {  	s10 =	sld [smem:$0x3FAE];
	_ =	sdelay $0x3  }
0x33: {  	p0 =	seq.s32 s10, $0x1;
	s10 =	sld [smem:$0x3FB0];
	_ =	sdelay $0x3  }
0x34: {  	[smem:$0x3FB0] =	sst s10  }
0x35: {  	s10 =	sld [smem:$0x3FAF];
	_ =	sdelay $0x3  }
0x36: {  	p1 =	seq.s32 s10, $0x1;
	s10 =	sld [smem:$0x3FB0];
	_ =	sdelay $0x3  }
0x37: {  	[smem:$0x3FB0] =	sst s10  }
0x38: {  	s10 =	sld [smem:$0x3FB1]  }
0x39: {  	_ = 	snop;
	(pc) =	sbr.ind lr, $3  }
0x3a: {  	_ = 	snop  }
0x3b: {  	_ = 	snop  }
0x3c: {  	p2 =	seq.s32 s10, $0x1;
	s10 =	sld [smem:$0x3FB0]  }
0x3d: {  	_ =	shalt  }
0x3e: {  	_ =	shalt  }
0x3f: {  	_ =	shalt  }
0x40: {  	_ =	shalt  }
0x41: {  	_ =	shalt  }
0x42: {  	_ =	shalt  }
0x43: {  	_ =	shalt  }
0x44: {  	_ =	shalt  }
0x45: {  	_ =	shalt  }
0x46: {  	_ =	shalt  }
0x47: {  	_ =	shalt  }
0x48: {  	_ =	shalt  }
0x49: {  	_ =	shalt  }
0x4a: {  	_ =	shalt  }
0x4b: {  	_ =	shalt  }
0x4c: {  	_ =	shalt  }
0x4d: {  	_ =	shalt  }
0x4e: {  	_ =	shalt  }
0x4f: {  	_ =	shalt  }
0x50: {  	_ =	shalt  }
0x51: {  	_ =	shalt  }
0x52: {  	_ =	shalt  }
0x53: {  	_ =	shalt  }
0x54: {  	_ =	shalt  }
0x55: {  	_ =	shalt  }
0x56: {  	_ =	shalt  }
0x57: {  	_ =	shalt  }
0x58: {  	_ =	shalt  }
0x59: {  	_ =	shalt  }
0x5a: {  	_ =	shalt  }
0x5b: {  	_ =	shalt  }
0x5c: {  	_ =	shalt  }
0x5d: {  	_ =	shalt  }
0x5e: {  	_ =	shalt  }
0x5f: {  	_ =	shalt  }
0x60: {  	_ =	shalt  }
0x61: {  	_ =	shalt  }
0x62: {  	_ =	shalt  }
0x63: {  	_ =	shalt  }
0x64: {  	_ =	shalt  }
0x65: {  	_ =	shalt  }
0x66: {  	_ =	shalt  }
0x67: {  	_ =	shalt  }
0x68: {  	_ =	shalt  }
0x69: {  	_ =	shalt  }
0x6a: {  	_ =	shalt  }
0x6b: {  	_ =	shalt  }
0x6c: {  	_ =	shalt  }
0x6d: {  	_ =	shalt  }
0x6e: {  	_ =	shalt  }
0x6f: {  	_ =	shalt  }
0x70: {  	_ =	shalt  }
0x71: {  	_ =	shalt  }
0x72: {  	_ =	shalt  }
0x73: {  	_ =	shalt  }
0x74: {  	_ =	shalt  }
0x75: {  	_ =	shalt  }
0x76: {  	_ =	shalt  }
0x77: {  	_ =	shalt  }
0x78: {  	_ =	shalt  }
0x79: {  	_ =	shalt  }
0x7a: {  	_ =	shalt  }
0x7b: {  	_ =	shalt  }
0x7c: {  	_ =	shalt  }
0x7d: {  	_ =	shalt  }
0x7e: {  	_ =	shalt  }
0x7f: {  	_ =	shalt  }
0x80: {  	_ =	shalt  }
0x81: {  	_ =	shalt  }
0x82: {  	_ =	shalt  }
0x83: {  	_ =	shalt  }
0x84: {  	_ =	shalt  }
0x85: {  	_ =	shalt  }
0x86: {  	_ =	shalt  }
0x87: {  	_ =	shalt  }
.Lfunc_end0:
.L_simem_size_0:
called_computation_lowered:
.L_overlay_start_0:
0x88: {  	s2 =	sld [smem:$0x3FD9]  }
0x89: {  	s3 =	sld [smem:$0x3FFE];
	_ =	sdelay $0x1  }
0x8a: {  	s1 =	srdreg.scid  }
0x8b: {  	s0 =	sand.u32 $0x1, s1  }
0x8c: {  	s17 =	sshll.u32 s0, $0xA;
	s2 =	sadd.s32 s3, s2  }
0x8d: {  	s2 =	sadd.s32 s2, s17  }
0x8e: {  	[smem:$0x3FBC] =	sst s2  }
0x8f: {  	_ = 	snop  }
0x90: {  	s2 =	sld [smem:$0x3FC9]  }
0x91: {  	s18 =	sld [smem:$0x3FC8]  }
0x92: {  	s4 =	sld [smem:$0x3FC6];
	(tm) =	ssettm $0x1  }
0x93: {  	s5 =	sld [smem:$0x3FFB];
	_ =	sdelay $0x3  }
0x94: {  	_ =	strace s5  }
0x95: {  	s5 =	sld [smem:$0x3FFC];
	_ =	sdelay $0x3  }
0x96: {  	_ =	strace s5  }
0x97: {  	s5 =	sld [smem:$0x3FFD];
	_ =	sdelay $0x3  }
0x98: {  	_ =	strace s5  }
0x99: {  	_ =	strace $0x8FFFFFFF  }
0x9a: {  	s19 =	sld [smem:$0x3FDB];
	_ =	sdelay $0x1  }
0x9b: {  	s6 =	simm.s32 $_scs_section_size  }
0x9c: {  	s7 =	simm.s32 $_size__tile_overlayer_lowered;
	s8 =	simm.s32 $_tile_overlayer_lowered  }
0x9d: {  	s22 =	simm.s32 $0x1BFF;
	s21 =	sshll.u32 s8, $0x1;
	s5 =	sadd.s32 s6, s19  }
0x9e: {  	s9 =	simm.s32 $0x0;
	s20 =	sshll.u32 s7, $0x1;
	s7 =	sadd.s32 s21, s5  }
0x9f: {  	[timem:s9], [sflag:s22] =	dma.local [hbm:s7], s20  }
0xa0: {  	_ =	swait.ge [sflag:s22], s20  }
0xa1: {  	s6 =	ssub.s32 $0x0, s20;
	[sflag:s22] =	ssyncset.done $0x0  }
0xa2: {  	[sflag:s22] =	ssyncadd.s32 s6;
	_ =	sdelay $0x1  }
0xa3: {  	s23 =	simm.s32 $0x1B8B  }
0xa4: {  	_ =	swait.ge [sflag:s23], $0x1  }
0xa5: {  	[sflag:s23] =	ssyncset.done $0x0  }
0xa6: {  	s25 =	simm.s32 $0x1B8E;
	s24 =	sld [smem:$0x3FFE];
	[sflag:s23] =	ssyncadd.s32 $0xFFFFFFFF  }
0xa7: {  	s26 =	simm.s32 $execute0_lowered;
	[smem:$0x3FD2] =	sst s25  }
0xa8: {  	s7 =	sshll.u32 s26, $0x1;
	_ =	strace $0x80000046;
	[dreg:$0x1] =	wrdreg $0xFFFFFFFF  }
0xa9: {  	s28 =	simm.s32 $_size_execute0_lowered;
	s5 =	sadd.s32 s5, s7;
	[dreg:$0x0] =	wrdreg $0x0  }
0xaa: {  	s7 =	sshll.u32 s28, $0x1;
	[dreg:$0x2] =	wrdreg s5  }
0xab: {  	[dreg:$0x3] =	wrdreg s7  }
0xac: {  	[dreg:$0x4] =	wrdreg $0xC0  }
0xad: {  	_ =	task [dreg:s9], $0x5FFFF  }
0xae: {  	[dreg:$0x1] =	wrdreg $0xFFFFFFFF  }
0xaf: {  	[dreg:$0x0] =	wrdreg $0x60  }
0xb0: {  	[dreg:$0x2] =	wrdreg s24  }
0xb1: {  	[dreg:$0x3] =	wrdreg s2  }
0xb2: {  	[dreg:$0x4] =	wrdreg s18  }
0xb3: {  	[dreg:$0x5] =	wrdreg s4  }
0xb4: {  	[dreg:$0x6] =	wrdreg $0x9  }
0xb5: {  	_ =	task.clear_ibuf [dreg:s9], $0x7FFFF;
	_ =	strace $0x90000046  }
0xb6: {  	s29 =	simm.s32 $0x9;
	_ =	strace $0x80000048  }
0xb7: {  	_ =	swait.ge [sflag:s29], $0x1  }
0xb8: {  	[sflag:s29] =	ssyncadd.s32 $0xFFFFFFFF  }
0xb9: {  	_ =	strace $0x90000048  }
0xba: {  	_ =	sfence  }
0xbb: {  	s30 =	sld [smem:$0x0];
	_ =	sdelay $0x2  }
0xbc: {  	s31 =	sshll.u32 s1, $0xD;
	s1 =	sshrl.u32 s1, $0x2  }
0xbd: {  	s3 =	sand.u32 $0x4000, s31;
	s1 =	sadd.s32 s1, s30  }
0xbe: {  	s0 =	sor.u32 s3, s0;
	s1 =	sshll.u32 s1, $0x11  }
0xbf: {  	s0 =	sor.u32 s1, s0  }
0xc0: {  	s0 =	sadd.s32 $0x8F2B, s0  }
0xc1: {  	[sflag:s0] =	ssyncadd.remote.s32 $0x1  }
0xc2: {  	_ =	sfence.sel $0xFFFF  }
0xc3: {  	[dreg:$0x0] =	wrdreg $0xFFFFFFFF;
	(pc) =	sbr.abs _section_cstart, $3  }
0xc4: {  	[dreg:$0x1] =	wrdreg $0xFFFFFFFF  }
0xc5: {  	_ =	task.clear_ibuf [dreg:s9], $0x2FFFF;
	_ =	strace $0x9FFFFFFF  }
0xc6: {  	(tm) =	ssettm $0x7FFFFFFF  }
0xc7: {  	_ =	shalt  }
tec
execute0_lowered:
.L_overlay_start_1:
0x0: {  	(tag) =	ssettag $0x1  }
0x1: {  	s0 =	srdreg.scid;
	s1 =	stileid.u32  }
0x2: {  	s0 =	sand.u32 $0x1, s0;
	s1 =	sshll.u32 s1, $0x1  }
0x3: {  	s9 =	sor.u32 s0, s1  }
0x4: {  	s8 =	rddreg [dreg:$0x0];
	s0 =	ssub.s32 $0x2, s0;
	s3 =	smul.u32 $0xA00, s9  }
0x5: {  	s26 =	sadd.s32 $0x3000, s8;
	s6 =	sshrl.u32 s0, $0x1;
	s10 =	smul.u32 $0x5000, s9  }
0x6: {  	s4 =	sadd.s32 $0xB8A00, s8;
	s5 =	sadd.s32 $0x24D000, s8;
	s15 =	ssub.s32 s0, s6  }
0x7: {  	s7 =	sshrl.u32 s3, $0x3;
	s0 =	sadd.s32 $0x200, s3;
	s29 =	sadd.s32 s4, s10  }
0x8: {  	s14 =	sadd.s32 $0x600, s3;
	s10 =	sadd.s32 s5, s10;
	[dreg:$0x6] =	wrdreg s29  }
0x9: {  	s28 =	sadd.s32 s26, s7;
	s6 =	sshrl.u32 s0, $0x3;
	[dreg:$0xc] =	wrdreg s10  }
0xa: {  	s11 =	sshll.u32 s0, $0x3;
	[dreg:$0x5] =	wrdreg s28;
	s12 =	sadd.s32 s26, s6  }
0xb: {  	s17 =	sshll.u32 s14, $0x3;
	s30 =	sadd.s32 s4, s11;
	[dreg:$0x7] =	wrdreg s12  }
0xc: {  	s31 =	sadd.s32 s4, s17;
	[dreg:$0x8] =	wrdreg s30  }
0xd: {  	s2 =	sadd.s32 $0x4F800, s8;
	s11 =	sadd.s32 s5, s11;
	[dreg:$0xa] =	wrdreg s31  }
0xe: {  	s22 =	sshrl.u32 s14, $0x3;
	s20 =	sadd.s32 s5, s17;
	[dreg:$0xd] =	wrdreg s11  }
0xf: {  	s0 =	sshll.u32 s0, $0x1;
	s24 =	sadd.s32 s26, s22;
	[dreg:$0xf] =	wrdreg s20  }
0x10: {  	s28 =	sadd.s32 s2, s7;
	s29 =	sadd.s32 s2, s6;
	[dreg:$0x12] =	wrdreg s24  }
0x11: {  	s17 =	sadd.s32 $0x2ED000, s8;
	s12 =	sadd.s32 $0x400, s3;
	[dreg:$0x14] =	wrdreg s28  }
0x12: {  	s3 =	sadd.s32 $0x800, s3;
	[dreg:$0x15] =	wrdreg s29;
	s31 =	sadd.s32 s2, s22  }
0x13: {  	s0 =	sadd.s32 s17, s0;
	s16 =	sshll.u32 s12, $0x3;
	[dreg:$0x17] =	wrdreg s31  }
0x14: {  	s18 =	sshll.u32 s3, $0x3;
	[dreg:$0x1f] =	wrdreg s0;
	s19 =	sadd.s32 s4, s16  }
0x15: {  	s4 =	sadd.s32 s4, s18;
	[dreg:$0x9] =	wrdreg s19  }
0x16: {  	s13 =	sshrl.u32 s12, $0x3;
	s21 =	sadd.s32 s5, s18;
	[dreg:$0xb] =	wrdreg s4  }
0x17: {  	s25 =	sshrl.u32 s3, $0x3;
	s23 =	sadd.s32 s26, s13;
	[dreg:$0x10] =	wrdreg s21  }
0x18: {  	s1 =	sadd.s32 s26, s25;
	[dreg:$0x11] =	wrdreg s23  }
0x19: {  	s30 =	sadd.s32 s2, s13;
	[dreg:$0x13] =	wrdreg s1  }
0x1a: {  	s15 =	smax.u32 s15, $0x1;
	s2 =	sadd.s32 s2, s25;
	[dreg:$0x16] =	wrdreg s30  }
0x1b: {  	s20 =	sshll.u32 s14, $0x1;
	s28 =	sshll.u32 s9, $0xC;
	[dreg:$0x18] =	wrdreg s2  }
0x1c: {  	s24 =	sshll.u32 s9, $0x6;
	s29 =	sadd.s32 s28, s8;
	s21 =	rddreg [dreg:$0x2]  }
0x1d: {  	s26 =	sadd.s32 $0x53000, s8;
	s19 =	sadd.s32 s5, s16;
	s23 =	rddreg [dreg:$0x3]  }
0x1e: {  	s18 =	sshll.u32 s12, $0x1;
	s7 =	sadd.s32 s26, s7;
	[dreg:$0xe] =	wrdreg s19  }
0x1f: {  	s12 =	sadd.s32 $0x158A00, s29;
	s10 =	sadd.s32 s26, s6;
	[dreg:$0x19] =	wrdreg s7  }
0x20: {  	s11 =	sadd.s32 s26, s13;
	s13 =	sadd.s32 s26, s22;
	[dreg:$0x1a] =	wrdreg s10  }
0x21: {  	s16 =	smul.u32 $0x1400, s9;
	s1 =	sadd.s32 s26, s25;
	[dreg:$0x1b] =	wrdreg s11  }
0x22: {  	s26 =	simm.s32 $0x0;
	s0 =	sadd.s32 s17, s18;
	[dreg:$0x1c] =	wrdreg s13  }
0x23: {  	s22 =	sshll.u32 s3, $0x1;
	s25 =	sadd.s32 s24, s8;
	[dreg:$0x1d] =	wrdreg s1  }
0x24: {  	s4 =	sadd.s32 $0xF45400, s8;
	s30 =	sshll.u32 s9, $0xA;
	[smem:$0x7FF] =	sst s26  }
0x25: {  	s5 =	sadd.s32 $0x189A00, s8;
	s6 =	sadd.s32 $0x55800, s8;
	s19 =	rddreg [dreg:$0x1]  }
0x26: {  	s9 =	sshll.u32 s9, $0x9;
	s18 =	simm.s32 $0x1;
	[smem:$0x7FC] =	sst s0  }
0x27: {  	s0 =	sadd.s32 s17, s20;
	s3 =	sadd.s32 s23, s24;
	s31 =	sadd.s32 s30, s8  }
0x28: {  	s7 =	sadd.s32 $0x5800, s8;
	s8 =	sadd.s32 $0x98A00, s8;
	s10 =	sadd.s32 $0x58A00, s29  }
0x29: {  	s11 =	sadd.s32 $0x78A00, s29;
	s13 =	sadd.s32 $0x52000, s25;
	s20 =	simm.s32 $0xA200  }
0x2a: {  	s23 =	simm.s32 $0x14480;
	s2 =	sadd.s32 s17, s16;
	[smem:$0x7FD] =	sst s0  }
0x2b: {  	s0 =	sadd.s32 s17, s22;
	s1 =	sadd.s32 s19, s24;
	s14 =	sadd.s32 $0x178A00, s31  }
0x2c: {  	s16 =	simm.s32 $0x2;
	s17 =	simm.s32 $0x200;
	s19 =	simm.s32 $0x8200  }
0x2d: {  	s22 =	simm.s32 $0xA480;
	[dreg:$0x1e] =	wrdreg s2;
	s2 =	sadd.s32 s21, s24  }
0x2e: {  	s21 =	simm.s32 $0x280;
	s24 =	simm.s32 $0x0;
	_ =	strace $0x80000047  }
.LBB2_1:
0x2f: {  	[tilespmem:s26], [sflag:$0x2] =	stream.linear.gather [hbm4b:s1+s26], $0x200, $0x38;
	[tilespmem:$0x14C80] =	vst v63  }
0x30: {  	_ =	swait.ge [sflag:s16], $0x200  }
0x31: {  	[sflag:s16] =	ssyncset.done $0x0  }
0x32: {  	[sflag:s16] =	ssyncadd.s32 $0xFFFFFE00  }
0x33: {  	[tilespmem:s17], [sflag:$0x1] =	stream.indirect.gather [hbm4b:s4+s17], $0x40, s26, s17, $0xb8;
	[tilespmem:$0x14C80] =	vst v63  }
0x34: {  	_ =	swait.ge [sflag:s18], $0x8000  }
0x35: {  	[sflag:s18] =	ssyncset.done $0x0  }
0x36: {  	[sflag:s18] =	ssyncadd.s32 $0xFFFF8000  }
0x37: {  	[hbm4b:s10+s26] =	stream.linear.scatter [tilespmem:s17], [sflag:$0x2], $0x8000, $0x38;
	[tilespmem:$0x14C80] =	vst v63  }
0x38: {  	_ =	swait.ge [sflag:s16], $0x8000  }
0x39: {  	[sflag:s16] =	ssyncset.done $0x0  }
0x3a: {  	[sflag:s16] =	ssyncadd.s32 $0xFFFF8000  }
0x3b: {  	[tilespmem:s26], [sflag:$0x2] =	stream.linear.gather [hbm4b:s2+s26], $0x200, $0x38;
	[tilespmem:$0x14C80] =	vst v63  }
0x3c: {  	_ =	swait.ge [sflag:s16], $0x200  }
0x3d: {  	[sflag:s16] =	ssyncset.done $0x0  }
0x3e: {  	[sflag:s16] =	ssyncadd.s32 $0xFFFFFE00  }
0x3f: {  	[tilespmem:s17], [sflag:$0x1] =	stream.indirect.gather [hbm4b:s4+s17], $0x40, s26, s17, $0xb8;
	[tilespmem:$0x14C80] =	vst v63  }
0x40: {  	_ =	swait.ge [sflag:s18], $0x8000  }
0x41: {  	[sflag:s18] =	ssyncset.done $0x0  }
0x42: {  	[sflag:s18] =	ssyncadd.s32 $0xFFFF8000  }
0x43: {  	[hbm4b:s11+s26] =	stream.linear.scatter [tilespmem:s17], [sflag:$0x2], $0x8000, $0x38;
	[tilespmem:$0x14C80] =	vst v63  }
0x44: {  	_ =	swait.ge [sflag:s16], $0x8000  }
0x45: {  	[sflag:s16] =	ssyncset.done $0x0  }
0x46: {  	s25 =	rddreg [dreg:$0x5];
	[sflag:s16] =	ssyncadd.s32 $0xFFFF8000  }
0x47: {  	[tilespmem:s26], [sflag:$0x2] =	stream.linear.gather [hbm4b:s25+s26], $0x200, $0x38;
	[tilespmem:$0x14C80] =	vst v63  }
0x48: {  	_ =	swait.ge [sflag:s16], $0x200  }
0x49: {  	[sflag:s16] =	ssyncset.done $0x0  }
0x4a: {  	[sflag:s16] =	ssyncadd.s32 $0xFFFFFE00  }
0x4b: {  	[tilespmem:s17], [sflag:$0x1] =	stream.indirect.gather [hbm4b:s4+s17], $0x40, s26, s17, $0xb8;
	[tilespmem:$0x14C80] =	vst v63  }
0x4c: {  	_ =	swait.ge [sflag:s18], $0x8000  }
0x4d: {  	[sflag:s18] =	ssyncset.done $0x0  }
0x4e: {  	s28 =	rddreg [dreg:$0x6];
	[sflag:s18] =	ssyncadd.s32 $0xFFFF8000  }
0x4f: {  	[hbm4b:s28+s26] =	stream.linear.scatter [tilespmem:s17], [sflag:$0x2], $0x8000, $0x38;
	[tilespmem:$0x14C80] =	vst v63  }
0x50: {  	_ =	swait.ge [sflag:s16], $0x8000  }
0x51: {  	[sflag:s16] =	ssyncset.done $0x0  }
0x52: {  	s29 =	rddreg [dreg:$0x7];
	[sflag:s16] =	ssyncadd.s32 $0xFFFF8000  }
0x53: {  	[tilespmem:s26], [sflag:$0x2] =	stream.linear.gather [hbm4b:s29+s26], $0x200, $0x38;
	[tilespmem:$0x14C80] =	vst v63  }
0x54: {  	_ =	swait.ge [sflag:s16], $0x200  }
0x55: {  	[sflag:s16] =	ssyncset.done $0x0  }
0x56: {  	[sflag:s16] =	ssyncadd.s32 $0xFFFFFE00  }
0x57: {  	[tilespmem:s17], [sflag:$0x1] =	stream.indirect.gather [hbm4b:s4+s17], $0x40, s26, s17, $0xb8;
	[tilespmem:$0x14C80] =	vst v63  }
0x58: {  	_ =	swait.ge [sflag:s18], $0x8000  }
0x59: {  	[sflag:s18] =	ssyncset.done $0x0  }
0x5a: {  	s30 =	rddreg [dreg:$0x8];
	[sflag:s18] =	ssyncadd.s32 $0xFFFF8000  }
0x5b: {  	[hbm4b:s30+s26] =	stream.linear.scatter [tilespmem:s17], [sflag:$0x2], $0x8000, $0x38;
	[tilespmem:$0x14C80] =	vst v63  }
0x5c: {  	_ =	swait.ge [sflag:s16], $0x8000  }
0x5d: {  	[sflag:s16] =	ssyncset.done $0x0  }
0x5e: {  	s31 =	rddreg [dreg:$0x11];
	[sflag:s16] =	ssyncadd.s32 $0xFFFF8000  }
0x5f: {  	[tilespmem:s26], [sflag:$0x2] =	stream.linear.gather [hbm4b:s31+s26], $0x200, $0x38;
	[tilespmem:$0x14C80] =	vst v63  }
0x60: {  	_ =	swait.ge [sflag:s16], $0x200  }
0x61: {  	[sflag:s16] =	ssyncset.done $0x0  }
0x62: {  	[sflag:s16] =	ssyncadd.s32 $0xFFFFFE00  }
0x63: {  	[tilespmem:s17], [sflag:$0x1] =	stream.indirect.gather [hbm4b:s4+s17], $0x40, s26, s17, $0xb8;
	[tilespmem:$0x14C80] =	vst v63  }
0x64: {  	_ =	swait.ge [sflag:s18], $0x8000  }
0x65: {  	[sflag:s18] =	ssyncset.done $0x0  }
0x66: {  	s28 =	rddreg [dreg:$0x9];
	[sflag:s18] =	ssyncadd.s32 $0xFFFF8000  }
0x67: {  	[hbm4b:s28+s26] =	stream.linear.scatter [tilespmem:s17], [sflag:$0x2], $0x8000, $0x38;
	[tilespmem:$0x14C80] =	vst v63  }
0x68: {  	_ =	swait.ge [sflag:s16], $0x8000  }
0x69: {  	[sflag:s16] =	ssyncset.done $0x0  }
0x6a: {  	s29 =	rddreg [dreg:$0x12];
	[sflag:s16] =	ssyncadd.s32 $0xFFFF8000  }
0x6b: {  	[tilespmem:s26], [sflag:$0x2] =	stream.linear.gather [hbm4b:s29+s26], $0x200, $0x38;
	[tilespmem:$0x14C80] =	vst v63  }
0x6c: {  	_ =	swait.ge [sflag:s16], $0x200  }
0x6d: {  	[sflag:s16] =	ssyncset.done $0x0  }
0x6e: {  	[sflag:s16] =	ssyncadd.s32 $0xFFFFFE00  }
0x6f: {  	[tilespmem:s17], [sflag:$0x1] =	stream.indirect.gather [hbm4b:s4+s17], $0x40, s26, s17, $0xb8;
	[tilespmem:$0x14C80] =	vst v63  }
0x70: {  	_ =	swait.ge [sflag:s18], $0x8000  }
0x71: {  	[sflag:s18] =	ssyncset.done $0x0  }
0x72: {  	s30 =	rddreg [dreg:$0xa];
	[sflag:s18] =	ssyncadd.s32 $0xFFFF8000  }
0x73: {  	[hbm4b:s30+s26] =	stream.linear.scatter [tilespmem:s17], [sflag:$0x2], $0x8000, $0x38;
	[tilespmem:$0x14C80] =	vst v63  }
0x74: {  	_ =	swait.ge [sflag:s16], $0x8000  }
0x75: {  	[sflag:s16] =	ssyncset.done $0x0  }
0x76: {  	s31 =	rddreg [dreg:$0x13];
	[sflag:s16] =	ssyncadd.s32 $0xFFFF8000  }
0x77: {  	[tilespmem:s26], [sflag:$0x2] =	stream.linear.gather [hbm4b:s31+s26], $0x200, $0x38;
	[tilespmem:$0x14C80] =	vst v63  }
0x78: {  	_ =	swait.ge [sflag:s16], $0x200  }
0x79: {  	[sflag:s16] =	ssyncset.done $0x0  }
0x7a: {  	[sflag:s16] =	ssyncadd.s32 $0xFFFFFE00  }
0x7b: {  	[tilespmem:s17], [sflag:$0x1] =	stream.indirect.gather [hbm4b:s4+s17], $0x40, s26, s17, $0xb8;
	[tilespmem:$0x14C80] =	vst v63  }
0x7c: {  	_ =	swait.ge [sflag:s18], $0x8000  }
0x7d: {  	[sflag:s18] =	ssyncset.done $0x0  }
0x7e: {  	s28 =	rddreg [dreg:$0xb];
	[sflag:s18] =	ssyncadd.s32 $0xFFFF8000  }
0x7f: {  	[hbm4b:s28+s26] =	stream.linear.scatter [tilespmem:s17], [sflag:$0x2], $0x8000, $0x38;
	[tilespmem:$0x14C80] =	vst v63  }
0x80: {  	_ =	swait.ge [sflag:s16], $0x8000  }
0x81: {  	[sflag:s16] =	ssyncset.done $0x0  }
0x82: {  	[sflag:s16] =	ssyncadd.s32 $0xFFFF8000  }
0x83: {  	[tilespmem:s26], [sflag:$0x2] =	stream.linear.gather [hbm4b:s3+s26], $0x200, $0x38;
	[tilespmem:$0x14C80] =	vst v63  }
0x84: {  	_ =	swait.ge [sflag:s16], $0x200  }
0x85: {  	[sflag:s16] =	ssyncset.done $0x0  }
0x86: {  	[sflag:s16] =	ssyncadd.s32 $0xFFFFFE00  }
0x87: {  	[tilespmem:s17], [sflag:$0x1] =	stream.indirect.gather [hbm4b:s5+s17], $0x40, s26, s17, $0xb8;
	[tilespmem:$0x14C80] =	vst v63  }
0x88: {  	_ =	swait.ge [sflag:s18], $0x8000  }
0x89: {  	[sflag:s18] =	ssyncset.done $0x0  }
0x8a: {  	[sflag:s18] =	ssyncadd.s32 $0xFFFF8000  }
0x8b: {  	[hbm4b:s12+s26] =	stream.linear.scatter [tilespmem:s17], [sflag:$0x2], $0x8000, $0x38;
	[tilespmem:$0x14C80] =	vst v63  }
0x8c: {  	_ =	swait.ge [sflag:s16], $0x8000  }
0x8d: {  	[sflag:s16] =	ssyncset.done $0x0  }
0x8e: {  	s29 =	rddreg [dreg:$0x14];
	[sflag:s16] =	ssyncadd.s32 $0xFFFF8000  }
0x8f: {  	[tilespmem:s26], [sflag:$0x2] =	stream.linear.gather [hbm4b:s29+s26], $0x200, $0x38;
	[tilespmem:$0x14C80] =	vst v63  }
0x90: {  	_ =	swait.ge [sflag:s16], $0x200  }
0x91: {  	[sflag:s16] =	ssyncset.done $0x0  }
0x92: {  	[sflag:s16] =	ssyncadd.s32 $0xFFFFFE00  }
0x93: {  	[tilespmem:s17], [sflag:$0x1] =	stream.indirect.gather [hbm4b:s5+s17], $0x40, s26, s17, $0xb8;
	[tilespmem:$0x14C80] =	vst v63  }
0x94: {  	_ =	swait.ge [sflag:s18], $0x8000  }
0x95: {  	[sflag:s18] =	ssyncset.done $0x0  }
0x96: {  	s30 =	rddreg [dreg:$0xc];
	[sflag:s18] =	ssyncadd.s32 $0xFFFF8000  }
0x97: {  	[hbm4b:s30+s26] =	stream.linear.scatter [tilespmem:s17], [sflag:$0x2], $0x8000, $0x38;
	[tilespmem:$0x14C80] =	vst v63  }
0x98: {  	_ =	swait.ge [sflag:s16], $0x8000  }
0x99: {  	[sflag:s16] =	ssyncset.done $0x0  }
0x9a: {  	s31 =	rddreg [dreg:$0x15];
	[sflag:s16] =	ssyncadd.s32 $0xFFFF8000  }
0x9b: {  	[tilespmem:s26], [sflag:$0x2] =	stream.linear.gather [hbm4b:s31+s26], $0x200, $0x38;
	[tilespmem:$0x14C80] =	vst v63  }
0x9c: {  	_ =	swait.ge [sflag:s16], $0x200  }
0x9d: {  	[sflag:s16] =	ssyncset.done $0x0  }
0x9e: {  	[sflag:s16] =	ssyncadd.s32 $0xFFFFFE00  }
0x9f: {  	[tilespmem:s17], [sflag:$0x1] =	stream.indirect.gather [hbm4b:s5+s17], $0x40, s26, s17, $0xb8;
	[tilespmem:$0x14C80] =	vst v63  }
0xa0: {  	_ =	swait.ge [sflag:s18], $0x8000  }
0xa1: {  	[sflag:s18] =	ssyncset.done $0x0  }
0xa2: {  	s28 =	rddreg [dreg:$0xd];
	[sflag:s18] =	ssyncadd.s32 $0xFFFF8000  }
0xa3: {  	[hbm4b:s28+s26] =	stream.linear.scatter [tilespmem:s17], [sflag:$0x2], $0x8000, $0x38;
	[tilespmem:$0x14C80] =	vst v63  }
0xa4: {  	_ =	swait.ge [sflag:s16], $0x8000  }
0xa5: {  	[sflag:s16] =	ssyncset.done $0x0  }
0xa6: {  	s29 =	rddreg [dreg:$0x16];
	[sflag:s16] =	ssyncadd.s32 $0xFFFF8000  }
0xa7: {  	[tilespmem:s26], [sflag:$0x2] =	stream.linear.gather [hbm4b:s29+s26], $0x200, $0x38;
	[tilespmem:$0x14C80] =	vst v63  }
0xa8: {  	_ =	swait.ge [sflag:s16], $0x200  }
0xa9: {  	[sflag:s16] =	ssyncset.done $0x0  }
0xaa: {  	[sflag:s16] =	ssyncadd.s32 $0xFFFFFE00  }
0xab: {  	[tilespmem:s17], [sflag:$0x1] =	stream.indirect.gather [hbm4b:s5+s17], $0x40, s26, s17, $0xb8;
	[tilespmem:$0x14C80] =	vst v63  }
0xac: {  	_ =	swait.ge [sflag:s18], $0x8000  }
0xad: {  	[sflag:s18] =	ssyncset.done $0x0  }
0xae: {  	s30 =	rddreg [dreg:$0xe];
	[sflag:s18] =	ssyncadd.s32 $0xFFFF8000  }
0xaf: {  	[hbm4b:s30+s26] =	stream.linear.scatter [tilespmem:s17], [sflag:$0x2], $0x8000, $0x38;
	[tilespmem:$0x14C80] =	vst v63  }
0xb0: {  	_ =	swait.ge [sflag:s16], $0x8000  }
0xb1: {  	[sflag:s16] =	ssyncset.done $0x0  }
0xb2: {  	s31 =	rddreg [dreg:$0x17];
	[sflag:s16] =	ssyncadd.s32 $0xFFFF8000  }
0xb3: {  	[tilespmem:s26], [sflag:$0x2] =	stream.linear.gather [hbm4b:s31+s26], $0x200, $0x38;
	[tilespmem:$0x14C80] =	vst v63  }
0xb4: {  	_ =	swait.ge [sflag:s16], $0x200  }
0xb5: {  	[sflag:s16] =	ssyncset.done $0x0  }
0xb6: {  	[sflag:s16] =	ssyncadd.s32 $0xFFFFFE00  }
0xb7: {  	[tilespmem:s17], [sflag:$0x1] =	stream.indirect.gather [hbm4b:s5+s17], $0x40, s26, s17, $0xb8;
	[tilespmem:$0x14C80] =	vst v63  }
0xb8: {  	_ =	swait.ge [sflag:s18], $0x8000  }
0xb9: {  	[sflag:s18] =	ssyncset.done $0x0  }
0xba: {  	s28 =	rddreg [dreg:$0xf];
	[sflag:s18] =	ssyncadd.s32 $0xFFFF8000  }
0xbb: {  	[hbm4b:s28+s26] =	stream.linear.scatter [tilespmem:s17], [sflag:$0x2], $0x8000, $0x38;
	[tilespmem:$0x14C80] =	vst v63  }
0xbc: {  	_ =	swait.ge [sflag:s16], $0x8000  }
0xbd: {  	[sflag:s16] =	ssyncset.done $0x0  }
0xbe: {  	s29 =	rddreg [dreg:$0x18];
	[sflag:s16] =	ssyncadd.s32 $0xFFFF8000  }
0xbf: {  	[tilespmem:s26], [sflag:$0x2] =	stream.linear.gather [hbm4b:s29+s26], $0x200, $0x38;
	[tilespmem:$0x14C80] =	vst v63  }
0xc0: {  	_ =	swait.ge [sflag:s16], $0x200  }
0xc1: {  	[sflag:s16] =	ssyncset.done $0x0  }
0xc2: {  	[sflag:s16] =	ssyncadd.s32 $0xFFFFFE00  }
0xc3: {  	[tilespmem:s17], [sflag:$0x1] =	stream.indirect.gather [hbm4b:s5+s17], $0x40, s26, s17, $0xb8;
	[tilespmem:$0x14C80] =	vst v63  }
0xc4: {  	_ =	swait.ge [sflag:s18], $0x8000  }
0xc5: {  	[sflag:s18] =	ssyncset.done $0x0  }
0xc6: {  	s30 =	rddreg [dreg:$0x10];
	[sflag:s18] =	ssyncadd.s32 $0xFFFF8000  }
0xc7: {  	[hbm4b:s30+s26] =	stream.linear.scatter [tilespmem:s17], [sflag:$0x2], $0x8000, $0x38;
	[tilespmem:$0x14C80] =	vst v63  }
0xc8: {  	_ =	swait.ge [sflag:s16], $0x8000  }
0xc9: {  	[sflag:s16] =	ssyncset.done $0x0  }
0xca: {  	[sflag:s16] =	ssyncadd.s32 $0xFFFF8000  }
0xcb: {  	[tilespmem:s26], [sflag:$0x2] =	stream.linear.gather [hbm4b:s13+s26], $0x200, $0x38;
	[tilespmem:$0x14C80] =	vst v63  }
0xcc: {  	_ =	swait.ge [sflag:s16], $0x200  }
0xcd: {  	[sflag:s16] =	ssyncset.done $0x0  }
0xce: {  	[sflag:s16] =	ssyncadd.s32 $0xFFFFFE00  }
0xcf: {  	[tilespmem:s19], [sflag:$0x1] =	stream.indirect.gather [hbm4b:s6+s17], $0x10, s26, s17, $0xb8;
	[tilespmem:$0x14C80] =	vst v63  }
0xd0: {  	_ =	swait.ge [sflag:s18], $0x2000  }
0xd1: {  	[sflag:s18] =	ssyncset.done $0x0  }
0xd2: {  	[sflag:s18] =	ssyncadd.s32 $0xFFFFE000  }
0xd3: {  	[hbm4b:s14+s26] =	stream.linear.scatter [tilespmem:s19], [sflag:$0x2], $0x2000, $0x38;
	[tilespmem:$0x14C80] =	vst v63  }
0xd4: {  	_ =	swait.ge [sflag:s16], $0x2000  }
0xd5: {  	[sflag:s16] =	ssyncset.done $0x0  }
0xd6: {  	s31 =	rddreg [dreg:$0x19];
	[sflag:s16] =	ssyncadd.s32 $0xFFFFE000  }
0xd7: {  	[tilespmem:s26], [sflag:$0x2] =	stream.linear.gather [hbm4b:s31+s26], $0x200, $0x38;
	[tilespmem:$0x14C80] =	vst v63  }
0xd8: {  	_ =	swait.ge [sflag:s16], $0x200  }
0xd9: {  	[sflag:s16] =	ssyncset.done $0x0  }
0xda: {  	[sflag:s16] =	ssyncadd.s32 $0xFFFFFE00  }
0xdb: {  	[tilespmem:s19], [sflag:$0x1] =	stream.indirect.gather [hbm4b:s6+s17], $0x10, s26, s17, $0xb8;
	[tilespmem:$0x14C80] =	vst v63  }
0xdc: {  	_ =	swait.ge [sflag:s18], $0x2000  }
0xdd: {  	[sflag:s18] =	ssyncset.done $0x0  }
0xde: {  	s28 =	rddreg [dreg:$0x1e];
	[sflag:s18] =	ssyncadd.s32 $0xFFFFE000  }
0xdf: {  	[hbm4b:s28+s26] =	stream.linear.scatter [tilespmem:s19], [sflag:$0x2], $0x2000, $0x38;
	[tilespmem:$0x14C80] =	vst v63  }
0xe0: {  	_ =	swait.ge [sflag:s16], $0x2000  }
0xe1: {  	[sflag:s16] =	ssyncset.done $0x0  }
0xe2: {  	s29 =	rddreg [dreg:$0x1a];
	[sflag:s16] =	ssyncadd.s32 $0xFFFFE000  }
0xe3: {  	[tilespmem:s26], [sflag:$0x2] =	stream.linear.gather [hbm4b:s29+s26], $0x200, $0x38;
	[tilespmem:$0x14C80] =	vst v63  }
0xe4: {  	_ =	swait.ge [sflag:s16], $0x200  }
0xe5: {  	[sflag:s16] =	ssyncset.done $0x0  }
0xe6: {  	[sflag:s16] =	ssyncadd.s32 $0xFFFFFE00  }
0xe7: {  	[tilespmem:s19], [sflag:$0x1] =	stream.indirect.gather [hbm4b:s6+s17], $0x10, s26, s17, $0xb8;
	[tilespmem:$0x14C80] =	vst v63  }
0xe8: {  	_ =	swait.ge [sflag:s18], $0x2000  }
0xe9: {  	[sflag:s18] =	ssyncset.done $0x0  }
0xea: {  	s30 =	rddreg [dreg:$0x1f];
	[sflag:s18] =	ssyncadd.s32 $0xFFFFE000  }
0xeb: {  	[hbm4b:s30+s26] =	stream.linear.scatter [tilespmem:s19], [sflag:$0x2], $0x2000, $0x38;
	[tilespmem:$0x14C80] =	vst v63  }
0xec: {  	_ =	swait.ge [sflag:s16], $0x2000  }
0xed: {  	[sflag:s16] =	ssyncset.done $0x0  }
0xee: {  	s31 =	rddreg [dreg:$0x1b];
	[sflag:s16] =	ssyncadd.s32 $0xFFFFE000  }
0xef: {  	[tilespmem:s26], [sflag:$0x2] =	stream.linear.gather [hbm4b:s31+s26], $0x200, $0x38;
	[tilespmem:$0x14C80] =	vst v63  }
0xf0: {  	_ =	swait.ge [sflag:s16], $0x200  }
0xf1: {  	[sflag:s16] =	ssyncset.done $0x0  }
0xf2: {  	[sflag:s16] =	ssyncadd.s32 $0xFFFFFE00  }
0xf3: {  	[tilespmem:s19], [sflag:$0x1] =	stream.indirect.gather [hbm4b:s6+s17], $0x10, s26, s17, $0xb8;
	[tilespmem:$0x14C80] =	vst v63  }
0xf4: {  	_ =	swait.ge [sflag:s18], $0x2000  }
0xf5: {  	s28 =	sld [smem:$0x7FC]  }
0xf6: {  	[sflag:s18] =	ssyncset.done $0x0  }
0xf7: {  	[sflag:s18] =	ssyncadd.s32 $0xFFFFE000  }
0xf8: {  	[hbm4b:s28+s26] =	stream.linear.scatter [tilespmem:s19], [sflag:$0x2], $0x2000, $0x38;
	[tilespmem:$0x14C80] =	vst v63  }
0xf9: {  	_ =	swait.ge [sflag:s16], $0x2000  }
0xfa: {  	[sflag:s16] =	ssyncset.done $0x0  }
0xfb: {  	s29 =	rddreg [dreg:$0x1c];
	[sflag:s16] =	ssyncadd.s32 $0xFFFFE000  }
0xfc: {  	[tilespmem:s26], [sflag:$0x2] =	stream.linear.gather [hbm4b:s29+s26], $0x200, $0x38;
	[tilespmem:$0x14C80] =	vst v63  }
0xfd: {  	_ =	swait.ge [sflag:s16], $0x200  }
0xfe: {  	[sflag:s16] =	ssyncset.done $0x0  }
0xff: {  	[sflag:s16] =	ssyncadd.s32 $0xFFFFFE00  }
0x100: {  	[tilespmem:s19], [sflag:$0x1] =	stream.indirect.gather [hbm4b:s6+s17], $0x10, s26, s17, $0xb8;
	[tilespmem:$0x14C80] =	vst v63  }
0x101: {  	_ =	swait.ge [sflag:s18], $0x2000  }
0x102: {  	s30 =	sld [smem:$0x7FD]  }
0x103: {  	[sflag:s18] =	ssyncset.done $0x0  }
0x104: {  	[sflag:s18] =	ssyncadd.s32 $0xFFFFE000  }
0x105: {  	[hbm4b:s30+s26] =	stream.linear.scatter [tilespmem:s19], [sflag:$0x2], $0x2000, $0x38;
	[tilespmem:$0x14C80] =	vst v63  }
0x106: {  	_ =	swait.ge [sflag:s16], $0x2000  }
0x107: {  	[sflag:s16] =	ssyncset.done $0x0  }
0x108: {  	s31 =	rddreg [dreg:$0x1d];
	[sflag:s16] =	ssyncadd.s32 $0xFFFFE000  }
0x109: {  	[tilespmem:s26], [sflag:$0x2] =	stream.linear.gather [hbm4b:s31+s26], $0x200, $0x38;
	[tilespmem:$0x14C80] =	vst v63  }
0x10a: {  	_ =	swait.ge [sflag:s16], $0x200  }
0x10b: {  	[sflag:s16] =	ssyncset.done $0x0  }
0x10c: {  	[sflag:s16] =	ssyncadd.s32 $0xFFFFFE00  }
0x10d: {  	[tilespmem:s19], [sflag:$0x1] =	stream.indirect.gather [hbm4b:s6+s17], $0x10, s26, s17, $0xb8;
	[tilespmem:$0x14C80] =	vst v63  }
0x10e: {  	_ =	swait.ge [sflag:s18], $0x2000  }
0x10f: {  	[sflag:s18] =	ssyncset.done $0x0  }
0x110: {  	[sflag:s18] =	ssyncadd.s32 $0xFFFFE000  }
0x111: {  	[hbm4b:s0+s26] =	stream.linear.scatter [tilespmem:s19], [sflag:$0x2], $0x2000, $0x38;
	[tilespmem:$0x14C80] =	vst v63  }
0x112: {  	_ =	swait.ge [sflag:s16], $0x2000  }
0x113: {  	[sflag:s16] =	ssyncset.done $0x0  }
0x114: {  	s25 =	simm.s32 $0x0;
	[sflag:s16] =	ssyncadd.s32 $0xFFFFE000  }
.LBB2_2:
0x115: {  	s28 =	sshll.u32 s25, $0x5  }
0x116: {  	s28 =	sadd.s32 s9, s28  }
0x117: {  	s29 =	smul.u32 $0x14, s28;
	_ =	sdelay $0x1  }
0x118: {  	s29 =	sshrl.u32 s29, $0x3  }
0x119: {  	s30 =	simm.s32 $0x0;
	s29 =	sadd.s32 s7, s29  }
0x11a: {  	[tilespmem:s20], [sflag:$0x2] =	stream.linear.gather [hbm4b:s29+s30], $0x280, $0x38;
	[tilespmem:$0x14C80] =	vst v63  }
0x11b: {  	_ =	swait.ge [sflag:s16], $0x280  }
0x11c: {  	[sflag:s16] =	ssyncset.done $0x0  }
0x11d: {  	[sflag:s16] =	ssyncadd.s32 $0xFFFFFD80  }
0x11e: {  	[tilespmem:s22], [sflag:$0x1] =	stream.indirect.gather [hbm4b:s5+s21], $0x40, s20, s21, $0xb8;
	[tilespmem:$0x14C80] =	vst v63  }
0x11f: {  	_ =	swait.ge [sflag:s18], $0xA000  }
0x120: {  	[sflag:s18] =	ssyncset.done $0x0  }
0x121: {  	s29 =	simm.s32 $0xA700;
	[sflag:s18] =	ssyncadd.s32 $0xFFFF6000  }
0x122: {  	v0 =	vld [tilespmem:s29+$0xFFFFFFF0]  }
0x123: {  	v1 =	vld [tilespmem:s29+$0x0]  }
0x124: {  	v2 =	vld [tilespmem:s29+$0xFFFFFFB0]  }
0x125: {  	v3 =	vld [tilespmem:s29+$0xFFFFFFA0]  }
0x126: {  	v4 =	vld [tilespmem:s29+$0xFFFFFF90]  }
0x127: {  	v5 =	vld [tilespmem:s29+$0xFFFFFF80]  }
0x128: {  	v6 =	vld [tilespmem:s29+$0xFFFFFF70]  }
0x129: {  	v7 =	vld [tilespmem:s29+$0xFFFFFF60]  }
0x12a: {  	v8 =	vld [tilespmem:s29+$0xFFFFFF50]  }
0x12b: {  	v9 =	vld [tilespmem:s29+$0xFFFFFF40]  }
0x12c: {  	v10 =	vld [tilespmem:s29+$0xFFFFFF30]  }
0x12d: {  	v11 =	vld [tilespmem:s29+$0xFFFFFF20]  }
0x12e: {  	v12 =	vld [tilespmem:s29+$0xFFFFFF10]  }
0x12f: {  	v13 =	vld [tilespmem:s29+$0xFFFFFF00]  }
0x130: {  	v14 =	vld [tilespmem:s29+$0xFFFFFEF0]  }
0x131: {  	v15 =	vld [tilespmem:s29+$0xFFFFFEE0]  }
0x132: {  	v16 =	vld [tilespmem:s29+$0xFFFFFEC0]  }
0x133: {  	v17 =	vld [tilespmem:s29+$0xFFFFFEB0]  }
0x134: {  	v18 =	vld [tilespmem:s29+$0xFFFFFEA0]  }
0x135: {  	v19 =	vld [tilespmem:s29+$0xFFFFFE90]  }
0x136: {  	v20 =	vld [tilespmem:s29+$0xFFFFFE80]  }
0x137: {  	v21 =	vld [tilespmem:s29+$0xFFFFFE70]  }
0x138: {  	v22 =	vld [tilespmem:s29+$0xFFFFFE60]  }
0x139: {  	v23 =	vld [tilespmem:s29+$0xFFFFFE40]  }
0x13a: {  	v24 =	vld [tilespmem:s29+$0xFFFFFE30]  }
0x13b: {  	v25 =	vld [tilespmem:s29+$0xFFFFFE20]  }
0x13c: {  	v26 =	vld [tilespmem:s29+$0xF0]  }
0x13d: {  	v27 =	vld [tilespmem:s29+$0xFFFFFE10]  }
0x13e: {  	v28 =	vld [tilespmem:s29+$0xFFFFFE00]  }
0x13f: {  	v29 =	vld [tilespmem:s29+$0xFFFFFDF0]  }
0x140: {  	v30 =	vld [tilespmem:s29+$0xB0]  }
0x141: {  	v31 =	vld [tilespmem:s29+$0xFFFFFDE0]  }
0x142: {  	v32 =	vld [tilespmem:s29+$0xFFFFFDC0]  }
0x143: {  	v33 =	vld [tilespmem:s29+$0xFFFFFFC0]  }
0x144: {  	v34 =	vld [tilespmem:s29+$0xFFFFFD80]  }
0x145: {  	v35 =	vld [tilespmem:s29+$0x70]  }
0x146: {  	v36 =	vld [tilespmem:s29+$0xFFFFFDB0]  }
0x147: {  	v37 =	vld [tilespmem:s29+$0x40]  }
0x148: {  	v38 =	vld [tilespmem:s29+$0x30]  }
0x149: {  	v40 =	vld [tilespmem:s29+$0xFFFFFDA0]  }
0x14a: {  	v39 =	vld [tilespmem:s29+$0x80]  }
0x14b: {  	v41 =	vld [tilespmem:s29+$0xC0]  }
0x14c: {  	v42 =	vld [tilespmem:s29+$0xFFFFFD90]  }
0x14d: {  	v43 =	vld [tilespmem:s29+$0x100];
	v34 =	vadd.f32 $0.0e+00, v34  }
0x14e: {  	v54 =	vld [tilespmem:s29+$0xFFFFFDD0];
	v36 =	vadd.f32 $0.0e+00, v36;
	v40 =	vadd.f32 $0.0e+00, v40  }
0x14f: {  	v44 =	vld [tilespmem:s29+$0x140];
	v32 =	vadd.f32 v32, v34  }
0x150: {  	v56 =	vld [tilespmem:s29+$0xFFFFFE50];
	v29 =	vadd.f32 v29, v36;
	v31 =	vadd.f32 v31, v40  }
0x151: {  	v58 =	vld [tilespmem:s29+$0x170];
	v55 =	vadd.f32 $0.0e+00, v42;
	v28 =	vadd.f32 v28, v32  }
0x152: {  	v60 =	vld [tilespmem:s29+$0xFFFFFED0];
	v24 =	vadd.f32 v24, v29;
	v25 =	vadd.f32 v25, v31  }
0x153: {  	v62 =	vld [tilespmem:s29+$0x1F0];
	v57 =	vadd.f32 v54, v55;
	v23 =	vadd.f32 v23, v28  }
0x154: {  	v63 =	vld [tilespmem:s29+$0x90];
	v21 =	vadd.f32 v21, v24;
	v22 =	vadd.f32 v22, v25  }
0x155: {  	v45 =	vld [tilespmem:s29+$0xFFFFFFD0];
	v59 =	vadd.f32 v27, v57;
	v20 =	vadd.f32 v20, v23  }
0x156: {  	v46 =	vld [tilespmem:s29+$0x60];
	v17 =	vadd.f32 v17, v21;
	v18 =	vadd.f32 v18, v22  }
0x157: {  	v47 =	vld [tilespmem:s29+$0x50];
	v61 =	vadd.f32 v56, v59;
	v16 =	vadd.f32 v16, v20  }
0x158: {  	v48 =	vld [tilespmem:s29+$0xA0];
	v14 =	vadd.f32 v14, v17;
	v15 =	vadd.f32 v15, v18  }
0x159: {  	v49 =	vld [tilespmem:s29+$0xE0];
	v21 =	vadd.f32 v19, v61;
	v13 =	vadd.f32 v13, v16  }
0x15a: {  	v50 =	vld [tilespmem:s29+$0x120];
	v10 =	vadd.f32 v10, v14;
	v11 =	vadd.f32 v11, v15  }
0x15b: {  	v34 =	vld [tilespmem:s29+$0xFFFFFFE0];
	v28 =	vadd.f32 v60, v21;
	v9 =	vadd.f32 v9, v13  }
0x15c: {  	v51 =	vld [tilespmem:s29+$0x1C0];
	v6 =	vadd.f32 v6, v10;
	v7 =	vadd.f32 v7, v11  }
0x15d: {  	v42 =	vld [tilespmem:s29+$0x20];
	v36 =	vadd.f32 v12, v28;
	v5 =	vadd.f32 v5, v9  }
0x15e: {  	v52 =	vld [tilespmem:s29+$0xD0];
	v2 =	vadd.f32 v2, v6;
	v3 =	vadd.f32 v3, v7  }
0x15f: {  	v53 =	vld [tilespmem:s29+$0x160];
	v8 =	vadd.f32 v8, v36;
	v5 =	vadd.f32 v33, v5  }
0x160: {  	v0 =	vadd.f32 v0, v2;
	v2 =	vld [tilespmem:s29+$0x10];
	v3 =	vadd.f32 v34, v3  }
0x161: {  	v40 =	vld [tilespmem:s29+$0x180];
	v4 =	vadd.f32 v4, v8;
	v1 =	vadd.f32 v1, v5  }
0x162: {  	v54 =	vld [tilespmem:s29+$0x110];
	v0 =	vadd.f32 v38, v0;
	v3 =	vadd.f32 v42, v3  }
0x163: {  	v55 =	vld [tilespmem:s29+$0x1A0];
	v4 =	vadd.f32 v45, v4;
	v1 =	vadd.f32 v37, v1  }
0x164: {  	v32 =	vld [tilespmem:s29+$0x130];
	v0 =	vadd.f32 v35, v0;
	v3 =	vadd.f32 v46, v3  }
0x165: {  	v27 =	vld [tilespmem:s29+$0x240];
	v2 =	vadd.f32 v2, v4;
	v1 =	vadd.f32 v39, v1  }
0x166: {  	v29 =	vld [tilespmem:s29+$0x270];
	v0 =	vadd.f32 v30, v0;
	v3 =	vadd.f32 v48, v3  }
0x167: {  	v57 =	vld [tilespmem:s29+$0x1E0];
	v2 =	vadd.f32 v47, v2;
	v1 =	vadd.f32 v41, v1  }
0x168: {  	v25 =	vld [tilespmem:s29+$0x1B0];
	v0 =	vadd.f32 v26, v0;
	v3 =	vadd.f32 v49, v3  }
0x169: {  	v24 =	vld [tilespmem:s29+$0x230];
	v2 =	vadd.f32 v63, v2;
	v1 =	vadd.f32 v43, v1  }
0x16a: {  	v56 =	vld [tilespmem:s29+$0x150];
	v0 =	vadd.f32 v32, v0;
	v3 =	vadd.f32 v50, v3  }
0x16b: {  	v23 =	vld [tilespmem:s29+$0x200];
	v2 =	vadd.f32 v52, v2;
	v1 =	vadd.f32 v44, v1  }
0x16c: {  	v0 =	vadd.f32 v58, v0;
	v58 =	vld [tilespmem:s29+$0x190];
	v3 =	vadd.f32 v53, v3  }
0x16d: {  	v59 =	vld [tilespmem:s29+$0x220];
	v2 =	vadd.f32 v54, v2;
	v1 =	vadd.f32 v40, v1  }
0x16e: {  	v60 =	vld [tilespmem:s29+$0x1D0];
	v0 =	vadd.f32 v25, v0;
	v3 =	vadd.f32 v55, v3  }
0x16f: {  	v61 =	vld [tilespmem:s29+$0x210];
	v2 =	vadd.f32 v56, v2;
	v1 =	vadd.f32 v51, v1  }
0x170: {  	v0 =	vadd.f32 v62, v0;
	v62 =	vld [tilespmem:s29+$0x260];
	v3 =	vadd.f32 v57, v3  }
0x171: {  	v2 =	vadd.f32 v58, v2;
	v1 =	vadd.f32 v23, v1  }
0x172: {  	v63 =	vld [tilespmem:s29+$0x250];
	v0 =	vadd.f32 v24, v0;
	v3 =	vadd.f32 v59, v3  }
0x173: {  	v2 =	vadd.f32 v60, v2;
	v1 =	vadd.f32 v27, v1  }
0x174: {  	s31 =	simm.s32 $0x0;
	v0 =	vadd.f32 v29, v0  }
0x175: {  	[tilespmem:s31+$0x14480] =	vst v1;
	v1 =	vadd.f32 v61, v2;
	v2 =	vadd.f32 v62, v3  }
0x176: {  	[tilespmem:s31+$0x144B0] =	vst v0  }
0x177: {  	s30 =	simm.s32 $0x100;
	v0 =	vadd.f32 v63, v1;
	[tilespmem:s31+$0x144A0] =	vst v2  }
.LBB2_3:
0x178: {  	p0 =	sne.s32 s30, $0x1F00  }
0x179: {  	s29 =	sadd.s32 $0x500, s29;
	[tilespmem:s31+$0x14490] =	vst v0;
	s31 =	smov.u32 s30;
	s30 =	sadd.s32 $0x100, s30  }
0x17a: {  	v1 =	vld [tilespmem:s29+$0xFFFFFFF0]  }
0x17b: {  	v2 =	vld [tilespmem:s29+$0x0]  }
0x17c: {  	v5 =	vld [tilespmem:s29+$0xFFFFFFB0]  }
0x17d: {  	v3 =	vld [tilespmem:s29+$0xFFFFFFA0]  }
0x17e: {  	v0 =	vld [tilespmem:s29+$0xFFFFFF90]  }
0x17f: {  	v8 =	vld [tilespmem:s29+$0xFFFFFF80]  }
0x180: {  	v9 =	vld [tilespmem:s29+$0xFFFFFF70]  }
0x181: {  	v6 =	vld [tilespmem:s29+$0xFFFFFF60]  }
0x182: {  	v4 =	vld [tilespmem:s29+$0xFFFFFF50]  }
0x183: {  	v10 =	vld [tilespmem:s29+$0xFFFFFF40]  }
0x184: {  	v11 =	vld [tilespmem:s29+$0xFFFFFF30]  }
0x185: {  	v12 =	vld [tilespmem:s29+$0xFFFFFF20]  }
0x186: {  	v13 =	vld [tilespmem:s29+$0xFFFFFF10]  }
0x187: {  	v14 =	vld [tilespmem:s29+$0xFFFFFF00]  }
0x188: {  	v15 =	vld [tilespmem:s29+$0xFFFFFEF0]  }
0x189: {  	v16 =	vld [tilespmem:s29+$0xFFFFFEE0]  }
0x18a: {  	v17 =	vld [tilespmem:s29+$0xFFFFFEC0]  }
0x18b: {  	v18 =	vld [tilespmem:s29+$0xFFFFFEB0]  }
0x18c: {  	v19 =	vld [tilespmem:s29+$0xFFFFFEA0]  }
0x18d: {  	v20 =	vld [tilespmem:s29+$0xFFFFFE90]  }
0x18e: {  	v21 =	vld [tilespmem:s29+$0xFFFFFE80]  }
0x18f: {  	v22 =	vld [tilespmem:s29+$0xFFFFFE70]  }
0x190: {  	v23 =	vld [tilespmem:s29+$0xFFFFFE60]  }
0x191: {  	v24 =	vld [tilespmem:s29+$0xFFFFFE40]  }
0x192: {  	v25 =	vld [tilespmem:s29+$0xFFFFFE30]  }
0x193: {  	v26 =	vld [tilespmem:s29+$0xFFFFFE20]  }
0x194: {  	v7 =	vld [tilespmem:s29+$0xF0]  }
0x195: {  	v27 =	vld [tilespmem:s29+$0xFFFFFE10]  }
0x196: {  	v28 =	vld [tilespmem:s29+$0xFFFFFE00]  }
0x197: {  	v29 =	vld [tilespmem:s29+$0xFFFFFDF0]  }
0x198: {  	v30 =	vld [tilespmem:s29+$0xB0]  }
0x199: {  	v31 =	vld [tilespmem:s29+$0xFFFFFDE0]  }
0x19a: {  	v32 =	vld [tilespmem:s29+$0xFFFFFDC0]  }
0x19b: {  	v33 =	vld [tilespmem:s29+$0xFFFFFFC0]  }
0x19c: {  	v34 =	vld [tilespmem:s29+$0xFFFFFD80]  }
0x19d: {  	v35 =	vld [tilespmem:s29+$0x70]  }
0x19e: {  	v36 =	vld [tilespmem:s29+$0xFFFFFDB0]  }
0x19f: {  	v37 =	vld [tilespmem:s29+$0x40]  }
0x1a0: {  	v38 =	vld [tilespmem:s29+$0x30]  }
0x1a1: {  	v34 =	vadd.f32 $0.0e+00, v34;
	v39 =	vld [tilespmem:s29+$0x80]  }
0x1a2: {  	v40 =	vld [tilespmem:s29+$0xFFFFFDA0]  }
0x1a3: {  	v36 =	vadd.f32 $0.0e+00, v36;
	v32 =	vadd.f32 v32, v34;
	v34 =	vld [tilespmem:s29+$0xC0]  }
0x1a4: {  	v41 =	vld [tilespmem:s29+$0xFFFFFD90]  }
0x1a5: {  	v29 =	vadd.f32 v29, v36;
	v28 =	vadd.f32 v28, v32;
	v32 =	vld [tilespmem:s29+$0x100]  }
0x1a6: {  	v36 =	vld [tilespmem:s29+$0xFFFFFDD0]  }
0x1a7: {  	v40 =	vadd.f32 $0.0e+00, v40;
	v24 =	vadd.f32 v24, v28;
	v28 =	vld [tilespmem:s29+$0x140]  }
0x1a8: {  	v25 =	vadd.f32 v25, v29;
	v29 =	vld [tilespmem:s29+$0x130]  }
0x1a9: {  	v41 =	vadd.f32 $0.0e+00, v41;
	v31 =	vadd.f32 v31, v40;
	v40 =	vld [tilespmem:s29+$0x180]  }
0x1aa: {  	v22 =	vadd.f32 v22, v25;
	v21 =	vadd.f32 v21, v24;
	v42 =	vld [tilespmem:s29+$0xFFFFFE50]  }
0x1ab: {  	v24 =	vadd.f32 v36, v41;
	v25 =	vadd.f32 v26, v31;
	v26 =	vld [tilespmem:s29+$0x170]  }
0x1ac: {  	v18 =	vadd.f32 v18, v22;
	v17 =	vadd.f32 v17, v21;
	v21 =	vld [tilespmem:s29+$0x200]  }
0x1ad: {  	v22 =	vadd.f32 v27, v24;
	v23 =	vadd.f32 v23, v25;
	v24 =	vld [tilespmem:s29+$0x1B0]  }
0x1ae: {  	v15 =	vadd.f32 v15, v18;
	v14 =	vadd.f32 v14, v17;
	v25 =	vld [tilespmem:s29+$0xFFFFFED0]  }
0x1af: {  	v17 =	vadd.f32 v42, v22;
	v18 =	vadd.f32 v19, v23;
	v19 =	vld [tilespmem:s29+$0x1F0]  }
0x1b0: {  	v11 =	vadd.f32 v11, v15;
	v10 =	vadd.f32 v10, v14;
	v14 =	vld [tilespmem:s29+$0x90]  }
0x1b1: {  	v15 =	vadd.f32 v20, v17;
	v16 =	vadd.f32 v16, v18;
	v17 =	vld [tilespmem:s29+$0x230]  }
0x1b2: {  	v9 =	vadd.f32 v9, v11;
	v8 =	vadd.f32 v8, v10;
	v10 =	vld [tilespmem:s29+$0x240]  }
0x1b3: {  	v11 =	vadd.f32 v25, v15;
	v12 =	vadd.f32 v12, v16;
	v15 =	vld [tilespmem:s29+$0x270]  }
0x1b4: {  	v5 =	vadd.f32 v5, v9;
	v8 =	vadd.f32 v33, v8;
	v9 =	vld [tilespmem:s29+$0xFFFFFFE0]  }
0x1b5: {  	v11 =	vadd.f32 v13, v11;
	v6 =	vadd.f32 v6, v12;
	v12 =	vld [tilespmem:s29+$0x20]  }
0x1b6: {  	v1 =	vadd.f32 v1, v5;
	v2 =	vadd.f32 v2, v8;
	v13 =	vld [tilespmem:s29+$0xFFFFFFD0]  }
0x1b7: {  	v4 =	vadd.f32 v4, v11;
	v3 =	vadd.f32 v3, v6;
	v5 =	vld [tilespmem:s29+$0x60]  }
0x1b8: {  	v1 =	vadd.f32 v38, v1;
	v2 =	vadd.f32 v37, v2;
	v6 =	vld [tilespmem:s29+$0x10]  }
0x1b9: {  	v0 =	vadd.f32 v0, v4;
	v3 =	vadd.f32 v9, v3;
	v4 =	vld [tilespmem:s29+$0x50]  }
0x1ba: {  	v1 =	vadd.f32 v35, v1;
	v2 =	vadd.f32 v39, v2;
	v8 =	vld [tilespmem:s29+$0xA0]  }
0x1bb: {  	v0 =	vadd.f32 v13, v0;
	v3 =	vadd.f32 v12, v3;
	v9 =	vld [tilespmem:s29+$0xE0]  }
0x1bc: {  	v1 =	vadd.f32 v30, v1;
	v2 =	vadd.f32 v34, v2;
	v11 =	vld [tilespmem:s29+$0x120]  }
0x1bd: {  	v0 =	vadd.f32 v6, v0;
	v3 =	vadd.f32 v5, v3;
	v5 =	vld [tilespmem:s29+$0x1C0]  }
0x1be: {  	v1 =	vadd.f32 v7, v1;
	v2 =	vadd.f32 v32, v2;
	v6 =	vld [tilespmem:s29+$0xD0]  }
0x1bf: {  	v0 =	vadd.f32 v4, v0;
	v3 =	vadd.f32 v8, v3;
	v4 =	vld [tilespmem:s29+$0x160]  }
0x1c0: {  	v1 =	vadd.f32 v29, v1;
	v2 =	vadd.f32 v28, v2;
	v7 =	vld [tilespmem:s29+$0x110]  }
0x1c1: {  	v0 =	vadd.f32 v14, v0;
	v3 =	vadd.f32 v9, v3;
	v8 =	vld [tilespmem:s29+$0x1A0]  }
0x1c2: {  	v1 =	vadd.f32 v26, v1;
	v2 =	vadd.f32 v40, v2;
	v9 =	vld [tilespmem:s29+$0x150]  }
0x1c3: {  	v0 =	vadd.f32 v6, v0;
	v3 =	vadd.f32 v11, v3;
	v6 =	vld [tilespmem:s29+$0x1E0]  }
0x1c4: {  	v1 =	vadd.f32 v24, v1;
	v2 =	vadd.f32 v5, v2;
	v11 =	vld [tilespmem:s29+$0x190]  }
0x1c5: {  	v0 =	vadd.f32 v7, v0;
	v3 =	vadd.f32 v4, v3;
	v4 =	vld [tilespmem:s29+$0x220]  }
0x1c6: {  	v1 =	vadd.f32 v19, v1;
	v2 =	vadd.f32 v21, v2;
	v5 =	vld [tilespmem:s29+$0x1D0]  }
0x1c7: {  	v0 =	vadd.f32 v9, v0;
	v3 =	vadd.f32 v8, v3;
	v7 =	vld [tilespmem:s29+$0x210]  }
0x1c8: {  	v1 =	vadd.f32 v17, v1;
	v2 =	vadd.f32 v10, v2;
	v8 =	vld [tilespmem:s29+$0x260]  }
0x1c9: {  	s31 =	sshra.s32 s31, $0x2;
	v0 =	vadd.f32 v11, v0;
	v3 =	vadd.f32 v6, v3;
	v6 =	vld [tilespmem:s29+$0x250]  }
0x1ca: {  	v1 =	vadd.f32 v15, v1;
	[tilespmem:s31+$0x14480] =	vst v2  }
.Ltmp0:
0x1cb: {  	v0 =	vadd.f32 v5, v0;
	v2 =	vadd.f32 v4, v3;
	(pc) =	sbr.rel @p0 .LBB2_3-.Ltmp0, $3  }
0x1cc: {  	[tilespmem:s31+$0x144B0] =	vst v1  }
0x1cd: {  	v0 =	vadd.f32 v7, v0;
	v1 =	vadd.f32 v8, v2;
	_ =	sdelay $0x1  }
0x1ce: {  	v0 =	vadd.f32 v6, v0;
	[tilespmem:s31+$0x144A0] =	vst v1  }
0x1cf: {  	s25 =	sadd.s32 $0x1, s25  }
0x1d0: {  	s28 =	sshll.u32 s28, $0x3;
	p0 =	sne.s32 s25, $0x10  }
.Ltmp1:
0x1d1: {  	[tilespmem:s31+$0x14490] =	vst v0;
	s28 =	sadd.s32 s8, s28;
	(pc) =	sbr.rel @p0 .LBB2_2-.Ltmp1, $4  }
0x1d2: {  	[hbm4b:s28+s26] =	stream.linear.scatter [tilespmem:s23], [sflag:$0x2], $0x800, $0x38;
	[tilespmem:$0x14C80] =	vst v63  }
0x1d3: {  	_ =	swait.ge [sflag:s16], $0x800  }
0x1d4: {  	[sflag:s16] =	ssyncset.done $0x0  }
0x1d5: {  	[sflag:s16] =	ssyncadd.s32 $0xFFFFF800  }
0x1d6: {  	s24 =	sadd.s32 $0x1, s24  }
0x1d7: {  	p0 =	sne.s32 s24, s15  }
.Ltmp2:
0x1d8: {  	_ = 	snop;
	(pc) =	sbr.rel @p0 .LBB2_1-.Ltmp2, $1  }
0x1d9: {  	_ =	sdelay $0x3  }
0x1da: {  	_ =	sfence.sel $0x180000  }
0x1db: {  	[bflag:$0x0] =	sbarrier.arrive $0xFFFF  }
0x1dc: {  	_ =	strace $0x90000047  }
0x1dd: {  	s0 =	stileid.u32;
	[bflag:$0x2] =	sbarrier.arrive $0xFFFF  }
0x1de: {  	p0 =	sne.s32 s0, $0x0;
	s0 =	rddreg [dreg:$0x4]  }
0x1df: {  	s0 =	sadd.s32 @!p0 $0x100000, s0  }
0x1e0: {  	[sflag:s0] =	ssyncadd.tile.s32 @!p0 $0x1;
	_ =	shalt  }
.Lfunc_end2:
_tile_overlayer_lowered:
.L_overlay_start_2:
0x1e1: {  	(tag) =	ssettag $0x2  }
0x1e2: {  	s0 =	rddreg [dreg:$0x0];
	s2 =	stileid.u32  }
0x1e3: {  	s1 =	rddreg [dreg:$0x1];
	p0 =	sne.s32 s2, $0x0  }
0x1e4: {  	s3 =	rddreg [dreg:$0x2];
	[bflag:$0x3] =	sbarrier.arrive $0xFFFF;
	s2 =	simm.s32 @!p0 $0x1C02  }
0x1e5: {  	[timem:s3], [sflag:s2] =	dma.local @!p0 [hbm:s0], s1  }
0x1e6: {  	s0 =	simm.s32 @!p0 $0x2  }
0x1e7: {  	_ =	swait.ge @!p0 [sflag:s0], s1  }
0x1e8: {  	s1 =	ssub.s32 @!p0 $0x0, s1;
	[sflag:s0] =	ssyncset.done @!p0 $0x0  }
0x1e9: {  	[sflag:s0] =	ssyncadd.s32 @!p0 s1  }
0x1ea: {  	[bflag:$0x3] =	sbarrier.arrive $0xFFFF  }
0x1eb: {  	_ =	shalt  }

// kernel: kernel.9.cloned.1.call-start
scs
__scs_entry_jumppad:
0x0: {  	(pc) =	sbr.rel $0x88, $3  }
0x1: {  	(tag) =	ssettag $0x0;
	lr =	simm.s32 $0x1  }
0x2: {  	[smem:$0x3F95] =	sst lr;
	_ =	strace $0xD0000000  }
0x3: {  	_ = 	snop  }
0x4: {  	_ = 	snop  }
0x5: {  	_ = 	snop  }
0x6: {  	_ = 	snop  }
0x7: {  	_ = 	snop  }
__scs_overlays_trampoline_lowered:
0x8: {  	[smem:$0x3FA4] =	sst s0  }
0x9: {  	[smem:$0x3FA5] =	sst s1  }
0xa: {  	[smem:$0x3FA6] =	sst s2  }
0xb: {  	[smem:$0x3FA7] =	sst s3  }
0xc: {  	[smem:$0x3FA8] =	sst s4  }
0xd: {  	[smem:$0x3FA9] =	sst s5  }
0xe: {  	[smem:$0x3FAA] =	sst s6  }
0xf: {  	[smem:$0x3FAB] =	sst s7  }
0x10: {  	[smem:$0x3FAC] =	sst s8  }
0x11: {  	[smem:$0x3FAD] =	sst s9;
	s0 =	simm.s32 @!p0 $0x0  }
0x12: {  	s1 =	sld [smem:$0x3F93];
	s0 =	simm.s32 @p0 $0x1  }
0x13: {  	[smem:$0x3FAE] =	sst s0;
	s0 =	simm.s32 @!p1 $0x0  }
0x14: {  	s2 =	sld [smem:$0x3F92];
	s0 =	simm.s32 @p1 $0x1  }
0x15: {  	[smem:$0x3FAF] =	sst s0;
	s0 =	simm.s32 @!p2 $0x0  }
0x16: {  	s3 =	sld [smem:$0x3FDB];
	s0 =	simm.s32 @p2 $0x1  }
0x17: {  	s4 =	simm.s32 $0x1BF5;
	[smem:$0x3FB1] =	sst s0  }
0x18: {  	s0 =	sld [smem:$0x3F94];
	_ =	swait.ge [sflag:s4], $0x0  }
0x19: {  	s7 =	sld [smem:$0x3F95]  }
0x1a: {  	s8 =	sadd.s32 $0xFFFFE003, lr  }
0x1b: {  	s9 =	sadd.s32 $0xFFFFFEF7, lr;
	s5 =	simm.s32 $0xFFFFFFFF;
	p2 =	slt.u32 s8, $0xFFFFF086  }
0x1c: {  	p1 =	slt.u32 s9, $0xF7A;
	s5 =	simm.s32 @!p2 $0x0  }
0x1d: {  	s5 =	simm.s32 @p1 $0x1;
	p0 =	seq.s32 s7, s2  }
0x1e: {  	s7 =	smul.u32 @!p0 $0xF7A, s2;
	p2 =	seq.s32 @!p0 s5, $0x0  }
0x1f: {  	s9 =	smul.u32 $0xF7A, s1;
	s8 =	simm.s32 @!p0 $0x1BF5;
	p2 =	por !p2, p0  }
0x20: {  	[sflag:s8] =	ssyncset.s32 @!p0 $0xFFFFF086;
	s6 =	sadd.s32 @!p0 s3, s7;
	s7 =	simm.s32 @!p0 $0x108  }
0x21: {  	s3 =	sadd.s32 s3, s9;
	s6 =	sadd.s32 @!p0 $0x88, s6;
	s7 =	simm.s32 @p2 $0x1082  }
0x22: {  	[simem:s7], [sflag:s8] =	dma.local @!p0 [hbm:s6], $0xF7A  }
0x23: {  	s9 =	sor.u32 $0xD0000000, s2;
	s6 =	simm.s32 $0x108;
	_ =	swait.ge @!p0 [sflag:s8], $0x0  }
0x24: {  	s3 =	sadd.s32 $0x88, s3;
	s6 =	simm.s32 @!p1 $0x1082;
	[sflag:s4] =	ssyncset.s32 $0xFFFFF086  }
0x25: {  	[simem:s6], [sflag:s4] =	dma.local [hbm:s3], $0xF7A  }
0x26: {  	[smem:$0x3F95] =	sst s1;
	(tag) =	ssettag s2;
	_ =	strace s9  }
0x27: {  	s1 =	sld [smem:$0x3FA5]  }
0x28: {  	s2 =	sld [smem:$0x3FA6]  }
0x29: {  	s4 =	sld [smem:$0x3FA8]  }
0x2a: {  	p0 =	seq.s32 s5, $0x0;
	s5 =	sld [smem:$0x3FA9]  }
0x2b: {  	s6 =	sld [smem:$0x3FAA]  }
0x2c: {  	s7 =	sld [smem:$0x3FAB]  }
0x2d: {  	s3 =	simm.s32 $0x108;
	s8 =	sld [smem:$0x3FAC]  }
0x2e: {  	s3 =	simm.s32 @!p0 $0x1082;
	s9 =	sld [smem:$0x3FAD]  }
0x2f: {  	lr =	sadd.s32 s0, s3;
	s0 =	sld [smem:$0x3FA4]  }
0x30: {  	s3 =	sld [smem:$0x3FA7]  }
0x31: {  	[smem:$0x3FB0] =	sst s10  }
0x32: {  	s10 =	sld [smem:$0x3FAE];
	_ =	sdelay $0x3  }
0x33: {  	p0 =	seq.s32 s10, $0x1;
	s10 =	sld [smem:$0x3FB0];
	_ =	sdelay $0x3  }
0x34: {  	[smem:$0x3FB0] =	sst s10  }
0x35: {  	s10 =	sld [smem:$0x3FAF];
	_ =	sdelay $0x3  }
0x36: {  	p1 =	seq.s32 s10, $0x1;
	s10 =	sld [smem:$0x3FB0];
	_ =	sdelay $0x3  }
0x37: {  	[smem:$0x3FB0] =	sst s10  }
0x38: {  	s10 =	sld [smem:$0x3FB1]  }
0x39: {  	_ = 	snop;
	(pc) =	sbr.ind lr, $3  }
0x3a: {  	_ = 	snop  }
0x3b: {  	_ = 	snop  }
0x3c: {  	p2 =	seq.s32 s10, $0x1;
	s10 =	sld [smem:$0x3FB0]  }
0x3d: {  	_ =	shalt  }
0x3e: {  	_ =	shalt  }
0x3f: {  	_ =	shalt  }
0x40: {  	_ =	shalt  }
0x41: {  	_ =	shalt  }
0x42: {  	_ =	shalt  }
0x43: {  	_ =	shalt  }
0x44: {  	_ =	shalt  }
0x45: {  	_ =	shalt  }
0x46: {  	_ =	shalt  }
0x47: {  	_ =	shalt  }
0x48: {  	_ =	shalt  }
0x49: {  	_ =	shalt  }
0x4a: {  	_ =	shalt  }
0x4b: {  	_ =	shalt  }
0x4c: {  	_ =	shalt  }
0x4d: {  	_ =	shalt  }
0x4e: {  	_ =	shalt  }
0x4f: {  	_ =	shalt  }
0x50: {  	_ =	shalt  }
0x51: {  	_ =	shalt  }
0x52: {  	_ =	shalt  }
0x53: {  	_ =	shalt  }
0x54: {  	_ =	shalt  }
0x55: {  	_ =	shalt  }
0x56: {  	_ =	shalt  }
0x57: {  	_ =	shalt  }
0x58: {  	_ =	shalt  }
0x59: {  	_ =	shalt  }
0x5a: {  	_ =	shalt  }
0x5b: {  	_ =	shalt  }
0x5c: {  	_ =	shalt  }
0x5d: {  	_ =	shalt  }
0x5e: {  	_ =	shalt  }
0x5f: {  	_ =	shalt  }
0x60: {  	_ =	shalt  }
0x61: {  	_ =	shalt  }
0x62: {  	_ =	shalt  }
0x63: {  	_ =	shalt  }
0x64: {  	_ =	shalt  }
0x65: {  	_ =	shalt  }
0x66: {  	_ =	shalt  }
0x67: {  	_ =	shalt  }
0x68: {  	_ =	shalt  }
0x69: {  	_ =	shalt  }
0x6a: {  	_ =	shalt  }
0x6b: {  	_ =	shalt  }
0x6c: {  	_ =	shalt  }
0x6d: {  	_ =	shalt  }
0x6e: {  	_ =	shalt  }
0x6f: {  	_ =	shalt  }
0x70: {  	_ =	shalt  }
0x71: {  	_ =	shalt  }
0x72: {  	_ =	shalt  }
0x73: {  	_ =	shalt  }
0x74: {  	_ =	shalt  }
0x75: {  	_ =	shalt  }
0x76: {  	_ =	shalt  }
0x77: {  	_ =	shalt  }
0x78: {  	_ =	shalt  }
0x79: {  	_ =	shalt  }
0x7a: {  	_ =	shalt  }
0x7b: {  	_ =	shalt  }
0x7c: {  	_ =	shalt  }
0x7d: {  	_ =	shalt  }
0x7e: {  	_ =	shalt  }
0x7f: {  	_ =	shalt  }
0x80: {  	_ =	shalt  }
0x81: {  	_ =	shalt  }
0x82: {  	_ =	shalt  }
0x83: {  	_ =	shalt  }
0x84: {  	_ =	shalt  }
0x85: {  	_ =	shalt  }
0x86: {  	_ =	shalt  }
0x87: {  	_ =	shalt  }
.Lfunc_end0:
.L_simem_size_0:
called_computation.1_lowered:
.L_overlay_start_0:
0x88: {  	s2 =	sld [smem:$0x3FD9]  }
0x89: {  	s3 =	sld [smem:$0x3FFE];
	_ =	sdelay $0x1  }
0x8a: {  	s1 =	srdreg.scid  }
0x8b: {  	s0 =	sand.u32 $0x1, s1  }
0x8c: {  	s17 =	sshll.u32 s0, $0xA;
	s2 =	sadd.s32 s3, s2  }
0x8d: {  	s2 =	sadd.s32 s2, s17  }
0x8e: {  	[smem:$0x3FBC] =	sst s2  }
0x8f: {  	_ = 	snop  }
0x90: {  	(tm) =	ssettm $0x1  }
0x91: {  	s18 =	sld [smem:$0x3FFB];
	_ =	sdelay $0x3  }
0x92: {  	_ =	strace s18  }
0x93: {  	s2 =	sld [smem:$0x3FFC];
	_ =	sdelay $0x3  }
0x94: {  	_ =	strace s2  }
0x95: {  	s2 =	sld [smem:$0x3FFD];
	_ =	sdelay $0x3  }
0x96: {  	_ =	strace s2  }
0x97: {  	_ =	strace $0x8FFFFFFF  }
0x98: {  	s19 =	sld [smem:$0x3FDB];
	_ =	sdelay $0x1  }
0x99: {  	s20 =	simm.s32 $_scs_section_size  }
0x9a: {  	s4 =	simm.s32 $_size__tile_overlayer_lowered;
	s5 =	simm.s32 $_tile_overlayer_lowered  }
0x9b: {  	s6 =	simm.s32 $0x1BFF;
	s21 =	sshll.u32 s5, $0x1;
	s3 =	sadd.s32 s20, s19  }
0x9c: {  	s22 =	simm.s32 $0x0;
	s4 =	sshll.u32 s4, $0x1;
	s5 =	sadd.s32 s21, s3  }
0x9d: {  	[timem:s22], [sflag:s6] =	dma.local [hbm:s5], s4  }
0x9e: {  	_ =	swait.ge [sflag:s6], s4  }
0x9f: {  	s4 =	ssub.s32 $0x0, s4;
	[sflag:s6] =	ssyncset.done $0x0  }
0xa0: {  	[sflag:s6] =	ssyncadd.s32 s4;
	_ =	sdelay $0x1  }
0xa1: {  	s23 =	simm.s32 $0x1B8B  }
0xa2: {  	_ =	swait.ge [sflag:s23], $0x1  }
0xa3: {  	[sflag:s23] =	ssyncset.done $0x0  }
0xa4: {  	[sflag:s23] =	ssyncadd.s32 $0xFFFFFFFF  }
0xa5: {  	s4 =	sld [smem:$0x0]  }
0xa6: {  	s5 =	sand.u32 $0xFFFFFFFE, s1  }
0xa7: {  	p0 =	sne.s32 s1, s5  }
0xa8: {  	s5 =	sshll.u32 @p0 s5, $0xE  }
0xa9: {  	s5 =	sadd.s32 @p0 $0x11B8D, s5;
	s6 =	sshll.u32 @p0 s4, $0x11  }
0xaa: {  	s5 =	sor.u32 @p0 s6, s5  }
0xab: {  	[sflag:s5] =	ssyncadd.remote.s32 @p0 $0x1;
	_ =	sdelay $0x1  }
0xac: {  	s5 =	simm.s32 @p0 $0x1B8D  }
0xad: {  	_ =	swait.eq @p0 [sflag:s5], $0x1  }
0xae: {  	[sflag:s5] =	ssyncadd.s32 @p0 $0xFFFFFFFF  }
0xaf: {  	s6 =	sshll.u32 @!p0 s1, $0xE  }
0xb0: {  	s6 =	sor.u32 @!p0 $0x4000, s6;
	s5 =	simm.s32 @!p0 $0x1B8D  }
0xb1: {  	s4 =	sshll.u32 @!p0 s4, $0x11;
	s6 =	sadd.s32 @!p0 $0x11B8D, s6;
	_ =	swait.eq @!p0 [sflag:s5], $0x1  }
0xb2: {  	s4 =	sor.u32 @!p0 s4, s6;
	[sflag:s5] =	ssyncadd.s32 @!p0 $0xFFFFFFFF  }
0xb3: {  	s25 =	simm.s32 $0x1B8E;
	s24 =	sld [smem:$0x3FFE];
	[sflag:s4] =	ssyncadd.remote.s32 @!p0 $0x1  }
0xb4: {  	s26 =	simm.s32 $execute0_lowered;
	[smem:$0x3FD2] =	sst s25  }
0xb5: {  	s5 =	sshll.u32 s26, $0x1;
	_ =	strace $0x80000049;
	[dreg:$0x1] =	wrdreg $0xFFFFFFFF  }
0xb6: {  	s28 =	simm.s32 $_size_execute0_lowered;
	s3 =	sadd.s32 s3, s5;
	[dreg:$0x0] =	wrdreg $0x0  }
0xb7: {  	s5 =	sshll.u32 s28, $0x1;
	[dreg:$0x2] =	wrdreg s3  }
0xb8: {  	[dreg:$0x3] =	wrdreg s5  }
0xb9: {  	[dreg:$0x4] =	wrdreg $0xC0  }
0xba: {  	_ =	task [dreg:s22], $0x5FFFF  }
0xbb: {  	[dreg:$0x1] =	wrdreg $0xFFFFFFFF  }
0xbc: {  	[dreg:$0x0] =	wrdreg $0x60  }
0xbd: {  	[dreg:$0x2] =	wrdreg s24  }
0xbe: {  	[dreg:$0x3] =	wrdreg $0xA  }
0xbf: {  	_ =	task.clear_ibuf [dreg:s22], $0x4FFFF;
	_ =	strace $0x90000049  }
0xc0: {  	s29 =	simm.s32 $0xA;
	_ =	strace $0x8000004B  }
0xc1: {  	_ =	swait.ge [sflag:s29], $0x1  }
0xc2: {  	[sflag:s29] =	ssyncadd.s32 $0xFFFFFFFF  }
0xc3: {  	_ =	strace $0x9000004B  }
0xc4: {  	_ =	sfence  }
0xc5: {  	s30 =	sld [smem:$0x0];
	_ =	sdelay $0x2  }
0xc6: {  	s31 =	sshll.u32 s1, $0xD;
	s1 =	sshrl.u32 s1, $0x2  }
0xc7: {  	s4 =	sand.u32 $0x4000, s31;
	s1 =	sadd.s32 s1, s30  }
0xc8: {  	s0 =	sor.u32 s4, s0;
	s1 =	sshll.u32 s1, $0x11  }
0xc9: {  	s0 =	sor.u32 s1, s0  }
0xca: {  	s0 =	sadd.s32 $0x8F2B, s0  }
0xcb: {  	[sflag:s0] =	ssyncadd.remote.s32 $0x1  }
0xcc: {  	_ =	sfence.sel $0xFFFF  }
0xcd: {  	[dreg:$0x0] =	wrdreg $0xFFFFFFFF;
	(pc) =	sbr.abs _section_cstart, $3  }
0xce: {  	[dreg:$0x1] =	wrdreg $0xFFFFFFFF  }
0xcf: {  	_ =	task.clear_ibuf [dreg:s22], $0x2FFFF;
	_ =	strace $0x9FFFFFFF  }
0xd0: {  	(tm) =	ssettm $0x7FFFFFFF  }
0xd1: {  	_ =	shalt  }
tec
execute0_lowered:
.L_overlay_start_1:
0x0: {  	(tag) =	ssettag $0x1  }
0x1: {  	s5 =	rddreg [dreg:$0x0]  }
0x2: {  	s0 =	rddreg [dreg:$0x1]  }
0x3: {  	s2 =	simm.s32 $0x0;
	s3 =	srdreg.scid;
	s1 =	stileid.u32  }
0x4: {  	s14 =	simm.s32 $0x3E80;
	s15 =	simm.s32 $0x1;
	s16 =	simm.s32 $0x2  }
0x5: {  	s17 =	simm.s32 $0x3;
	s18 =	simm.s32 $0x7D00;
	s19 =	simm.s32 $0x0  }
0x6: {  	[smem:$0x7FF] =	sst s2;
	s6 =	sand.u32 $0x1, s3;
	s4 =	sshll.u32 s1, $0x1  }
0x7: {  	s3 =	sadd.s32 $0xF45400, s5;
	_ =	strace $0x8000004A;
	s7 =	sor.u32 s6, s4  }
0x8: {  	s4 =	sadd.s32 $0x189A00, s5;
	s6 =	ssub.s32 $0x2, s6;
	s9 =	smul.u32 $0x30D40, s7  }
0x9: {  	s8 =	sshll.u32 s7, $0x1;
	s30 =	sshrl.u32 s6, $0x1;
	s10 =	smul.u32 $0x1E8480, s7  }
0xa: {  	s12 =	sadd.s32 s8, s5;
	s5 =	smul.u32 $0xC35, s7;
	s13 =	ssub.s32 s6, s30  }
0xb: {  	s6 =	smul.u32 $0x7A12, s7;
	s9 =	sshrl.u32 s9, $0x3;
	s11 =	sshrl.u32 s10, $0x3  }
0xc: {  	s13 =	smax.u32 s13, $0x1;
	s31 =	sadd.s32 s4, s9;
	s7 =	sadd.s32 $0x7D, s5  }
0xd: {  	s9 =	sadd.s32 $0x180A00, s12;
	s10 =	sadd.s32 $0xFA, s6;
	s11 =	sadd.s32 s3, s11  }
0xe: {  	s12 =	sadd.s32 $0x180C00, s12;
	s8 =	sadd.s32 $0x5DC0, s31;
	s11 =	sadd.s32 $0x3C8C0, s11  }
.LBB2_1:
0xf: {  	v0 =	vimm.f32 $0.0e+00  }
0x10: {  	v1 =	vimm.f32 $0.0e+00;
	v2 =	vimm.f32 $0.0e+00;
	v3 =	vimm.f32 $0.0e+00;
	s20 =	simm.s32 $0x0  }
.LBB2_2:
0x11: {  	s21 =	smul.u32 $0xFA, s20;
	_ =	sdelay $0x1  }
0x12: {  	s22 =	sadd.s32 s5, s21;
	s21 =	sadd.s32 s21, s7  }
0x13: {  	s22 =	sshll.u32 s22, $0x3;
	s21 =	sshll.u32 s21, $0x3  }
0x14: {  	s23 =	simm.s32 $0x0;
	s22 =	sadd.s32 s4, s22;
	s21 =	sand.u32 $0x1FFFFFF8, s21  }
0x15: {  	[tilespmem:s23], [sflag:$0x1] =	stream.linear.gather [hbm4b:s22+s23], $0x1F40, $0x38;
	[tilespmem:$0x7D10] =	vst v63  }
0x16: {  	s21 =	sadd.s32 s4, s21  }
0x17: {  	[tilespmem:s14], [sflag:$0x2] =	stream.linear.gather [hbm4b:s21+s23], $0x1F40, $0x38;
	[tilespmem:$0x7D10] =	vst v63  }
0x18: {  	_ =	swait.ge [sflag:s15], $0x1F40  }
0x19: {  	[sflag:s15] =	ssyncset.done $0x0  }
0x1a: {  	s31 =	simm.s32 $0x0;
	[sflag:s15] =	ssyncadd.s32 $0xFFFFE0C0  }
0x1b: {  	v4 =	vld [tilespmem:s31+$0x30]  }
0x1c: {  	v5 =	vld [tilespmem:s31+$0x0]  }
0x1d: {  	v6 =	vld [tilespmem:s31+$0x10]  }
0x1e: {  	v7 =	vld [tilespmem:s31+$0x20]  }
0x1f: {  	s21 =	simm.s32 $0x100  }
.LBB2_3:
0x20: {  	s22 =	sshra.s32 s21, $0x2;
	p0 =	sne.s32 s21, $0x7C00;
	s21 =	sadd.s32 $0x100, s21;
	v8 =	vmul.f32 v4, v4  }
.Ltmp0:
0x21: {  	v4 =	vld [tilespmem:s22+$0x30];
	v9 =	vmul.f32 v5, v5;
	(pc) =	sbr.rel @p0 .LBB2_3-.Ltmp0, $4  }
0x22: {  	v5 =	vld [tilespmem:s22+$0x0];
	v10 =	vmul.f32 v6, v6;
	v0 =	vadd.f32 v8, v0  }
0x23: {  	v6 =	vld [tilespmem:s22+$0x10];
	v3 =	vadd.f32 v9, v3;
	v8 =	vmul.f32 v7, v7  }
0x24: {  	v7 =	vld [tilespmem:s22+$0x20];
	v2 =	vadd.f32 v10, v2  }
0x25: {  	v1 =	vadd.f32 v8, v1  }
0x26: {  	_ =	swait.ge [sflag:s16], $0x1F40  }
0x27: {  	[sflag:s16] =	ssyncset.done $0x0  }
0x28: {  	s22 =	simm.s32 $0x0;
	[sflag:s16] =	ssyncadd.s32 $0xFFFFE0C0  }
0x29: {  	v8 =	vmul.f32 v4, v4;
	v4 =	vld [tilespmem:s22+$0x3EB0]  }
0x2a: {  	v9 =	vmul.f32 v5, v5;
	v7 =	vmul.f32 v7, v7;
	v5 =	vld [tilespmem:s22+$0x3E80]  }
0x2b: {  	v10 =	vmul.f32 v6, v6;
	v6 =	vld [tilespmem:s22+$0x3E90]  }
0x2c: {  	v0 =	vadd.f32 v8, v0;
	v1 =	vadd.f32 v7, v1;
	v7 =	vld [tilespmem:s22+$0x3EA0]  }
0x2d: {  	s21 =	simm.s32 $0x100;
	v3 =	vadd.f32 v9, v3;
	v2 =	vadd.f32 v10, v2  }
.LBB2_5:
0x2e: {  	s22 =	sshra.s32 s21, $0x2;
	p0 =	sne.s32 s21, $0x7C00;
	s21 =	sadd.s32 $0x100, s21;
	v8 =	vmul.f32 v4, v4  }
.Ltmp1:
0x2f: {  	v4 =	vld [tilespmem:s22+$0x3EB0];
	v9 =	vmul.f32 v5, v5;
	(pc) =	sbr.rel @p0 .LBB2_5-.Ltmp1, $4  }
0x30: {  	v5 =	vld [tilespmem:s22+$0x3E80];
	v10 =	vmul.f32 v6, v6;
	v0 =	vadd.f32 v8, v0  }
0x31: {  	v6 =	vld [tilespmem:s22+$0x3E90];
	v3 =	vadd.f32 v9, v3;
	v8 =	vmul.f32 v7, v7  }
0x32: {  	v7 =	vld [tilespmem:s22+$0x3EA0];
	v2 =	vadd.f32 v10, v2  }
0x33: {  	v1 =	vadd.f32 v8, v1  }
0x34: {  	s20 =	sadd.s32 $0x1, s20  }
0x35: {  	p0 =	sne.s32 s20, $0xC  }
.Ltmp2:
0x36: {  	_ = 	snop;
	(pc) =	sbr.rel @p0 .LBB2_2-.Ltmp2, $4  }
0x37: {  	v4 =	vmul.f32 v4, v4;
	v5 =	vmul.f32 v5, v5  }
0x38: {  	v6 =	vmul.f32 v6, v6;
	v7 =	vmul.f32 v7, v7  }
0x39: {  	v0 =	vadd.f32 v4, v0;
	v3 =	vadd.f32 v5, v3  }
0x3a: {  	v2 =	vadd.f32 v6, v2;
	v1 =	vadd.f32 v7, v1  }
0x3b: {  	s20 =	simm.s32 $0x0  }
0x3c: {  	[tilespmem:s20], [sflag:$0x3] =	stream.linear.gather [hbm4b:s8+s20], $0x1F40, $0x38;
	[tilespmem:$0x7D10] =	vst v63  }
0x3d: {  	_ =	swait.ge [sflag:s17], $0x1F40  }
0x3e: {  	[sflag:s17] =	ssyncset.done $0x0  }
0x3f: {  	s21 =	simm.s32 $0x0;
	[sflag:s17] =	ssyncadd.s32 $0xFFFFE0C0  }
0x40: {  	v4 =	vld [tilespmem:s21+$0x30]  }
0x41: {  	v5 =	vld [tilespmem:s21+$0x0]  }
0x42: {  	v7 =	vld [tilespmem:s21+$0x10]  }
0x43: {  	v6 =	vld [tilespmem:s21+$0x20]  }
0x44: {  	s20 =	simm.s32 $0x100  }
.LBB2_8:
0x45: {  	s21 =	sshra.s32 s20, $0x2;
	p0 =	sne.s32 s20, $0x7C00;
	s20 =	sadd.s32 $0x100, s20;
	v8 =	vmul.f32 v4, v4  }
.Ltmp3:
0x46: {  	v4 =	vld [tilespmem:s21+$0x30];
	v9 =	vmul.f32 v5, v5;
	(pc) =	sbr.rel @p0 .LBB2_8-.Ltmp3, $4  }
0x47: {  	v5 =	vld [tilespmem:s21+$0x0];
	v10 =	vmul.f32 v7, v7;
	v0 =	vadd.f32 v8, v0  }
0x48: {  	v7 =	vld [tilespmem:s21+$0x10];
	v3 =	vadd.f32 v9, v3;
	v8 =	vmul.f32 v6, v6  }
0x49: {  	v6 =	vld [tilespmem:s21+$0x20];
	v2 =	vadd.f32 v10, v2  }
0x4a: {  	v1 =	vadd.f32 v8, v1  }
0x4b: {  	_ =	sdelay $0x1  }
0x4c: {  	v5 =	vmul.f32 v5, v5;
	v7 =	vmul.f32 v7, v7;
	_ =	sdelay $0x1  }
0x4d: {  	v3 =	vadd.f32 v5, v3;
	v5 =	vmul.f32 v6, v6;
	v2 =	vadd.f32 v7, v2;
	_ =	sdelay $0x1  }
0x4e: {  	v4 =	vmul.f32 v4, v4;
	v1 =	vadd.f32 v5, v1;
	v2 =	vadd.f32 v2, v3;
	_ =	sdelay $0x1  }
0x4f: {  	v0 =	vadd.f32 v4, v0;
	v1 =	vadd.f32 v1, v2;
	_ =	sdelay $0x1  }
0x50: {  	v0 =	vadd.f32 v0, v1;
	_ =	sdelay $0x1  }
0x51: {  	s20 =	simm.s32 $0x0;
	[tilespmem:$0x7D00] =	vst v0  }
0x52: {  	[hbm4b:s9+s20] =	stream.linear.scatter [tilespmem:s18], [sflag:$0x3], $0x10, $0x38;
	[tilespmem:$0x7D10] =	vst v63  }
0x53: {  	_ =	swait.ge [sflag:s17], $0x10  }
0x54: {  	v3 =	vimm.f32 $0.0e+00;
	[sflag:s17] =	ssyncset.done $0x0  }
0x55: {  	s21 =	simm.s32 $0x0;
	v2 =	vimm.f32 $0.0e+00;
	v1 =	vimm.f32 $0.0e+00;
	v0 =	vimm.f32 $0.0e+00;
	[sflag:s17] =	ssyncadd.s32 $0xFFFFFFF0  }
.LBB2_10:
0x56: {  	s22 =	smul.u32 $0x1F4, s21;
	_ =	sdelay $0x1  }
0x57: {  	s23 =	sadd.s32 s6, s22;
	s22 =	sadd.s32 s22, s10  }
0x58: {  	s23 =	sshll.u32 s23, $0x3;
	s22 =	sshll.u32 s22, $0x3  }
0x59: {  	s23 =	sadd.s32 s3, s23;
	s22 =	sand.u32 $0x1FFFFFF0, s22  }
0x5a: {  	[tilespmem:s20], [sflag:$0x1] =	stream.linear.gather [hbm4b:s23+s20], $0x3E80, $0x38;
	[tilespmem:$0x7D10] =	vst v63  }
0x5b: {  	s22 =	sadd.s32 s3, s22  }
0x5c: {  	[tilespmem:s14], [sflag:$0x2] =	stream.linear.gather [hbm4b:s22+s20], $0x3E80, $0x38;
	[tilespmem:$0x7D10] =	vst v63  }
0x5d: {  	_ =	swait.ge [sflag:s15], $0x3E80  }
0x5e: {  	[sflag:s15] =	ssyncset.done $0x0  }
0x5f: {  	s31 =	simm.s32 $0x0;
	[sflag:s15] =	ssyncadd.s32 $0xFFFFC180  }
0x60: {  	v4 =	vld [tilespmem:s31+$0x30]  }
0x61: {  	v5 =	vld [tilespmem:s31+$0x0]  }
0x62: {  	v6 =	vld [tilespmem:s31+$0x10]  }
0x63: {  	v7 =	vld [tilespmem:s31+$0x20]  }
0x64: {  	s22 =	simm.s32 $0x100  }
.LBB2_11:
0x65: {  	s23 =	sshra.s32 s22, $0x2;
	p0 =	sne.s32 s22, $0xF900;
	s22 =	sadd.s32 $0x100, s22;
	v8 =	vmul.f32 v4, v4  }
.Ltmp4:
0x66: {  	v4 =	vld [tilespmem:s23+$0x30];
	v9 =	vmul.f32 v5, v5;
	(pc) =	sbr.rel @p0 .LBB2_11-.Ltmp4, $4  }
0x67: {  	v5 =	vld [tilespmem:s23+$0x0];
	v10 =	vmul.f32 v6, v6;
	v0 =	vadd.f32 v8, v0  }
0x68: {  	v6 =	vld [tilespmem:s23+$0x10];
	v3 =	vadd.f32 v9, v3;
	v8 =	vmul.f32 v7, v7  }
0x69: {  	v7 =	vld [tilespmem:s23+$0x20];
	v2 =	vadd.f32 v10, v2  }
0x6a: {  	v1 =	vadd.f32 v8, v1  }
0x6b: {  	_ =	swait.ge [sflag:s16], $0x3E80  }
0x6c: {  	[sflag:s16] =	ssyncset.done $0x0  }
0x6d: {  	s23 =	simm.s32 $0x0;
	[sflag:s16] =	ssyncadd.s32 $0xFFFFC180  }
0x6e: {  	v8 =	vmul.f32 v4, v4;
	v4 =	vld [tilespmem:s23+$0x3EB0]  }
0x6f: {  	v9 =	vmul.f32 v5, v5;
	v7 =	vmul.f32 v7, v7;
	v5 =	vld [tilespmem:s23+$0x3E80]  }
0x70: {  	v10 =	vmul.f32 v6, v6;
	v6 =	vld [tilespmem:s23+$0x3E90]  }
0x71: {  	v0 =	vadd.f32 v8, v0;
	v1 =	vadd.f32 v7, v1;
	v7 =	vld [tilespmem:s23+$0x3EA0]  }
0x72: {  	s22 =	simm.s32 $0x100;
	v3 =	vadd.f32 v9, v3;
	v2 =	vadd.f32 v10, v2  }
.LBB2_13:
0x73: {  	s23 =	sshra.s32 s22, $0x2;
	p0 =	sne.s32 s22, $0xF900;
	s22 =	sadd.s32 $0x100, s22;
	v8 =	vmul.f32 v4, v4  }
.Ltmp5:
0x74: {  	v4 =	vld [tilespmem:s23+$0x3EB0];
	v9 =	vmul.f32 v5, v5;
	(pc) =	sbr.rel @p0 .LBB2_13-.Ltmp5, $4  }
0x75: {  	v5 =	vld [tilespmem:s23+$0x3E80];
	v10 =	vmul.f32 v6, v6;
	v0 =	vadd.f32 v8, v0  }
0x76: {  	v6 =	vld [tilespmem:s23+$0x3E90];
	v3 =	vadd.f32 v9, v3;
	v8 =	vmul.f32 v7, v7  }
0x77: {  	v7 =	vld [tilespmem:s23+$0x3EA0];
	v2 =	vadd.f32 v10, v2  }
0x78: {  	v1 =	vadd.f32 v8, v1  }
0x79: {  	s21 =	sadd.s32 $0x1, s21  }
0x7a: {  	p0 =	sne.s32 s21, $0x3E  }
.Ltmp6:
0x7b: {  	_ = 	snop;
	(pc) =	sbr.rel @p0 .LBB2_10-.Ltmp6, $4  }
0x7c: {  	v4 =	vmul.f32 v4, v4;
	v5 =	vmul.f32 v5, v5  }
0x7d: {  	v6 =	vmul.f32 v6, v6;
	v7 =	vmul.f32 v7, v7  }
0x7e: {  	v0 =	vadd.f32 v4, v0;
	v3 =	vadd.f32 v5, v3  }
0x7f: {  	v2 =	vadd.f32 v6, v2;
	v1 =	vadd.f32 v7, v1  }
0x80: {  	s20 =	simm.s32 $0x0  }
0x81: {  	[tilespmem:s20], [sflag:$0x3] =	stream.linear.gather [hbm4b:s11+s20], $0x3E80, $0x38;
	[tilespmem:$0x7D10] =	vst v63  }
0x82: {  	_ =	swait.ge [sflag:s17], $0x3E80  }
0x83: {  	[sflag:s17] =	ssyncset.done $0x0  }
0x84: {  	s21 =	simm.s32 $0x0;
	[sflag:s17] =	ssyncadd.s32 $0xFFFFC180  }
0x85: {  	v4 =	vld [tilespmem:s21+$0x30]  }
0x86: {  	v5 =	vld [tilespmem:s21+$0x0]  }
0x87: {  	v7 =	vld [tilespmem:s21+$0x10]  }
0x88: {  	v6 =	vld [tilespmem:s21+$0x20]  }
0x89: {  	s20 =	simm.s32 $0x100  }
.LBB2_16:
0x8a: {  	s21 =	sshra.s32 s20, $0x2;
	p0 =	sne.s32 s20, $0xF900;
	s20 =	sadd.s32 $0x100, s20;
	v8 =	vmul.f32 v4, v4  }
.Ltmp7:
0x8b: {  	v4 =	vld [tilespmem:s21+$0x30];
	v9 =	vmul.f32 v5, v5;
	(pc) =	sbr.rel @p0 .LBB2_16-.Ltmp7, $4  }
0x8c: {  	v5 =	vld [tilespmem:s21+$0x0];
	v10 =	vmul.f32 v7, v7;
	v0 =	vadd.f32 v8, v0  }
0x8d: {  	v7 =	vld [tilespmem:s21+$0x10];
	v3 =	vadd.f32 v9, v3;
	v8 =	vmul.f32 v6, v6  }
0x8e: {  	v6 =	vld [tilespmem:s21+$0x20];
	v2 =	vadd.f32 v10, v2  }
0x8f: {  	v1 =	vadd.f32 v8, v1  }
0x90: {  	_ =	sdelay $0x1  }
0x91: {  	v5 =	vmul.f32 v5, v5;
	v7 =	vmul.f32 v7, v7;
	_ =	sdelay $0x1  }
0x92: {  	v3 =	vadd.f32 v5, v3;
	v63 =	vmul.f32 v6, v6;
	v2 =	vadd.f32 v7, v2;
	_ =	sdelay $0x1  }
0x93: {  	v4 =	vmul.f32 v4, v4;
	v1 =	vadd.f32 v63, v1;
	v2 =	vadd.f32 v2, v3;
	_ =	sdelay $0x1  }
0x94: {  	v0 =	vadd.f32 v4, v0;
	v1 =	vadd.f32 v1, v2;
	_ =	sdelay $0x1  }
0x95: {  	s19 =	sadd.s32 $0x1, s19;
	v0 =	vadd.f32 v0, v1  }
0x96: {  	p0 =	sne.s32 s19, s13  }
.Ltmp8:
0x97: {  	[tilespmem:$0x7D00] =	vst v0;
	(pc) =	sbr.rel @p0 .LBB2_1-.Ltmp8, $4  }
0x98: {  	[hbm4b:s12+s2] =	stream.linear.scatter [tilespmem:s18], [sflag:$0x3], $0x10, $0x38;
	[tilespmem:$0x7D10] =	vst v63  }
0x99: {  	_ =	swait.ge [sflag:s17], $0x10  }
0x9a: {  	[sflag:s17] =	ssyncset.done $0x0  }
0x9b: {  	[sflag:s17] =	ssyncadd.s32 $0xFFFFFFF0  }
0x9c: {  	_ =	sfence.sel $0x180000  }
0x9d: {  	[bflag:$0x0] =	sbarrier.arrive $0xFFFF  }
0x9e: {  	p0 =	sne.s32 s1, $0x0;
	_ =	strace $0x9000004A  }
0x9f: {  	s0 =	sadd.s32 @!p0 $0x100000, s0;
	[bflag:$0x2] =	sbarrier.arrive $0xFFFF  }
0xa0: {  	[sflag:s0] =	ssyncadd.tile.s32 @!p0 $0x1;
	_ =	shalt  }
.Lfunc_end2:
_tile_overlayer_lowered:
.L_overlay_start_2:
0xa1: {  	(tag) =	ssettag $0x2  }
0xa2: {  	s0 =	rddreg [dreg:$0x0];
	s2 =	stileid.u32  }
0xa3: {  	s1 =	rddreg [dreg:$0x1];
	p0 =	sne.s32 s2, $0x0  }
0xa4: {  	s3 =	rddreg [dreg:$0x2];
	[bflag:$0x3] =	sbarrier.arrive $0xFFFF;
	s2 =	simm.s32 @!p0 $0x1C03  }
0xa5: {  	[timem:s3], [sflag:s2] =	dma.local @!p0 [hbm:s0], s1  }
0xa6: {  	s0 =	simm.s32 @!p0 $0x3  }
0xa7: {  	_ =	swait.ge @!p0 [sflag:s0], s1  }
0xa8: {  	s1 =	ssub.s32 @!p0 $0x0, s1;
	[sflag:s0] =	ssyncset.done @!p0 $0x0  }
0xa9: {  	[sflag:s0] =	ssyncadd.s32 @!p0 s1  }
0xaa: {  	[bflag:$0x3] =	sbarrier.arrive $0xFFFF  }
0xab: {  	_ =	shalt  }

</sc_bundles>
